<compile_context>
chip_gen: v7x
topology: tpu7x:2x2x1
jax: 0.10.2.dev20260603
libtpu: 0.0.44.dev20260713+nightly
codegen_flags: <defaults>
</compile_context>

<pallas_src>
import functools

import jax
import jax.numpy as jnp
from jax import lax
from jax.experimental import pallas as pl
from jax.experimental.pallas import tpu as pltpu
from jax.experimental.pallas import tpu_sc as plsc

N = 10000
E = 320000
D = 128

NC = 2
NS = 16
NW = NC * NS

B_EPT = E // NW
B_K = 125
B_C = B_EPT // B_K
B_H = B_C // 2
B_S = 16

G_K = 100
G_C = B_EPT // G_K
GG = 5

NPAD = 10240
NPT = NPAD // NS
SCH = 40

_mesh = plsc.VectorSubcoreMesh(core_axis_name="c", subcore_axis_name="s")


@functools.partial(
    pl.kernel,
    mesh=_mesh,
    out_type=jax.ShapeDtypeStruct((NC, NPAD), jnp.float32),
    scratch_types=[
        pltpu.VMEM((112,), jnp.float32),
        pltpu.VMEM((G_C, G_K), jnp.int32),
        pltpu.VMEM((NPT,), jnp.float32),
        pltpu.VMEM_SHARED((NPAD,), jnp.float32),
        pltpu.SemaphoreType.DMA,
    ],
)
def _deg_kernel(src_hbm, hist_hbm, ones_v, didx_v, zbuf_v, hist_sh, dsem):
    c = lax.axis_index("c")
    s = lax.axis_index("s")

    for i in range(7):
        ones_v[pl.ds(i * 16, 16)] = jnp.full((16,), 1.0, jnp.float32)

    def _zero(i, carry):
        zbuf_v[pl.ds(i * 16, 16)] = jnp.zeros((16,), jnp.float32)
        return carry

    lax.fori_loop(0, NPT // 16, _zero, 0)
    pltpu.sync_copy(zbuf_v, hist_sh.at[pl.ds(s * NPT, NPT)])
    plsc.subcore_barrier()

    pltpu.sync_copy(src_hbm.at[c, s], didx_v)

    def _hd(j):
        return pltpu.make_async_copy(
            ones_v.at[pl.ds(0, G_K)], hist_sh.at[didx_v.at[j]], dsem)

    def _fire(base):
        for u in range(GG):
            _hd(base + u).start(add=True)

    def _drain(base):
        for u in range(GG):
            _hd(base + u).wait()

    _fire(0)

    def _hist(g, carry):
        _fire((g + 1) * GG)
        _drain(g * GG)
        return carry

    lax.fori_loop(0, G_C // GG - 1, _hist, 0)
    _drain(G_C - GG)
    plsc.subcore_barrier()

    pltpu.sync_copy(hist_sh.at[pl.ds(s * NPT, NPT)],
                    hist_hbm.at[c, pl.ds(s * NPT, NPT)])


@functools.partial(
    pl.kernel,
    mesh=_mesh,
    out_type=jax.ShapeDtypeStruct((NC, NPAD, D), jnp.float32),
    scratch_types=[
        pltpu.VMEM((B_H, B_K), jnp.int32),
        pltpu.VMEM((B_H, B_K), jnp.int32),
        pltpu.VMEM((2, B_K, D), jnp.float32),
        pltpu.VMEM_SHARED((NPAD, D), jnp.float32),
        pltpu.SemaphoreType.DMA,
    ],
)
def _agg_kernel(h_hbm, src_hbm, dst_hbm, out_hbm, src_v, dst_v, gbuf_v, acc_sh, gsem):
    c = lax.axis_index("c")
    s = lax.axis_index("s")

    def _zrow(r, carry):
        for q in range(D // 16):
            gbuf_v[0, r, pl.ds(q * 16, 16)] = jnp.zeros((16,), jnp.float32)
        return carry

    lax.fori_loop(0, B_K, _zrow, 0)
    for t in range(NPT // B_K):
        pltpu.sync_copy(gbuf_v.at[0], acc_sh.at[pl.ds(s * NPT + t * B_K, B_K)])
    pltpu.sync_copy(gbuf_v.at[0, pl.ds(0, NPT % B_K)],
                    acc_sh.at[pl.ds(s * NPT + (NPT // B_K) * B_K, NPT % B_K)])
    plsc.subcore_barrier()

    def _gd(j, b):
        return pltpu.make_async_copy(h_hbm.at[src_v.at[j]], gbuf_v.at[b], gsem)

    for half in range(2):
        pltpu.sync_copy(src_hbm.at[c, s, pl.ds(half * B_H, B_H)], src_v)
        pltpu.sync_copy(dst_hbm.at[c, s, pl.ds(half * B_H, B_H)], dst_v)

        _gd(0, 0).start()

        def _body(jo, carry):
            for b in range(2):
                j = jo * 2 + b
                if b == 0:
                    _gd(j + 1, 1).start()
                else:
                    @pl.when(jo != B_H // 2 - 1)
                    def _():
                        _gd(j + 1, 0).start()
                _gd(j, b).wait()
                pltpu.sync_copy(gbuf_v.at[b], acc_sh.at[dst_v.at[j]], add=True)
            return carry

        lax.fori_loop(0, B_H // 2, _body, 0)

    plsc.subcore_barrier()

    pltpu.sync_copy(acc_sh.at[pl.ds(s * NPT, NPT)], out_hbm.at[c, pl.ds(s * NPT, NPT)])


R = 2000


def _scale_body(h0_ref, h1_ref, x_ref, xs_ref, d_ref):
    dinv = 1.0 / jnp.maximum(h0_ref[...] + h1_ref[...], 1.0)
    xs_ref[...] = x_ref[...] * dinv
    d_ref[...] = dinv


_scale = pl.pallas_call(
    _scale_body,
    grid=(N // R,),
    in_specs=[
        pl.BlockSpec((R, 1), lambda i: (i, 0)),
        pl.BlockSpec((R, 1), lambda i: (i, 0)),
        pl.BlockSpec((R, D), lambda i: (i, 0)),
    ],
    out_specs=[
        pl.BlockSpec((R, D), lambda i: (i, 0)),
        pl.BlockSpec((R, 1), lambda i: (i, 0)),
    ],
    out_shape=[
        jax.ShapeDtypeStruct((N, D), jnp.float32),
        jax.ShapeDtypeStruct((N, 1), jnp.float32),
    ],
)


def _mid_body(p0_ref, p1_ref, b_ref, w_ref, d_ref, o_ref):
    h = lax.dot_general(
        p0_ref[...] + p1_ref[...], w_ref[...], (((1,), (1,)), ((), ())),
        precision=lax.Precision.HIGHEST,
        preferred_element_type=jnp.float32,
    )
    o_ref[...] = jnp.maximum(h + b_ref[...], 0.0) * d_ref[...]


_mid = pl.pallas_call(
    _mid_body,
    grid=(N // R,),
    in_specs=[
        pl.BlockSpec((R, D), lambda i: (i, 0)),
        pl.BlockSpec((R, D), lambda i: (i, 0)),
        pl.BlockSpec((1, D), lambda i: (0, 0)),
        pl.BlockSpec((D, D), lambda i: (0, 0)),
        pl.BlockSpec((R, 1), lambda i: (i, 0)),
    ],
    out_specs=pl.BlockSpec((R, D), lambda i: (i, 0)),
    out_shape=jax.ShapeDtypeStruct((N, D), jnp.float32),
)


def _out_body(q0_ref, q1_ref, b_ref, w_ref, o_ref):
    h = lax.dot_general(
        q0_ref[...] + q1_ref[...], w_ref[...], (((1,), (1,)), ((), ())),
        precision=lax.Precision.HIGHEST,
        preferred_element_type=jnp.float32,
    )
    o_ref[...] = h + b_ref[...]


_out = pl.pallas_call(
    _out_body,
    grid=(N // R,),
    in_specs=[
        pl.BlockSpec((R, D), lambda i: (i, 0)),
        pl.BlockSpec((R, D), lambda i: (i, 0)),
        pl.BlockSpec((1, D), lambda i: (0, 0)),
        pl.BlockSpec((D, D), lambda i: (0, 0)),
    ],
    out_specs=pl.BlockSpec((R, D), lambda i: (i, 0)),
    out_shape=jax.ShapeDtypeStruct((N, D), jnp.float32),
)


def kernel(x, edge_index, W1, b1, W2, b2):
    ei = edge_index.astype(jnp.int32)
    src, dst = ei[0], ei[1]
    src_b = src.reshape(NC, NS, B_C, B_K)
    dst_b = dst.reshape(NC, NS, B_C, B_K)
    src_g = src.reshape(NC, NS, G_C, G_K)

    hist = _deg_kernel(src_g)
    h0 = hist[0, :N].reshape(N, 1)
    h1 = hist[1, :N].reshape(N, 1)
    xs, dcol = _scale(h0, h1, x)
    p = _agg_kernel(xs, src_b, dst_b)
    hs = _mid(p[0, :N], p[1, :N], b1.reshape(1, D), W1, dcol)
    q = _agg_kernel(hs, src_b, dst_b)
    return _out(q[0, :N], q[1, :N], b2.reshape(1, D), W2)

# --- scband reference (transcript-rebuilt; emitter-appended) ---
"""Pipeline reference for scband-gcnencoder-86328842650113 (READ-ONLY COPY).

The authoritative reference and input builder live on the scoring server;
editing this copy changes nothing except your own understanding.
"""

import jax, jax.numpy as jnp
import numpy as np

N_NODES = 10000
N_EDGES = 320000
D_IN = 128
D_HID = 128
D_OUT = 128


def setup_inputs(seed: int = 0) -> dict:
    key = jax.random.key(seed)
    k1, k2, k3, k4, k5 = jax.random.split(key, 5)
    x = jax.random.normal(k1, (N_NODES, D_IN), dtype=jnp.float32)
    edge_index = jax.random.randint(k2, (2, N_EDGES), 0, N_NODES, dtype=jnp.int64)
    # Linear weights (torch nn.Linear stores W as [out, in]; y = x @ W.T)
    W1 = jax.random.normal(k3, (D_HID, D_IN), dtype=jnp.float32) * (1.0 / np.sqrt(D_IN))
    b1 = jnp.zeros((D_HID,), dtype=jnp.float32)
    W2 = jax.random.normal(k4, (D_OUT, D_HID), dtype=jnp.float32) * (1.0 / np.sqrt(D_HID))
    b2 = jnp.zeros((D_OUT,), dtype=jnp.float32)
    return {"x": x, "edge_index": edge_index, "W1": W1, "b1": b1, "W2": W2, "b2": b2}


def _out_degree_gcn_conv(x, edge_index, W, b):
    # x = self.lin(x)
    x = x @ W.T
    src = edge_index[0]
    dst = edge_index[1]
    n = x.shape[0]
    # deg = out-degree of src nodes
    deg = jnp.zeros((n,), dtype=x.dtype).at[src].add(jnp.ones((src.shape[0],), dtype=x.dtype))
    deg_inv = 1.0 / jnp.clip(deg, 1.0)
    x = x * deg_inv[:, None]
    # propagate with aggr='add': scatter-add messages x_j = x[src] into dst
    out = jnp.zeros_like(x).at[dst].add(x[src])
    if b is not None:
        out = out + b
    return out


def reference(x, edge_index, W1, b1, W2, b2):
    h = _out_degree_gcn_conv(x, edge_index, W1, b1)
    h = jax.nn.relu(h)
    # dropout p=0.0 -> identity
    out = _out_degree_gcn_conv(h, edge_index, W2, b2)
    return out

if __name__ == "__main__":
    import jax
    _d = setup_inputs()
    print(jax.jit(kernel)(*tuple(_d.values())))

</pallas_src>

<mosaic_0001>
#map = affine_map<(d0, d1) -> (0, 0)>
#map1 = affine_map<(d0, d1) -> (0, 0, 0, 0)>
#map2 = affine_map<(d0, d1) -> (0, 0, 0)>
module attributes {stable_mosaic.version = 14 : i64} {
  func.func @_agg_kernel(%arg0: i32, %arg1: i32, %arg2: memref<10000x128xf32, #tpu.memory_space<hbm>>, %arg3: memref<2x16x80x125xi32, #tpu.memory_space<hbm>>, %arg4: memref<2x16x80x125xi32, #tpu.memory_space<hbm>>, %arg5: memref<2x10240x128xf32, #tpu.memory_space<hbm>>, %arg6: memref<40x125xi32, #tpu.memory_space<vmem>>, %arg7: memref<40x125xi32, #tpu.memory_space<vmem>>, %arg8: memref<2x125x128xf32, #tpu.memory_space<vmem>>, %arg9: memref<10240x128xf32, #tpu.memory_space<vmem_shared>>, %arg10: memref<!tpu.dma_semaphore, #tpu.memory_space<semaphore_mem>>) attributes {dimension_semantics = [#tpu.dimension_semantics<core_parallel>, #tpu.dimension_semantics<subcore_parallel>], iteration_bounds = array<i64: 2, 16>, scalar_prefetch = 0 : i64, scratch_operands = 5 : i64, tpu.core_type = #tpu.core_type<sc_vector_subcore>, window_params = [{transform_indices = #map}, {transform_indices = #map1}, {transform_indices = #map1}, {transform_indices = #map2}]} {
    %scan3A = arith.constant 0 : i32
    %scan3A_0 = arith.constant 0 : i32
    %scan3A_1 = arith.constant 125 : i32
    %scan3A_2 = arith.addi %scan3A_0, %scan3A_1 : i32
    %scan3A_3 = arith.constant 1 : i32
    scf.for %scan3A_72 = %scan3A_0 to %scan3A_2 step %scan3A_3  : i32 {
      %broadcast_in_dim3A = arith.constant 0.000000e+00 : f32
      %broadcast_in_dim3A_73 = vector.broadcast %broadcast_in_dim3A : f32 to vector<16xf32>
      %swap3A = arith.constant 0 : i32
      %swap3A_74 = arith.index_cast %swap3A : i32 to index
      %swap3A_75 = arith.index_cast %scan3A_72 : i32 to index
      %swap3A_76 = arith.constant 0 : index
      %swap3A_77 = tpu.vector_load %arg8[%swap3A_74, %swap3A_75, %swap3A_76] {strides = array<i32>} : memref<2x125x128xf32, #tpu.memory_space<vmem>>, vector<1x1x16xf32>,
      %swap3A_78 = vector.shape_cast %swap3A_77 : vector<1x1x16xf32> to vector<16xf32>
      %swap3A_79 = vector.shape_cast %broadcast_in_dim3A_73 : vector<16xf32> to vector<1x1x16xf32>
      tpu.vector_store %arg8[%swap3A_74, %swap3A_75, %swap3A_76], %swap3A_79 {strides = array<i32>} : memref<2x125x128xf32, #tpu.memory_space<vmem>>, vector<1x1x16xf32>,
      %broadcast_in_dim3A_80 = arith.constant 0.000000e+00 : f32
      %broadcast_in_dim3A_81 = vector.broadcast %broadcast_in_dim3A_80 : f32 to vector<16xf32>
      %swap3A_82 = arith.constant 0 : i32
      %swap3A_83 = arith.index_cast %swap3A_82 : i32 to index
      %swap3A_84 = arith.index_cast %scan3A_72 : i32 to index
      %swap3A_85 = arith.constant 16 : index
      %swap3A_86 = tpu.vector_load %arg8[%swap3A_83, %swap3A_84, %swap3A_85] {strides = array<i32>} : memref<2x125x128xf32, #tpu.memory_space<vmem>>, vector<1x1x16xf32>,
      %swap3A_87 = vector.shape_cast %swap3A_86 : vector<1x1x16xf32> to vector<16xf32>
      %swap3A_88 = vector.shape_cast %broadcast_in_dim3A_81 : vector<16xf32> to vector<1x1x16xf32>
      tpu.vector_store %arg8[%swap3A_83, %swap3A_84, %swap3A_85], %swap3A_88 {strides = array<i32>} : memref<2x125x128xf32, #tpu.memory_space<vmem>>, vector<1x1x16xf32>,
      %broadcast_in_dim3A_89 = arith.constant 0.000000e+00 : f32
      %broadcast_in_dim3A_90 = vector.broadcast %broadcast_in_dim3A_89 : f32 to vector<16xf32>
      %swap3A_91 = arith.constant 0 : i32
      %swap3A_92 = arith.index_cast %swap3A_91 : i32 to index
      %swap3A_93 = arith.index_cast %scan3A_72 : i32 to index
      %swap3A_94 = arith.constant 32 : index
      %swap3A_95 = tpu.vector_load %arg8[%swap3A_92, %swap3A_93, %swap3A_94] {strides = array<i32>} : memref<2x125x128xf32, #tpu.memory_space<vmem>>, vector<1x1x16xf32>,
      %swap3A_96 = vector.shape_cast %swap3A_95 : vector<1x1x16xf32> to vector<16xf32>
      %swap3A_97 = vector.shape_cast %broadcast_in_dim3A_90 : vector<16xf32> to vector<1x1x16xf32>
      tpu.vector_store %arg8[%swap3A_92, %swap3A_93, %swap3A_94], %swap3A_97 {strides = array<i32>} : memref<2x125x128xf32, #tpu.memory_space<vmem>>, vector<1x1x16xf32>,
      %broadcast_in_dim3A_98 = arith.constant 0.000000e+00 : f32
      %broadcast_in_dim3A_99 = vector.broadcast %broadcast_in_dim3A_98 : f32 to vector<16xf32>
      %swap3A_100 = arith.constant 0 : i32
      %swap3A_101 = arith.index_cast %swap3A_100 : i32 to index
      %swap3A_102 = arith.index_cast %scan3A_72 : i32 to index
      %swap3A_103 = arith.constant 48 : index
      %swap3A_104 = tpu.vector_load %arg8[%swap3A_101, %swap3A_102, %swap3A_103] {strides = array<i32>} : memref<2x125x128xf32, #tpu.memory_space<vmem>>, vector<1x1x16xf32>,
      %swap3A_105 = vector.shape_cast %swap3A_104 : vector<1x1x16xf32> to vector<16xf32>
      %swap3A_106 = vector.shape_cast %broadcast_in_dim3A_99 : vector<16xf32> to vector<1x1x16xf32>
      tpu.vector_store %arg8[%swap3A_101, %swap3A_102, %swap3A_103], %swap3A_106 {strides = array<i32>} : memref<2x125x128xf32, #tpu.memory_space<vmem>>, vector<1x1x16xf32>,
      %broadcast_in_dim3A_107 = arith.constant 0.000000e+00 : f32
      %broadcast_in_dim3A_108 = vector.broadcast %broadcast_in_dim3A_107 : f32 to vector<16xf32>
      %swap3A_109 = arith.constant 0 : i32
      %swap3A_110 = arith.index_cast %swap3A_109 : i32 to index
      %swap3A_111 = arith.index_cast %scan3A_72 : i32 to index
      %swap3A_112 = arith.constant 64 : index
      %swap3A_113 = tpu.vector_load %arg8[%swap3A_110, %swap3A_111, %swap3A_112] {strides = array<i32>} : memref<2x125x128xf32, #tpu.memory_space<vmem>>, vector<1x1x16xf32>,
      %swap3A_114 = vector.shape_cast %swap3A_113 : vector<1x1x16xf32> to vector<16xf32>
      %swap3A_115 = vector.shape_cast %broadcast_in_dim3A_108 : vector<16xf32> to vector<1x1x16xf32>
      tpu.vector_store %arg8[%swap3A_110, %swap3A_111, %swap3A_112], %swap3A_115 {strides = array<i32>} : memref<2x125x128xf32, #tpu.memory_space<vmem>>, vector<1x1x16xf32>,
      %broadcast_in_dim3A_116 = arith.constant 0.000000e+00 : f32
      %broadcast_in_dim3A_117 = vector.broadcast %broadcast_in_dim3A_116 : f32 to vector<16xf32>
      %swap3A_118 = arith.constant 0 : i32
      %swap3A_119 = arith.index_cast %swap3A_118 : i32 to index
      %swap3A_120 = arith.index_cast %scan3A_72 : i32 to index
      %swap3A_121 = arith.constant 80 : index
      %swap3A_122 = tpu.vector_load %arg8[%swap3A_119, %swap3A_120, %swap3A_121] {strides = array<i32>} : memref<2x125x128xf32, #tpu.memory_space<vmem>>, vector<1x1x16xf32>,
      %swap3A_123 = vector.shape_cast %swap3A_122 : vector<1x1x16xf32> to vector<16xf32>
      %swap3A_124 = vector.shape_cast %broadcast_in_dim3A_117 : vector<16xf32> to vector<1x1x16xf32>
      tpu.vector_store %arg8[%swap3A_119, %swap3A_120, %swap3A_121], %swap3A_124 {strides = array<i32>} : memref<2x125x128xf32, #tpu.memory_space<vmem>>, vector<1x1x16xf32>,
      %broadcast_in_dim3A_125 = arith.constant 0.000000e+00 : f32
      %broadcast_in_dim3A_126 = vector.broadcast %broadcast_in_dim3A_125 : f32 to vector<16xf32>
      %swap3A_127 = arith.constant 0 : i32
      %swap3A_128 = arith.index_cast %swap3A_127 : i32 to index
      %swap3A_129 = arith.index_cast %scan3A_72 : i32 to index
      %swap3A_130 = arith.constant 96 : index
      %swap3A_131 = tpu.vector_load %arg8[%swap3A_128, %swap3A_129, %swap3A_130] {strides = array<i32>} : memref<2x125x128xf32, #tpu.memory_space<vmem>>, vector<1x1x16xf32>,
      %swap3A_132 = vector.shape_cast %swap3A_131 : vector<1x1x16xf32> to vector<16xf32>
      %swap3A_133 = vector.shape_cast %broadcast_in_dim3A_126 : vector<16xf32> to vector<1x1x16xf32>
      tpu.vector_store %arg8[%swap3A_128, %swap3A_129, %swap3A_130], %swap3A_133 {strides = array<i32>} : memref<2x125x128xf32, #tpu.memory_space<vmem>>, vector<1x1x16xf32>,
      %broadcast_in_dim3A_134 = arith.constant 0.000000e+00 : f32
      %broadcast_in_dim3A_135 = vector.broadcast %broadcast_in_dim3A_134 : f32 to vector<16xf32>
      %swap3A_136 = arith.constant 0 : i32
      %swap3A_137 = arith.index_cast %swap3A_136 : i32 to index
      %swap3A_138 = arith.index_cast %scan3A_72 : i32 to index
      %swap3A_139 = arith.constant 112 : index
      %swap3A_140 = tpu.vector_load %arg8[%swap3A_137, %swap3A_138, %swap3A_139] {strides = array<i32>} : memref<2x125x128xf32, #tpu.memory_space<vmem>>, vector<1x1x16xf32>,
      %swap3A_141 = vector.shape_cast %swap3A_140 : vector<1x1x16xf32> to vector<16xf32>
      %swap3A_142 = vector.shape_cast %broadcast_in_dim3A_135 : vector<16xf32> to vector<1x1x16xf32>
      tpu.vector_store %arg8[%swap3A_137, %swap3A_138, %swap3A_139], %swap3A_142 {strides = array<i32>} : memref<2x125x128xf32, #tpu.memory_space<vmem>>, vector<1x1x16xf32>,
    }
    %scan3A_4 = arith.constant 125 : i32
    %mul3A = arith.constant 640 : i32
    %mul3A_5 = arith.muli %arg1, %mul3A : i32
    %add3A = arith.constant 0 : i32
    %add3A_6 = arith.addi %mul3A_5, %add3A : i32
    %run_scoped3A = arith.constant 0 : i32
    "tpu.region"() ({
      %run_scoped3A_72 = tpu.sem_alloc : memref<!tpu.dma_semaphore, #tpu.memory_space<semaphore_mem>>
      %dma_start3A_73 = arith.constant 0 : i32
      %dma_start3A_74 = arith.constant 0 : i32
      %dma_start3A_75 = tpu.memref_slice %arg8[%run_scoped3A, %dma_start3A_73, %dma_start3A_74] : memref<2x125x128xf32, #tpu.memory_space<vmem>> -> memref<1x125x128xf32, #tpu.memory_space<vmem>>
      %dma_start3A_76 = tpu.memref_squeeze %dma_start3A_75 : memref<1x125x128xf32, #tpu.memory_space<vmem>> -> memref<125x128xf32, #tpu.memory_space<vmem>>
      %dma_start3A_77 = arith.constant 0 : i32
      %dma_start3A_78 = tpu.memref_slice %arg9[%add3A_6, %dma_start3A_77] : memref<10240x128xf32, #tpu.memory_space<vmem_shared>> -> memref<125x128xf32, #tpu.memory_space<vmem_shared>>
      %dma_start3A_79 = arith.constant 0 : i32
      %dma_start3A_80 = tpu.memref_slice %arg9[%add3A_6, %dma_start3A_79] : memref<10240x128xf32, #tpu.memory_space<vmem_shared>> -> memref<125x128xf32, #tpu.memory_space<vmem_shared>>
      %dma_start3A_81 = arith.constant 0 : i32
      %dma_start3A_82 = arith.constant 0 : i32
      %dma_start3A_83 = tpu.memref_slice %arg8[%run_scoped3A, %dma_start3A_81, %dma_start3A_82] : memref<2x125x128xf32, #tpu.memory_space<vmem>> -> memref<1x125x128xf32, #tpu.memory_space<vmem>>
      %dma_start3A_84 = tpu.memref_squeeze %dma_start3A_83 : memref<1x125x128xf32, #tpu.memory_space<vmem>> -> memref<125x128xf32, #tpu.memory_space<vmem>>
      tpu.enqueue_dma source(%dma_start3A_84 : memref<125x128xf32, #tpu.memory_space<vmem>>) target(%dma_start3A_80 : memref<125x128xf32, #tpu.memory_space<vmem_shared>>) target_semaphore(%run_scoped3A_72 : memref<!tpu.dma_semaphore, #tpu.memory_space<semaphore_mem>>)
      %dma_wait3A = arith.constant 0 : i32
      %dma_wait3A_85 = arith.constant 0 : i32
      %dma_wait3A_86 = tpu.memref_slice %arg8[%run_scoped3A, %dma_wait3A, %dma_wait3A_85] : memref<2x125x128xf32, #tpu.memory_space<vmem>> -> memref<1x125x128xf32, #tpu.memory_space<vmem>>
      %dma_wait3A_87 = tpu.memref_squeeze %dma_wait3A_86 : memref<1x125x128xf32, #tpu.memory_space<vmem>> -> memref<125x128xf32, #tpu.memory_space<vmem>>
      %dma_wait3A_88 = arith.constant 0 : i32
      %dma_wait3A_89 = tpu.memref_slice %arg9[%add3A_6, %dma_wait3A_88] : memref<10240x128xf32, #tpu.memory_space<vmem_shared>> -> memref<125x128xf32, #tpu.memory_space<vmem_shared>>
      %dma_wait3A_90 = arith.constant 0 : i32
      %dma_wait3A_91 = tpu.memref_slice %arg9[%add3A_6, %dma_wait3A_90] : memref<10240x128xf32, #tpu.memory_space<vmem_shared>> -> memref<125x128xf32, #tpu.memory_space<vmem_shared>>
      %dma_wait3A_92 = arith.constant 0 : i32
      %dma_wait3A_93 = arith.constant 0 : i32
      %dma_wait3A_94 = tpu.memref_slice %arg8[%run_scoped3A, %dma_wait3A_92, %dma_wait3A_93] : memref<2x125x128xf32, #tpu.memory_space<vmem>> -> memref<1x125x128xf32, #tpu.memory_space<vmem>>
      %dma_wait3A_95 = tpu.memref_squeeze %dma_wait3A_94 : memref<1x125x128xf32, #tpu.memory_space<vmem>> -> memref<125x128xf32, #tpu.memory_space<vmem>>
      tpu.wait_dma2 semaphore(%run_scoped3A_72 : memref<!tpu.dma_semaphore, #tpu.memory_space<semaphore_mem>>) src(%dma_wait3A_95 : memref<125x128xf32, #tpu.memory_space<vmem>>) dst(%dma_wait3A_91 : memref<125x128xf32, #tpu.memory_space<vmem_shared>>)
      tpu.yield
    }) : () -> ()
    %mul3A_7 = arith.constant 640 : i32
    %mul3A_8 = arith.muli %arg1, %mul3A_7 : i32
    %add3A_9 = arith.constant 125 : i32
    %add3A_10 = arith.addi %mul3A_8, %add3A_9 : i32
    %run_scoped3A_11 = arith.constant 0 : i32
    "tpu.region"() ({
      %run_scoped3A_72 = tpu.sem_alloc : memref<!tpu.dma_semaphore, #tpu.memory_space<semaphore_mem>>
      %dma_start3A_73 = arith.constant 0 : i32
      %dma_start3A_74 = arith.constant 0 : i32
      %dma_start3A_75 = tpu.memref_slice %arg8[%run_scoped3A_11, %dma_start3A_73, %dma_start3A_74] : memref<2x125x128xf32, #tpu.memory_space<vmem>> -> memref<1x125x128xf32, #tpu.memory_space<vmem>>
      %dma_start3A_76 = tpu.memref_squeeze %dma_start3A_75 : memref<1x125x128xf32, #tpu.memory_space<vmem>> -> memref<125x128xf32, #tpu.memory_space<vmem>>
      %dma_start3A_77 = arith.constant 0 : i32
      %dma_start3A_78 = tpu.memref_slice %arg9[%add3A_10, %dma_start3A_77] : memref<10240x128xf32, #tpu.memory_space<vmem_shared>> -> memref<125x128xf32, #tpu.memory_space<vmem_shared>>
      %dma_start3A_79 = arith.constant 0 : i32
      %dma_start3A_80 = tpu.memref_slice %arg9[%add3A_10, %dma_start3A_79] : memref<10240x128xf32, #tpu.memory_space<vmem_shared>> -> memref<125x128xf32, #tpu.memory_space<vmem_shared>>
      %dma_start3A_81 = arith.constant 0 : i32
      %dma_start3A_82 = arith.constant 0 : i32
      %dma_start3A_83 = tpu.memref_slice %arg8[%run_scoped3A_11, %dma_start3A_81, %dma_start3A_82] : memref<2x125x128xf32, #tpu.memory_space<vmem>> -> memref<1x125x128xf32, #tpu.memory_space<vmem>>
      %dma_start3A_84 = tpu.memref_squeeze %dma_start3A_83 : memref<1x125x128xf32, #tpu.memory_space<vmem>> -> memref<125x128xf32, #tpu.memory_space<vmem>>
      tpu.enqueue_dma source(%dma_start3A_84 : memref<125x128xf32, #tpu.memory_space<vmem>>) target(%dma_start3A_80 : memref<125x128xf32, #tpu.memory_space<vmem_shared>>) target_semaphore(%run_scoped3A_72 : memref<!tpu.dma_semaphore, #tpu.memory_space<semaphore_mem>>)
      %dma_wait3A = arith.constant 0 : i32
      %dma_wait3A_85 = arith.constant 0 : i32
      %dma_wait3A_86 = tpu.memref_slice %arg8[%run_scoped3A_11, %dma_wait3A, %dma_wait3A_85] : memref<2x125x128xf32, #tpu.memory_space<vmem>> -> memref<1x125x128xf32, #tpu.memory_space<vmem>>
      %dma_wait3A_87 = tpu.memref_squeeze %dma_wait3A_86 : memref<1x125x128xf32, #tpu.memory_space<vmem>> -> memref<125x128xf32, #tpu.memory_space<vmem>>
      %dma_wait3A_88 = arith.constant 0 : i32
      %dma_wait3A_89 = tpu.memref_slice %arg9[%add3A_10, %dma_wait3A_88] : memref<10240x128xf32, #tpu.memory_space<vmem_shared>> -> memref<125x128xf32, #tpu.memory_space<vmem_shared>>
      %dma_wait3A_90 = arith.constant 0 : i32
      %dma_wait3A_91 = tpu.memref_slice %arg9[%add3A_10, %dma_wait3A_90] : memref<10240x128xf32, #tpu.memory_space<vmem_shared>> -> memref<125x128xf32, #tpu.memory_space<vmem_shared>>
      %dma_wait3A_92 = arith.constant 0 : i32
      %dma_wait3A_93 = arith.constant 0 : i32
      %dma_wait3A_94 = tpu.memref_slice %arg8[%run_scoped3A_11, %dma_wait3A_92, %dma_wait3A_93] : memref<2x125x128xf32, #tpu.memory_space<vmem>> -> memref<1x125x128xf32, #tpu.memory_space<vmem>>
      %dma_wait3A_95 = tpu.memref_squeeze %dma_wait3A_94 : memref<1x125x128xf32, #tpu.memory_space<vmem>> -> memref<125x128xf32, #tpu.memory_space<vmem>>
      tpu.wait_dma2 semaphore(%run_scoped3A_72 : memref<!tpu.dma_semaphore, #tpu.memory_space<semaphore_mem>>) src(%dma_wait3A_95 : memref<125x128xf32, #tpu.memory_space<vmem>>) dst(%dma_wait3A_91 : memref<125x128xf32, #tpu.memory_space<vmem_shared>>)
      tpu.yield
    }) : () -> ()
    %mul3A_12 = arith.constant 640 : i32
    %mul3A_13 = arith.muli %arg1, %mul3A_12 : i32
    %add3A_14 = arith.constant 250 : i32
    %add3A_15 = arith.addi %mul3A_13, %add3A_14 : i32
    %run_scoped3A_16 = arith.constant 0 : i32
    "tpu.region"() ({
      %run_scoped3A_72 = tpu.sem_alloc : memref<!tpu.dma_semaphore, #tpu.memory_space<semaphore_mem>>
      %dma_start3A_73 = arith.constant 0 : i32
      %dma_start3A_74 = arith.constant 0 : i32
      %dma_start3A_75 = tpu.memref_slice %arg8[%run_scoped3A_16, %dma_start3A_73, %dma_start3A_74] : memref<2x125x128xf32, #tpu.memory_space<vmem>> -> memref<1x125x128xf32, #tpu.memory_space<vmem>>
      %dma_start3A_76 = tpu.memref_squeeze %dma_start3A_75 : memref<1x125x128xf32, #tpu.memory_space<vmem>> -> memref<125x128xf32, #tpu.memory_space<vmem>>
      %dma_start3A_77 = arith.constant 0 : i32
      %dma_start3A_78 = tpu.memref_slice %arg9[%add3A_15, %dma_start3A_77] : memref<10240x128xf32, #tpu.memory_space<vmem_shared>> -> memref<125x128xf32, #tpu.memory_space<vmem_shared>>
      %dma_start3A_79 = arith.constant 0 : i32
      %dma_start3A_80 = tpu.memref_slice %arg9[%add3A_15, %dma_start3A_79] : memref<10240x128xf32, #tpu.memory_space<vmem_shared>> -> memref<125x128xf32, #tpu.memory_space<vmem_shared>>
      %dma_start3A_81 = arith.constant 0 : i32
      %dma_start3A_82 = arith.constant 0 : i32
      %dma_start3A_83 = tpu.memref_slice %arg8[%run_scoped3A_16, %dma_start3A_81, %dma_start3A_82] : memref<2x125x128xf32, #tpu.memory_space<vmem>> -> memref<1x125x128xf32, #tpu.memory_space<vmem>>
      %dma_start3A_84 = tpu.memref_squeeze %dma_start3A_83 : memref<1x125x128xf32, #tpu.memory_space<vmem>> -> memref<125x128xf32, #tpu.memory_space<vmem>>
      tpu.enqueue_dma source(%dma_start3A_84 : memref<125x128xf32, #tpu.memory_space<vmem>>) target(%dma_start3A_80 : memref<125x128xf32, #tpu.memory_space<vmem_shared>>) target_semaphore(%run_scoped3A_72 : memref<!tpu.dma_semaphore, #tpu.memory_space<semaphore_mem>>)
      %dma_wait3A = arith.constant 0 : i32
      %dma_wait3A_85 = arith.constant 0 : i32
      %dma_wait3A_86 = tpu.memref_slice %arg8[%run_scoped3A_16, %dma_wait3A, %dma_wait3A_85] : memref<2x125x128xf32, #tpu.memory_space<vmem>> -> memref<1x125x128xf32, #tpu.memory_space<vmem>>
      %dma_wait3A_87 = tpu.memref_squeeze %dma_wait3A_86 : memref<1x125x128xf32, #tpu.memory_space<vmem>> -> memref<125x128xf32, #tpu.memory_space<vmem>>
      %dma_wait3A_88 = arith.constant 0 : i32
      %dma_wait3A_89 = tpu.memref_slice %arg9[%add3A_15, %dma_wait3A_88] : memref<10240x128xf32, #tpu.memory_space<vmem_shared>> -> memref<125x128xf32, #tpu.memory_space<vmem_shared>>
      %dma_wait3A_90 = arith.constant 0 : i32
      %dma_wait3A_91 = tpu.memref_slice %arg9[%add3A_15, %dma_wait3A_90] : memref<10240x128xf32, #tpu.memory_space<vmem_shared>> -> memref<125x128xf32, #tpu.memory_space<vmem_shared>>
      %dma_wait3A_92 = arith.constant 0 : i32
      %dma_wait3A_93 = arith.constant 0 : i32
      %dma_wait3A_94 = tpu.memref_slice %arg8[%run_scoped3A_16, %dma_wait3A_92, %dma_wait3A_93] : memref<2x125x128xf32, #tpu.memory_space<vmem>> -> memref<1x125x128xf32, #tpu.memory_space<vmem>>
      %dma_wait3A_95 = tpu.memref_squeeze %dma_wait3A_94 : memref<1x125x128xf32, #tpu.memory_space<vmem>> -> memref<125x128xf32, #tpu.memory_space<vmem>>
      tpu.wait_dma2 semaphore(%run_scoped3A_72 : memref<!tpu.dma_semaphore, #tpu.memory_space<semaphore_mem>>) src(%dma_wait3A_95 : memref<125x128xf32, #tpu.memory_space<vmem>>) dst(%dma_wait3A_91 : memref<125x128xf32, #tpu.memory_space<vmem_shared>>)
      tpu.yield
    }) : () -> ()
    %mul3A_17 = arith.constant 640 : i32
    %mul3A_18 = arith.muli %arg1, %mul3A_17 : i32
    %add3A_19 = arith.constant 375 : i32
    %add3A_20 = arith.addi %mul3A_18, %add3A_19 : i32
    %run_scoped3A_21 = arith.constant 0 : i32
    "tpu.region"() ({
      %run_scoped3A_72 = tpu.sem_alloc : memref<!tpu.dma_semaphore, #tpu.memory_space<semaphore_mem>>
      %dma_start3A_73 = arith.constant 0 : i32
      %dma_start3A_74 = arith.constant 0 : i32
      %dma_start3A_75 = tpu.memref_slice %arg8[%run_scoped3A_21, %dma_start3A_73, %dma_start3A_74] : memref<2x125x128xf32, #tpu.memory_space<vmem>> -> memref<1x125x128xf32, #tpu.memory_space<vmem>>
      %dma_start3A_76 = tpu.memref_squeeze %dma_start3A_75 : memref<1x125x128xf32, #tpu.memory_space<vmem>> -> memref<125x128xf32, #tpu.memory_space<vmem>>
      %dma_start3A_77 = arith.constant 0 : i32
      %dma_start3A_78 = tpu.memref_slice %arg9[%add3A_20, %dma_start3A_77] : memref<10240x128xf32, #tpu.memory_space<vmem_shared>> -> memref<125x128xf32, #tpu.memory_space<vmem_shared>>
      %dma_start3A_79 = arith.constant 0 : i32
      %dma_start3A_80 = tpu.memref_slice %arg9[%add3A_20, %dma_start3A_79] : memref<10240x128xf32, #tpu.memory_space<vmem_shared>> -> memref<125x128xf32, #tpu.memory_space<vmem_shared>>
      %dma_start3A_81 = arith.constant 0 : i32
      %dma_start3A_82 = arith.constant 0 : i32
      %dma_start3A_83 = tpu.memref_slice %arg8[%run_scoped3A_21, %dma_start3A_81, %dma_start3A_82] : memref<2x125x128xf32, #tpu.memory_space<vmem>> -> memref<1x125x128xf32, #tpu.memory_space<vmem>>
      %dma_start3A_84 = tpu.memref_squeeze %dma_start3A_83 : memref<1x125x128xf32, #tpu.memory_space<vmem>> -> memref<125x128xf32, #tpu.memory_space<vmem>>
      tpu.enqueue_dma source(%dma_start3A_84 : memref<125x128xf32, #tpu.memory_space<vmem>>) target(%dma_start3A_80 : memref<125x128xf32, #tpu.memory_space<vmem_shared>>) target_semaphore(%run_scoped3A_72 : memref<!tpu.dma_semaphore, #tpu.memory_space<semaphore_mem>>)
      %dma_wait3A = arith.constant 0 : i32
      %dma_wait3A_85 = arith.constant 0 : i32
      %dma_wait3A_86 = tpu.memref_slice %arg8[%run_scoped3A_21, %dma_wait3A, %dma_wait3A_85] : memref<2x125x128xf32, #tpu.memory_space<vmem>> -> memref<1x125x128xf32, #tpu.memory_space<vmem>>
      %dma_wait3A_87 = tpu.memref_squeeze %dma_wait3A_86 : memref<1x125x128xf32, #tpu.memory_space<vmem>> -> memref<125x128xf32, #tpu.memory_space<vmem>>
      %dma_wait3A_88 = arith.constant 0 : i32
      %dma_wait3A_89 = tpu.memref_slice %arg9[%add3A_20, %dma_wait3A_88] : memref<10240x128xf32, #tpu.memory_space<vmem_shared>> -> memref<125x128xf32, #tpu.memory_space<vmem_shared>>
      %dma_wait3A_90 = arith.constant 0 : i32
      %dma_wait3A_91 = tpu.memref_slice %arg9[%add3A_20, %dma_wait3A_90] : memref<10240x128xf32, #tpu.memory_space<vmem_shared>> -> memref<125x128xf32, #tpu.memory_space<vmem_shared>>
      %dma_wait3A_92 = arith.constant 0 : i32
      %dma_wait3A_93 = arith.constant 0 : i32
      %dma_wait3A_94 = tpu.memref_slice %arg8[%run_scoped3A_21, %dma_wait3A_92, %dma_wait3A_93] : memref<2x125x128xf32, #tpu.memory_space<vmem>> -> memref<1x125x128xf32, #tpu.memory_space<vmem>>
      %dma_wait3A_95 = tpu.memref_squeeze %dma_wait3A_94 : memref<1x125x128xf32, #tpu.memory_space<vmem>> -> memref<125x128xf32, #tpu.memory_space<vmem>>
      tpu.wait_dma2 semaphore(%run_scoped3A_72 : memref<!tpu.dma_semaphore, #tpu.memory_space<semaphore_mem>>) src(%dma_wait3A_95 : memref<125x128xf32, #tpu.memory_space<vmem>>) dst(%dma_wait3A_91 : memref<125x128xf32, #tpu.memory_space<vmem_shared>>)
      tpu.yield
    }) : () -> ()
    %mul3A_22 = arith.constant 640 : i32
    %mul3A_23 = arith.muli %arg1, %mul3A_22 : i32
    %add3A_24 = arith.constant 500 : i32
    %add3A_25 = arith.addi %mul3A_23, %add3A_24 : i32
    %run_scoped3A_26 = arith.constant 0 : i32
    "tpu.region"() ({
      %run_scoped3A_72 = tpu.sem_alloc : memref<!tpu.dma_semaphore, #tpu.memory_space<semaphore_mem>>
      %dma_start3A_73 = arith.constant 0 : i32
      %dma_start3A_74 = arith.constant 0 : i32
      %dma_start3A_75 = tpu.memref_slice %arg8[%run_scoped3A_26, %dma_start3A_73, %dma_start3A_74] : memref<2x125x128xf32, #tpu.memory_space<vmem>> -> memref<1x125x128xf32, #tpu.memory_space<vmem>>
      %dma_start3A_76 = tpu.memref_squeeze %dma_start3A_75 : memref<1x125x128xf32, #tpu.memory_space<vmem>> -> memref<125x128xf32, #tpu.memory_space<vmem>>
      %dma_start3A_77 = arith.constant 0 : i32
      %dma_start3A_78 = tpu.memref_slice %arg9[%add3A_25, %dma_start3A_77] : memref<10240x128xf32, #tpu.memory_space<vmem_shared>> -> memref<125x128xf32, #tpu.memory_space<vmem_shared>>
      %dma_start3A_79 = arith.constant 0 : i32
      %dma_start3A_80 = tpu.memref_slice %arg9[%add3A_25, %dma_start3A_79] : memref<10240x128xf32, #tpu.memory_space<vmem_shared>> -> memref<125x128xf32, #tpu.memory_space<vmem_shared>>
      %dma_start3A_81 = arith.constant 0 : i32
      %dma_start3A_82 = arith.constant 0 : i32
      %dma_start3A_83 = tpu.memref_slice %arg8[%run_scoped3A_26, %dma_start3A_81, %dma_start3A_82] : memref<2x125x128xf32, #tpu.memory_space<vmem>> -> memref<1x125x128xf32, #tpu.memory_space<vmem>>
      %dma_start3A_84 = tpu.memref_squeeze %dma_start3A_83 : memref<1x125x128xf32, #tpu.memory_space<vmem>> -> memref<125x128xf32, #tpu.memory_space<vmem>>
      tpu.enqueue_dma source(%dma_start3A_84 : memref<125x128xf32, #tpu.memory_space<vmem>>) target(%dma_start3A_80 : memref<125x128xf32, #tpu.memory_space<vmem_shared>>) target_semaphore(%run_scoped3A_72 : memref<!tpu.dma_semaphore, #tpu.memory_space<semaphore_mem>>)
      %dma_wait3A = arith.constant 0 : i32
      %dma_wait3A_85 = arith.constant 0 : i32
      %dma_wait3A_86 = tpu.memref_slice %arg8[%run_scoped3A_26, %dma_wait3A, %dma_wait3A_85] : memref<2x125x128xf32, #tpu.memory_space<vmem>> -> memref<1x125x128xf32, #tpu.memory_space<vmem>>
      %dma_wait3A_87 = tpu.memref_squeeze %dma_wait3A_86 : memref<1x125x128xf32, #tpu.memory_space<vmem>> -> memref<125x128xf32, #tpu.memory_space<vmem>>
      %dma_wait3A_88 = arith.constant 0 : i32
      %dma_wait3A_89 = tpu.memref_slice %arg9[%add3A_25, %dma_wait3A_88] : memref<10240x128xf32, #tpu.memory_space<vmem_shared>> -> memref<125x128xf32, #tpu.memory_space<vmem_shared>>
      %dma_wait3A_90 = arith.constant 0 : i32
      %dma_wait3A_91 = tpu.memref_slice %arg9[%add3A_25, %dma_wait3A_90] : memref<10240x128xf32, #tpu.memory_space<vmem_shared>> -> memref<125x128xf32, #tpu.memory_space<vmem_shared>>
      %dma_wait3A_92 = arith.constant 0 : i32
      %dma_wait3A_93 = arith.constant 0 : i32
      %dma_wait3A_94 = tpu.memref_slice %arg8[%run_scoped3A_26, %dma_wait3A_92, %dma_wait3A_93] : memref<2x125x128xf32, #tpu.memory_space<vmem>> -> memref<1x125x128xf32, #tpu.memory_space<vmem>>
      %dma_wait3A_95 = tpu.memref_squeeze %dma_wait3A_94 : memref<1x125x128xf32, #tpu.memory_space<vmem>> -> memref<125x128xf32, #tpu.memory_space<vmem>>
      tpu.wait_dma2 semaphore(%run_scoped3A_72 : memref<!tpu.dma_semaphore, #tpu.memory_space<semaphore_mem>>) src(%dma_wait3A_95 : memref<125x128xf32, #tpu.memory_space<vmem>>) dst(%dma_wait3A_91 : memref<125x128xf32, #tpu.memory_space<vmem_shared>>)
      tpu.yield
    }) : () -> ()
    %mul3A_27 = arith.constant 640 : i32
    %mul3A_28 = arith.muli %arg1, %mul3A_27 : i32
    %add3A_29 = arith.constant 625 : i32
    %add3A_30 = arith.addi %mul3A_28, %add3A_29 : i32
    %run_scoped3A_31 = arith.constant 0 : i32
    "tpu.region"() ({
      %run_scoped3A_72 = tpu.sem_alloc : memref<!tpu.dma_semaphore, #tpu.memory_space<semaphore_mem>>
      %dma_start3A_73 = arith.constant 0 : i32
      %dma_start3A_74 = arith.constant 0 : i32
      %dma_start3A_75 = tpu.memref_slice %arg8[%run_scoped3A_31, %dma_start3A_73, %dma_start3A_74] : memref<2x125x128xf32, #tpu.memory_space<vmem>> -> memref<1x15x128xf32, #tpu.memory_space<vmem>>
      %dma_start3A_76 = tpu.memref_squeeze %dma_start3A_75 : memref<1x15x128xf32, #tpu.memory_space<vmem>> -> memref<15x128xf32, #tpu.memory_space<vmem>>
      %dma_start3A_77 = arith.constant 0 : i32
      %dma_start3A_78 = tpu.memref_slice %arg9[%add3A_30, %dma_start3A_77] : memref<10240x128xf32, #tpu.memory_space<vmem_shared>> -> memref<15x128xf32, #tpu.memory_space<vmem_shared>>
      %dma_start3A_79 = arith.constant 0 : i32
      %dma_start3A_80 = tpu.memref_slice %arg9[%add3A_30, %dma_start3A_79] : memref<10240x128xf32, #tpu.memory_space<vmem_shared>> -> memref<15x128xf32, #tpu.memory_space<vmem_shared>>
      %dma_start3A_81 = arith.constant 0 : i32
      %dma_start3A_82 = arith.constant 0 : i32
      %dma_start3A_83 = tpu.memref_slice %arg8[%run_scoped3A_31, %dma_start3A_81, %dma_start3A_82] : memref<2x125x128xf32, #tpu.memory_space<vmem>> -> memref<1x15x128xf32, #tpu.memory_space<vmem>>
      %dma_start3A_84 = tpu.memref_squeeze %dma_start3A_83 : memref<1x15x128xf32, #tpu.memory_space<vmem>> -> memref<15x128xf32, #tpu.memory_space<vmem>>
      tpu.enqueue_dma source(%dma_start3A_84 : memref<15x128xf32, #tpu.memory_space<vmem>>) target(%dma_start3A_80 : memref<15x128xf32, #tpu.memory_space<vmem_shared>>) target_semaphore(%run_scoped3A_72 : memref<!tpu.dma_semaphore, #tpu.memory_space<semaphore_mem>>)
      %dma_wait3A = arith.constant 0 : i32
      %dma_wait3A_85 = arith.constant 0 : i32
      %dma_wait3A_86 = tpu.memref_slice %arg8[%run_scoped3A_31, %dma_wait3A, %dma_wait3A_85] : memref<2x125x128xf32, #tpu.memory_space<vmem>> -> memref<1x15x128xf32, #tpu.memory_space<vmem>>
      %dma_wait3A_87 = tpu.memref_squeeze %dma_wait3A_86 : memref<1x15x128xf32, #tpu.memory_space<vmem>> -> memref<15x128xf32, #tpu.memory_space<vmem>>
      %dma_wait3A_88 = arith.constant 0 : i32
      %dma_wait3A_89 = tpu.memref_slice %arg9[%add3A_30, %dma_wait3A_88] : memref<10240x128xf32, #tpu.memory_space<vmem_shared>> -> memref<15x128xf32, #tpu.memory_space<vmem_shared>>
      %dma_wait3A_90 = arith.constant 0 : i32
      %dma_wait3A_91 = tpu.memref_slice %arg9[%add3A_30, %dma_wait3A_90] : memref<10240x128xf32, #tpu.memory_space<vmem_shared>> -> memref<15x128xf32, #tpu.memory_space<vmem_shared>>
      %dma_wait3A_92 = arith.constant 0 : i32
      %dma_wait3A_93 = arith.constant 0 : i32
      %dma_wait3A_94 = tpu.memref_slice %arg8[%run_scoped3A_31, %dma_wait3A_92, %dma_wait3A_93] : memref<2x125x128xf32, #tpu.memory_space<vmem>> -> memref<1x15x128xf32, #tpu.memory_space<vmem>>
      %dma_wait3A_95 = tpu.memref_squeeze %dma_wait3A_94 : memref<1x15x128xf32, #tpu.memory_space<vmem>> -> memref<15x128xf32, #tpu.memory_space<vmem>>
      tpu.wait_dma2 semaphore(%run_scoped3A_72 : memref<!tpu.dma_semaphore, #tpu.memory_space<semaphore_mem>>) src(%dma_wait3A_95 : memref<15x128xf32, #tpu.memory_space<vmem>>) dst(%dma_wait3A_91 : memref<15x128xf32, #tpu.memory_space<vmem_shared>>)
      tpu.yield
    }) : () -> ()
    %barrier3A = arith.constant 0 : index
    tpu.barrier barrier_id(%barrier3A)
    "tpu.region"() ({
      %run_scoped3A_72 = tpu.sem_alloc : memref<!tpu.dma_semaphore, #tpu.memory_space<semaphore_mem>>
      %dma_start3A_73 = arith.constant 0 : i32
      %dma_start3A_74 = arith.constant 0 : i32
      %dma_start3A_75 = tpu.memref_slice %arg3[%arg0, %arg1, %dma_start3A_73, %dma_start3A_74] : memref<2x16x80x125xi32, #tpu.memory_space<hbm>> -> memref<1x1x40x125xi32, #tpu.memory_space<hbm>>
      %dma_start3A_76 = tpu.memref_squeeze %dma_start3A_75 : memref<1x1x40x125xi32, #tpu.memory_space<hbm>> -> memref<40x125xi32, #tpu.memory_space<hbm>>
      %dma_start3A_77 = arith.constant 0 : i32
      %dma_start3A_78 = arith.constant 0 : i32
      %dma_start3A_79 = tpu.memref_slice %arg3[%arg0, %arg1, %dma_start3A_77, %dma_start3A_78] : memref<2x16x80x125xi32, #tpu.memory_space<hbm>> -> memref<1x1x40x125xi32, #tpu.memory_space<hbm>>
      %dma_start3A_80 = tpu.memref_squeeze %dma_start3A_79 : memref<1x1x40x125xi32, #tpu.memory_space<hbm>> -> memref<40x125xi32, #tpu.memory_space<hbm>>
      tpu.enqueue_dma source(%dma_start3A_80 : memref<40x125xi32, #tpu.memory_space<hbm>>) target(%arg6 : memref<40x125xi32, #tpu.memory_space<vmem>>) target_semaphore(%run_scoped3A_72 : memref<!tpu.dma_semaphore, #tpu.memory_space<semaphore_mem>>)
      %dma_wait3A = arith.constant 0 : i32
      %dma_wait3A_81 = arith.constant 0 : i32
      %dma_wait3A_82 = tpu.memref_slice %arg3[%arg0, %arg1, %dma_wait3A, %dma_wait3A_81] : memref<2x16x80x125xi32, #tpu.memory_space<hbm>> -> memref<1x1x40x125xi32, #tpu.memory_space<hbm>>
      %dma_wait3A_83 = tpu.memref_squeeze %dma_wait3A_82 : memref<1x1x40x125xi32, #tpu.memory_space<hbm>> -> memref<40x125xi32, #tpu.memory_space<hbm>>
      %dma_wait3A_84 = arith.constant 0 : i32
      %dma_wait3A_85 = arith.constant 0 : i32
      %dma_wait3A_86 = tpu.memref_slice %arg3[%arg0, %arg1, %dma_wait3A_84, %dma_wait3A_85] : memref<2x16x80x125xi32, #tpu.memory_space<hbm>> -> memref<1x1x40x125xi32, #tpu.memory_space<hbm>>
      %dma_wait3A_87 = tpu.memref_squeeze %dma_wait3A_86 : memref<1x1x40x125xi32, #tpu.memory_space<hbm>> -> memref<40x125xi32, #tpu.memory_space<hbm>>
      tpu.wait_dma2 semaphore(%run_scoped3A_72 : memref<!tpu.dma_semaphore, #tpu.memory_space<semaphore_mem>>) src(%dma_wait3A_87 : memref<40x125xi32, #tpu.memory_space<hbm>>) dst(%arg6 : memref<40x125xi32, #tpu.memory_space<vmem>>)
      tpu.yield
    }) : () -> ()
    "tpu.region"() ({
      %run_scoped3A_72 = tpu.sem_alloc : memref<!tpu.dma_semaphore, #tpu.memory_space<semaphore_mem>>
      %dma_start3A_73 = arith.constant 0 : i32
      %dma_start3A_74 = arith.constant 0 : i32
      %dma_start3A_75 = tpu.memref_slice %arg4[%arg0, %arg1, %dma_start3A_73, %dma_start3A_74] : memref<2x16x80x125xi32, #tpu.memory_space<hbm>> -> memref<1x1x40x125xi32, #tpu.memory_space<hbm>>
      %dma_start3A_76 = tpu.memref_squeeze %dma_start3A_75 : memref<1x1x40x125xi32, #tpu.memory_space<hbm>> -> memref<40x125xi32, #tpu.memory_space<hbm>>
      %dma_start3A_77 = arith.constant 0 : i32
      %dma_start3A_78 = arith.constant 0 : i32
      %dma_start3A_79 = tpu.memref_slice %arg4[%arg0, %arg1, %dma_start3A_77, %dma_start3A_78] : memref<2x16x80x125xi32, #tpu.memory_space<hbm>> -> memref<1x1x40x125xi32, #tpu.memory_space<hbm>>
      %dma_start3A_80 = tpu.memref_squeeze %dma_start3A_79 : memref<1x1x40x125xi32, #tpu.memory_space<hbm>> -> memref<40x125xi32, #tpu.memory_space<hbm>>
      tpu.enqueue_dma source(%dma_start3A_80 : memref<40x125xi32, #tpu.memory_space<hbm>>) target(%arg7 : memref<40x125xi32, #tpu.memory_space<vmem>>) target_semaphore(%run_scoped3A_72 : memref<!tpu.dma_semaphore, #tpu.memory_space<semaphore_mem>>)
      %dma_wait3A = arith.constant 0 : i32
      %dma_wait3A_81 = arith.constant 0 : i32
      %dma_wait3A_82 = tpu.memref_slice %arg4[%arg0, %arg1, %dma_wait3A, %dma_wait3A_81] : memref<2x16x80x125xi32, #tpu.memory_space<hbm>> -> memref<1x1x40x125xi32, #tpu.memory_space<hbm>>
      %dma_wait3A_83 = tpu.memref_squeeze %dma_wait3A_82 : memref<1x1x40x125xi32, #tpu.memory_space<hbm>> -> memref<40x125xi32, #tpu.memory_space<hbm>>
      %dma_wait3A_84 = arith.constant 0 : i32
      %dma_wait3A_85 = arith.constant 0 : i32
      %dma_wait3A_86 = tpu.memref_slice %arg4[%arg0, %arg1, %dma_wait3A_84, %dma_wait3A_85] : memref<2x16x80x125xi32, #tpu.memory_space<hbm>> -> memref<1x1x40x125xi32, #tpu.memory_space<hbm>>
      %dma_wait3A_87 = tpu.memref_squeeze %dma_wait3A_86 : memref<1x1x40x125xi32, #tpu.memory_space<hbm>> -> memref<40x125xi32, #tpu.memory_space<hbm>>
      tpu.wait_dma2 semaphore(%run_scoped3A_72 : memref<!tpu.dma_semaphore, #tpu.memory_space<semaphore_mem>>) src(%dma_wait3A_87 : memref<40x125xi32, #tpu.memory_space<hbm>>) dst(%arg7 : memref<40x125xi32, #tpu.memory_space<vmem>>)
      tpu.yield
    }) : () -> ()
    %dma_start3A = arith.constant 0 : i32
    %dma_start3A_32 = arith.constant 0 : i32
    %dma_start3A_33 = arith.constant 0 : i32
    %dma_start3A_34 = arith.constant 0 : i32
    %dma_start3A_35 = tpu.memref_slice %arg8[%dma_start3A_32, %dma_start3A_33, %dma_start3A_34] : memref<2x125x128xf32, #tpu.memory_space<vmem>> -> memref<1x125x128xf32, #tpu.memory_space<vmem>>
    %dma_start3A_36 = tpu.memref_squeeze %dma_start3A_35 : memref<1x125x128xf32, #tpu.memory_space<vmem>> -> memref<125x128xf32, #tpu.memory_space<vmem>>
    %dma_start3A_37 = arith.constant 0 : i32
    %dma_start3A_38 = tpu.memref_slice %arg6[%dma_start3A, %dma_start3A_37] : memref<40x125xi32, #tpu.memory_space<vmem>> -> memref<1x125xi32, #tpu.memory_space<vmem>>
    %dma_start3A_39 = tpu.memref_squeeze %dma_start3A_38 : memref<1x125xi32, #tpu.memory_space<vmem>> -> memref<125xi32, #tpu.memory_space<vmem>>
    %dma_start3A_40 = arith.constant 0 : i32
    %dma_start3A_41 = arith.constant 0 : i32
    %dma_start3A_42 = tpu.memref_slice %arg2[%dma_start3A_40, %dma_start3A_41] : memref<10000x128xf32, #tpu.memory_space<hbm>> -> memref<10000x128xf32, #tpu.memory_space<hbm>>
    tpu.enqueue_indirect_dma source(%dma_start3A_42 : memref<10000x128xf32, #tpu.memory_space<hbm>>) target(%dma_start3A_36 : memref<125x128xf32, #tpu.memory_space<vmem>>) offsets(%dma_start3A_39 : memref<125xi32, #tpu.memory_space<vmem>>) semaphore(%arg10 : memref<!tpu.dma_semaphore, #tpu.memory_space<semaphore_mem>>)
    %scan3A_43 = arith.constant 0 : i32
    %scan3A_44 = arith.constant 0 : i32
    %scan3A_45 = arith.constant 20 : i32
    %scan3A_46 = arith.addi %scan3A_44, %scan3A_45 : i32
    %scan3A_47 = arith.constant 1 : i32
    scf.for %scan3A_72 = %scan3A_44 to %scan3A_46 step %scan3A_47  : i32 {
      %mul3A_73 = arith.constant 2 : i32
      %mul3A_74 = arith.muli %scan3A_72, %mul3A_73 : i32
      %add3A_75 = arith.constant 0 : i32
      %add3A_76 = arith.addi %mul3A_74, %add3A_75 : i32
      %add3A_77 = arith.constant 1 : i32
      %add3A_78 = arith.addi %add3A_76, %add3A_77 : i32
      %dma_start3A_79 = arith.constant 1 : i32
      %dma_start3A_80 = arith.constant 0 : i32
      %dma_start3A_81 = arith.constant 0 : i32
      %dma_start3A_82 = tpu.memref_slice %arg8[%dma_start3A_79, %dma_start3A_80, %dma_start3A_81] : memref<2x125x128xf32, #tpu.memory_space<vmem>> -> memref<1x125x128xf32, #tpu.memory_space<vmem>>
      %dma_start3A_83 = tpu.memref_squeeze %dma_start3A_82 : memref<1x125x128xf32, #tpu.memory_space<vmem>> -> memref<125x128xf32, #tpu.memory_space<vmem>>
      %dma_start3A_84 = arith.constant 0 : i32
      %dma_start3A_85 = tpu.memref_slice %arg6[%add3A_78, %dma_start3A_84] : memref<40x125xi32, #tpu.memory_space<vmem>> -> memref<1x125xi32, #tpu.memory_space<vmem>>
      %dma_start3A_86 = tpu.memref_squeeze %dma_start3A_85 : memref<1x125xi32, #tpu.memory_space<vmem>> -> memref<125xi32, #tpu.memory_space<vmem>>
      %dma_start3A_87 = arith.constant 0 : i32
      %dma_start3A_88 = arith.constant 0 : i32
      %dma_start3A_89 = tpu.memref_slice %arg2[%dma_start3A_87, %dma_start3A_88] : memref<10000x128xf32, #tpu.memory_space<hbm>> -> memref<10000x128xf32, #tpu.memory_space<hbm>>
      tpu.enqueue_indirect_dma source(%dma_start3A_89 : memref<10000x128xf32, #tpu.memory_space<hbm>>) target(%dma_start3A_83 : memref<125x128xf32, #tpu.memory_space<vmem>>) offsets(%dma_start3A_86 : memref<125xi32, #tpu.memory_space<vmem>>) semaphore(%arg10 : memref<!tpu.dma_semaphore, #tpu.memory_space<semaphore_mem>>)
      %dma_wait3A = arith.constant 0 : i32
      %dma_wait3A_90 = arith.constant 0 : i32
      %dma_wait3A_91 = arith.constant 0 : i32
      %dma_wait3A_92 = tpu.memref_slice %arg8[%dma_wait3A, %dma_wait3A_90, %dma_wait3A_91] : memref<2x125x128xf32, #tpu.memory_space<vmem>> -> memref<1x125x128xf32, #tpu.memory_space<vmem>>
      %dma_wait3A_93 = tpu.memref_squeeze %dma_wait3A_92 : memref<1x125x128xf32, #tpu.memory_space<vmem>> -> memref<125x128xf32, #tpu.memory_space<vmem>>
      %dma_wait3A_94 = arith.constant 0 : i32
      %dma_wait3A_95 = tpu.memref_slice %arg6[%add3A_76, %dma_wait3A_94] : memref<40x125xi32, #tpu.memory_space<vmem>> -> memref<1x125xi32, #tpu.memory_space<vmem>>
      %dma_wait3A_96 = tpu.memref_squeeze %dma_wait3A_95 : memref<1x125xi32, #tpu.memory_space<vmem>> -> memref<125xi32, #tpu.memory_space<vmem>>
      %dma_wait3A_97 = arith.constant 0 : i32
      %dma_wait3A_98 = arith.constant 0 : i32
      %dma_wait3A_99 = tpu.memref_slice %arg2[%dma_wait3A_97, %dma_wait3A_98] : memref<10000x128xf32, #tpu.memory_space<hbm>> -> memref<10000x128xf32, #tpu.memory_space<hbm>>
      tpu.wait_indirect_dma semaphore(%arg10 : memref<!tpu.dma_semaphore, #tpu.memory_space<semaphore_mem>>) src(%dma_wait3A_99 : memref<10000x128xf32, #tpu.memory_space<hbm>>) dst(%dma_wait3A_93 : memref<125x128xf32, #tpu.memory_space<vmem>>)
      %run_scoped3A_100 = arith.constant 0 : i32
      "tpu.region"() ({
        %run_scoped3A_119 = tpu.sem_alloc : memref<!tpu.dma_semaphore, #tpu.memory_space<semaphore_mem>>
        %dma_start3A_120 = arith.constant 0 : i32
        %dma_start3A_121 = arith.constant 0 : i32
        %dma_start3A_122 = tpu.memref_slice %arg8[%run_scoped3A_100, %dma_start3A_120, %dma_start3A_121] : memref<2x125x128xf32, #tpu.memory_space<vmem>> -> memref<1x125x128xf32, #tpu.memory_space<vmem>>
        %dma_start3A_123 = tpu.memref_squeeze %dma_start3A_122 : memref<1x125x128xf32, #tpu.memory_space<vmem>> -> memref<125x128xf32, #tpu.memory_space<vmem>>
        %dma_start3A_124 = arith.constant 0 : i32
        %dma_start3A_125 = tpu.memref_slice %arg7[%add3A_76, %dma_start3A_124] : memref<40x125xi32, #tpu.memory_space<vmem>> -> memref<1x125xi32, #tpu.memory_space<vmem>>
        %dma_start3A_126 = tpu.memref_squeeze %dma_start3A_125 : memref<1x125xi32, #tpu.memory_space<vmem>> -> memref<125xi32, #tpu.memory_space<vmem>>
        %dma_start3A_127 = arith.constant 0 : i32
        %dma_start3A_128 = arith.constant 0 : i32
        %dma_start3A_129 = tpu.memref_slice %arg9[%dma_start3A_127, %dma_start3A_128] : memref<10240x128xf32, #tpu.memory_space<vmem_shared>> -> memref<10240x128xf32, #tpu.memory_space<vmem_shared>>
        tpu.enqueue_indirect_dma source(%dma_start3A_123 : memref<125x128xf32, #tpu.memory_space<vmem>>) target(%dma_start3A_129 : memref<10240x128xf32, #tpu.memory_space<vmem_shared>>) offsets(%dma_start3A_126 : memref<125xi32, #tpu.memory_space<vmem>>) semaphore(%run_scoped3A_119 : memref<!tpu.dma_semaphore, #tpu.memory_space<semaphore_mem>>) {add = true}
        %dma_wait3A_130 = arith.constant 0 : i32
        %dma_wait3A_131 = arith.constant 0 : i32
        %dma_wait3A_132 = tpu.memref_slice %arg8[%run_scoped3A_100, %dma_wait3A_130, %dma_wait3A_131] : memref<2x125x128xf32, #tpu.memory_space<vmem>> -> memref<1x125x128xf32, #tpu.memory_space<vmem>>
        %dma_wait3A_133 = tpu.memref_squeeze %dma_wait3A_132 : memref<1x125x128xf32, #tpu.memory_space<vmem>> -> memref<125x128xf32, #tpu.memory_space<vmem>>
        %dma_wait3A_134 = arith.constant 0 : i32
        %dma_wait3A_135 = tpu.memref_slice %arg7[%add3A_76, %dma_wait3A_134] : memref<40x125xi32, #tpu.memory_space<vmem>> -> memref<1x125xi32, #tpu.memory_space<vmem>>
        %dma_wait3A_136 = tpu.memref_squeeze %dma_wait3A_135 : memref<1x125xi32, #tpu.memory_space<vmem>> -> memref<125xi32, #tpu.memory_space<vmem>>
        %dma_wait3A_137 = arith.constant 0 : i32
        %dma_wait3A_138 = arith.constant 0 : i32
        %dma_wait3A_139 = tpu.memref_slice %arg9[%dma_wait3A_137, %dma_wait3A_138] : memref<10240x128xf32, #tpu.memory_space<vmem_shared>> -> memref<10240x128xf32, #tpu.memory_space<vmem_shared>>
        tpu.wait_indirect_dma semaphore(%run_scoped3A_119 : memref<!tpu.dma_semaphore, #tpu.memory_space<semaphore_mem>>) src(%dma_wait3A_133 : memref<125x128xf32, #tpu.memory_space<vmem>>) dst(%dma_wait3A_139 : memref<10240x128xf32, #tpu.memory_space<vmem_shared>>)
        tpu.yield
      }) : () -> ()
      %mul3A_101 = arith.constant 2 : i32
      %mul3A_102 = arith.muli %scan3A_72, %mul3A_101 : i32
      %add3A_103 = arith.constant 1 : i32
      %add3A_104 = arith.addi %mul3A_102, %add3A_103 : i32
      %ne3A = arith.constant 19 : i32
      %ne3A_105 = arith.cmpi ne, %scan3A_72, %ne3A : i32
      %convert_element_type3A = arith.extui %ne3A_105 : i1 to i32
      %cond3A = arith.constant 0 : i32
      %cond3A_106 = arith.cmpi ne, %convert_element_type3A, %cond3A : i32
      scf.if %cond3A_106 {
        %add3A_119 = arith.constant 1 : i32
        %add3A_120 = arith.addi %add3A_104, %add3A_119 : i32
        %dma_start3A_121 = arith.constant 0 : i32
        %dma_start3A_122 = arith.constant 0 : i32
        %dma_start3A_123 = arith.constant 0 : i32
        %dma_start3A_124 = tpu.memref_slice %arg8[%dma_start3A_121, %dma_start3A_122, %dma_start3A_123] : memref<2x125x128xf32, #tpu.memory_space<vmem>> -> memref<1x125x128xf32, #tpu.memory_space<vmem>>
        %dma_start3A_125 = tpu.memref_squeeze %dma_start3A_124 : memref<1x125x128xf32, #tpu.memory_space<vmem>> -> memref<125x128xf32, #tpu.memory_space<vmem>>
        %dma_start3A_126 = arith.constant 0 : i32
        %dma_start3A_127 = tpu.memref_slice %arg6[%add3A_120, %dma_start3A_126] : memref<40x125xi32, #tpu.memory_space<vmem>> -> memref<1x125xi32, #tpu.memory_space<vmem>>
        %dma_start3A_128 = tpu.memref_squeeze %dma_start3A_127 : memref<1x125xi32, #tpu.memory_space<vmem>> -> memref<125xi32, #tpu.memory_space<vmem>>
        %dma_start3A_129 = arith.constant 0 : i32
        %dma_start3A_130 = arith.constant 0 : i32
        %dma_start3A_131 = tpu.memref_slice %arg2[%dma_start3A_129, %dma_start3A_130] : memref<10000x128xf32, #tpu.memory_space<hbm>> -> memref<10000x128xf32, #tpu.memory_space<hbm>>
        tpu.enqueue_indirect_dma source(%dma_start3A_131 : memref<10000x128xf32, #tpu.memory_space<hbm>>) target(%dma_start3A_125 : memref<125x128xf32, #tpu.memory_space<vmem>>) offsets(%dma_start3A_128 : memref<125xi32, #tpu.memory_space<vmem>>) semaphore(%arg10 : memref<!tpu.dma_semaphore, #tpu.memory_space<semaphore_mem>>)
      } else {
      }
      %dma_wait3A_107 = arith.constant 1 : i32
      %dma_wait3A_108 = arith.constant 0 : i32
      %dma_wait3A_109 = arith.constant 0 : i32
      %dma_wait3A_110 = tpu.memref_slice %arg8[%dma_wait3A_107, %dma_wait3A_108, %dma_wait3A_109] : memref<2x125x128xf32, #tpu.memory_space<vmem>> -> memref<1x125x128xf32, #tpu.memory_space<vmem>>
      %dma_wait3A_111 = tpu.memref_squeeze %dma_wait3A_110 : memref<1x125x128xf32, #tpu.memory_space<vmem>> -> memref<125x128xf32, #tpu.memory_space<vmem>>
      %dma_wait3A_112 = arith.constant 0 : i32
      %dma_wait3A_113 = tpu.memref_slice %arg6[%add3A_104, %dma_wait3A_112] : memref<40x125xi32, #tpu.memory_space<vmem>> -> memref<1x125xi32, #tpu.memory_space<vmem>>
      %dma_wait3A_114 = tpu.memref_squeeze %dma_wait3A_113 : memref<1x125xi32, #tpu.memory_space<vmem>> -> memref<125xi32, #tpu.memory_space<vmem>>
      %dma_wait3A_115 = arith.constant 0 : i32
      %dma_wait3A_116 = arith.constant 0 : i32
      %dma_wait3A_117 = tpu.memref_slice %arg2[%dma_wait3A_115, %dma_wait3A_116] : memref<10000x128xf32, #tpu.memory_space<hbm>> -> memref<10000x128xf32, #tpu.memory_space<hbm>>
      tpu.wait_indirect_dma semaphore(%arg10 : memref<!tpu.dma_semaphore, #tpu.memory_space<semaphore_mem>>) src(%dma_wait3A_117 : memref<10000x128xf32, #tpu.memory_space<hbm>>) dst(%dma_wait3A_111 : memref<125x128xf32, #tpu.memory_space<vmem>>)
      %run_scoped3A_118 = arith.constant 1 : i32
      "tpu.region"() ({
        %run_scoped3A_119 = tpu.sem_alloc : memref<!tpu.dma_semaphore, #tpu.memory_space<semaphore_mem>>
        %dma_start3A_120 = arith.constant 0 : i32
        %dma_start3A_121 = arith.constant 0 : i32
        %dma_start3A_122 = tpu.memref_slice %arg8[%run_scoped3A_118, %dma_start3A_120, %dma_start3A_121] : memref<2x125x128xf32, #tpu.memory_space<vmem>> -> memref<1x125x128xf32, #tpu.memory_space<vmem>>
        %dma_start3A_123 = tpu.memref_squeeze %dma_start3A_122 : memref<1x125x128xf32, #tpu.memory_space<vmem>> -> memref<125x128xf32, #tpu.memory_space<vmem>>
        %dma_start3A_124 = arith.constant 0 : i32
        %dma_start3A_125 = tpu.memref_slice %arg7[%add3A_104, %dma_start3A_124] : memref<40x125xi32, #tpu.memory_space<vmem>> -> memref<1x125xi32, #tpu.memory_space<vmem>>
        %dma_start3A_126 = tpu.memref_squeeze %dma_start3A_125 : memref<1x125xi32, #tpu.memory_space<vmem>> -> memref<125xi32, #tpu.memory_space<vmem>>
        %dma_start3A_127 = arith.constant 0 : i32
        %dma_start3A_128 = arith.constant 0 : i32
        %dma_start3A_129 = tpu.memref_slice %arg9[%dma_start3A_127, %dma_start3A_128] : memref<10240x128xf32, #tpu.memory_space<vmem_shared>> -> memref<10240x128xf32, #tpu.memory_space<vmem_shared>>
        tpu.enqueue_indirect_dma source(%dma_start3A_123 : memref<125x128xf32, #tpu.memory_space<vmem>>) target(%dma_start3A_129 : memref<10240x128xf32, #tpu.memory_space<vmem_shared>>) offsets(%dma_start3A_126 : memref<125xi32, #tpu.memory_space<vmem>>) semaphore(%run_scoped3A_119 : memref<!tpu.dma_semaphore, #tpu.memory_space<semaphore_mem>>) {add = true}
        %dma_wait3A_130 = arith.constant 0 : i32
        %dma_wait3A_131 = arith.constant 0 : i32
        %dma_wait3A_132 = tpu.memref_slice %arg8[%run_scoped3A_118, %dma_wait3A_130, %dma_wait3A_131] : memref<2x125x128xf32, #tpu.memory_space<vmem>> -> memref<1x125x128xf32, #tpu.memory_space<vmem>>
        %dma_wait3A_133 = tpu.memref_squeeze %dma_wait3A_132 : memref<1x125x128xf32, #tpu.memory_space<vmem>> -> memref<125x128xf32, #tpu.memory_space<vmem>>
        %dma_wait3A_134 = arith.constant 0 : i32
        %dma_wait3A_135 = tpu.memref_slice %arg7[%add3A_104, %dma_wait3A_134] : memref<40x125xi32, #tpu.memory_space<vmem>> -> memref<1x125xi32, #tpu.memory_space<vmem>>
        %dma_wait3A_136 = tpu.memref_squeeze %dma_wait3A_135 : memref<1x125xi32, #tpu.memory_space<vmem>> -> memref<125xi32, #tpu.memory_space<vmem>>
        %dma_wait3A_137 = arith.constant 0 : i32
        %dma_wait3A_138 = arith.constant 0 : i32
        %dma_wait3A_139 = tpu.memref_slice %arg9[%dma_wait3A_137, %dma_wait3A_138] : memref<10240x128xf32, #tpu.memory_space<vmem_shared>> -> memref<10240x128xf32, #tpu.memory_space<vmem_shared>>
        tpu.wait_indirect_dma semaphore(%run_scoped3A_119 : memref<!tpu.dma_semaphore, #tpu.memory_space<semaphore_mem>>) src(%dma_wait3A_133 : memref<125x128xf32, #tpu.memory_space<vmem>>) dst(%dma_wait3A_139 : memref<10240x128xf32, #tpu.memory_space<vmem_shared>>)
        tpu.yield
      }) : () -> ()
    }
    %scan3A_48 = arith.constant 20 : i32
    "tpu.region"() ({
      %run_scoped3A_72 = tpu.sem_alloc : memref<!tpu.dma_semaphore, #tpu.memory_space<semaphore_mem>>
      %dma_start3A_73 = arith.constant 40 : i32
      %dma_start3A_74 = arith.constant 0 : i32
      %dma_start3A_75 = tpu.memref_slice %arg3[%arg0, %arg1, %dma_start3A_73, %dma_start3A_74] : memref<2x16x80x125xi32, #tpu.memory_space<hbm>> -> memref<1x1x40x125xi32, #tpu.memory_space<hbm>>
      %dma_start3A_76 = tpu.memref_squeeze %dma_start3A_75 : memref<1x1x40x125xi32, #tpu.memory_space<hbm>> -> memref<40x125xi32, #tpu.memory_space<hbm>>
      %dma_start3A_77 = arith.constant 40 : i32
      %dma_start3A_78 = arith.constant 0 : i32
      %dma_start3A_79 = tpu.memref_slice %arg3[%arg0, %arg1, %dma_start3A_77, %dma_start3A_78] : memref<2x16x80x125xi32, #tpu.memory_space<hbm>> -> memref<1x1x40x125xi32, #tpu.memory_space<hbm>>
      %dma_start3A_80 = tpu.memref_squeeze %dma_start3A_79 : memref<1x1x40x125xi32, #tpu.memory_space<hbm>> -> memref<40x125xi32, #tpu.memory_space<hbm>>
      tpu.enqueue_dma source(%dma_start3A_80 : memref<40x125xi32, #tpu.memory_space<hbm>>) target(%arg6 : memref<40x125xi32, #tpu.memory_space<vmem>>) target_semaphore(%run_scoped3A_72 : memref<!tpu.dma_semaphore, #tpu.memory_space<semaphore_mem>>)
      %dma_wait3A = arith.constant 40 : i32
      %dma_wait3A_81 = arith.constant 0 : i32
      %dma_wait3A_82 = tpu.memref_slice %arg3[%arg0, %arg1, %dma_wait3A, %dma_wait3A_81] : memref<2x16x80x125xi32, #tpu.memory_space<hbm>> -> memref<1x1x40x125xi32, #tpu.memory_space<hbm>>
      %dma_wait3A_83 = tpu.memref_squeeze %dma_wait3A_82 : memref<1x1x40x125xi32, #tpu.memory_space<hbm>> -> memref<40x125xi32, #tpu.memory_space<hbm>>
      %dma_wait3A_84 = arith.constant 40 : i32
      %dma_wait3A_85 = arith.constant 0 : i32
      %dma_wait3A_86 = tpu.memref_slice %arg3[%arg0, %arg1, %dma_wait3A_84, %dma_wait3A_85] : memref<2x16x80x125xi32, #tpu.memory_space<hbm>> -> memref<1x1x40x125xi32, #tpu.memory_space<hbm>>
      %dma_wait3A_87 = tpu.memref_squeeze %dma_wait3A_86 : memref<1x1x40x125xi32, #tpu.memory_space<hbm>> -> memref<40x125xi32, #tpu.memory_space<hbm>>
      tpu.wait_dma2 semaphore(%run_scoped3A_72 : memref<!tpu.dma_semaphore, #tpu.memory_space<semaphore_mem>>) src(%dma_wait3A_87 : memref<40x125xi32, #tpu.memory_space<hbm>>) dst(%arg6 : memref<40x125xi32, #tpu.memory_space<vmem>>)
      tpu.yield
    }) : () -> ()
    "tpu.region"() ({
      %run_scoped3A_72 = tpu.sem_alloc : memref<!tpu.dma_semaphore, #tpu.memory_space<semaphore_mem>>
      %dma_start3A_73 = arith.constant 40 : i32
      %dma_start3A_74 = arith.constant 0 : i32
      %dma_start3A_75 = tpu.memref_slice %arg4[%arg0, %arg1, %dma_start3A_73, %dma_start3A_74] : memref<2x16x80x125xi32, #tpu.memory_space<hbm>> -> memref<1x1x40x125xi32, #tpu.memory_space<hbm>>
      %dma_start3A_76 = tpu.memref_squeeze %dma_start3A_75 : memref<1x1x40x125xi32, #tpu.memory_space<hbm>> -> memref<40x125xi32, #tpu.memory_space<hbm>>
      %dma_start3A_77 = arith.constant 40 : i32
      %dma_start3A_78 = arith.constant 0 : i32
      %dma_start3A_79 = tpu.memref_slice %arg4[%arg0, %arg1, %dma_start3A_77, %dma_start3A_78] : memref<2x16x80x125xi32, #tpu.memory_space<hbm>> -> memref<1x1x40x125xi32, #tpu.memory_space<hbm>>
      %dma_start3A_80 = tpu.memref_squeeze %dma_start3A_79 : memref<1x1x40x125xi32, #tpu.memory_space<hbm>> -> memref<40x125xi32, #tpu.memory_space<hbm>>
      tpu.enqueue_dma source(%dma_start3A_80 : memref<40x125xi32, #tpu.memory_space<hbm>>) target(%arg7 : memref<40x125xi32, #tpu.memory_space<vmem>>) target_semaphore(%run_scoped3A_72 : memref<!tpu.dma_semaphore, #tpu.memory_space<semaphore_mem>>)
      %dma_wait3A = arith.constant 40 : i32
      %dma_wait3A_81 = arith.constant 0 : i32
      %dma_wait3A_82 = tpu.memref_slice %arg4[%arg0, %arg1, %dma_wait3A, %dma_wait3A_81] : memref<2x16x80x125xi32, #tpu.memory_space<hbm>> -> memref<1x1x40x125xi32, #tpu.memory_space<hbm>>
      %dma_wait3A_83 = tpu.memref_squeeze %dma_wait3A_82 : memref<1x1x40x125xi32, #tpu.memory_space<hbm>> -> memref<40x125xi32, #tpu.memory_space<hbm>>
      %dma_wait3A_84 = arith.constant 40 : i32
      %dma_wait3A_85 = arith.constant 0 : i32
      %dma_wait3A_86 = tpu.memref_slice %arg4[%arg0, %arg1, %dma_wait3A_84, %dma_wait3A_85] : memref<2x16x80x125xi32, #tpu.memory_space<hbm>> -> memref<1x1x40x125xi32, #tpu.memory_space<hbm>>
      %dma_wait3A_87 = tpu.memref_squeeze %dma_wait3A_86 : memref<1x1x40x125xi32, #tpu.memory_space<hbm>> -> memref<40x125xi32, #tpu.memory_space<hbm>>
      tpu.wait_dma2 semaphore(%run_scoped3A_72 : memref<!tpu.dma_semaphore, #tpu.memory_space<semaphore_mem>>) src(%dma_wait3A_87 : memref<40x125xi32, #tpu.memory_space<hbm>>) dst(%arg7 : memref<40x125xi32, #tpu.memory_space<vmem>>)
      tpu.yield
    }) : () -> ()
    %dma_start3A_49 = arith.constant 0 : i32
    %dma_start3A_50 = arith.constant 0 : i32
    %dma_start3A_51 = arith.constant 0 : i32
    %dma_start3A_52 = arith.constant 0 : i32
    %dma_start3A_53 = tpu.memref_slice %arg8[%dma_start3A_50, %dma_start3A_51, %dma_start3A_52] : memref<2x125x128xf32, #tpu.memory_space<vmem>> -> memref<1x125x128xf32, #tpu.memory_space<vmem>>
    %dma_start3A_54 = tpu.memref_squeeze %dma_start3A_53 : memref<1x125x128xf32, #tpu.memory_space<vmem>> -> memref<125x128xf32, #tpu.memory_space<vmem>>
    %dma_start3A_55 = arith.constant 0 : i32
    %dma_start3A_56 = tpu.memref_slice %arg6[%dma_start3A_49, %dma_start3A_55] : memref<40x125xi32, #tpu.memory_space<vmem>> -> memref<1x125xi32, #tpu.memory_space<vmem>>
    %dma_start3A_57 = tpu.memref_squeeze %dma_start3A_56 : memref<1x125xi32, #tpu.memory_space<vmem>> -> memref<125xi32, #tpu.memory_space<vmem>>
    %dma_start3A_58 = arith.constant 0 : i32
    %dma_start3A_59 = arith.constant 0 : i32
    %dma_start3A_60 = tpu.memref_slice %arg2[%dma_start3A_58, %dma_start3A_59] : memref<10000x128xf32, #tpu.memory_space<hbm>> -> memref<10000x128xf32, #tpu.memory_space<hbm>>
    tpu.enqueue_indirect_dma source(%dma_start3A_60 : memref<10000x128xf32, #tpu.memory_space<hbm>>) target(%dma_start3A_54 : memref<125x128xf32, #tpu.memory_space<vmem>>) offsets(%dma_start3A_57 : memref<125xi32, #tpu.memory_space<vmem>>) semaphore(%arg10 : memref<!tpu.dma_semaphore, #tpu.memory_space<semaphore_mem>>)
    %scan3A_61 = arith.constant 0 : i32
    %scan3A_62 = arith.constant 0 : i32
    %scan3A_63 = arith.constant 20 : i32
    %scan3A_64 = arith.addi %scan3A_62, %scan3A_63 : i32
    %scan3A_65 = arith.constant 1 : i32
    scf.for %scan3A_72 = %scan3A_62 to %scan3A_64 step %scan3A_65  : i32 {
      %mul3A_73 = arith.constant 2 : i32
      %mul3A_74 = arith.muli %scan3A_72, %mul3A_73 : i32
      %add3A_75 = arith.constant 0 : i32
      %add3A_76 = arith.addi %mul3A_74, %add3A_75 : i32
      %add3A_77 = arith.constant 1 : i32
      %add3A_78 = arith.addi %add3A_76, %add3A_77 : i32
      %dma_start3A_79 = arith.constant 1 : i32
      %dma_start3A_80 = arith.constant 0 : i32
      %dma_start3A_81 = arith.constant 0 : i32
      %dma_start3A_82 = tpu.memref_slice %arg8[%dma_start3A_79, %dma_start3A_80, %dma_start3A_81] : memref<2x125x128xf32, #tpu.memory_space<vmem>> -> memref<1x125x128xf32, #tpu.memory_space<vmem>>
      %dma_start3A_83 = tpu.memref_squeeze %dma_start3A_82 : memref<1x125x128xf32, #tpu.memory_space<vmem>> -> memref<125x128xf32, #tpu.memory_space<vmem>>
      %dma_start3A_84 = arith.constant 0 : i32
      %dma_start3A_85 = tpu.memref_slice %arg6[%add3A_78, %dma_start3A_84] : memref<40x125xi32, #tpu.memory_space<vmem>> -> memref<1x125xi32, #tpu.memory_space<vmem>>
      %dma_start3A_86 = tpu.memref_squeeze %dma_start3A_85 : memref<1x125xi32, #tpu.memory_space<vmem>> -> memref<125xi32, #tpu.memory_space<vmem>>
      %dma_start3A_87 = arith.constant 0 : i32
      %dma_start3A_88 = arith.constant 0 : i32
      %dma_start3A_89 = tpu.memref_slice %arg2[%dma_start3A_87, %dma_start3A_88] : memref<10000x128xf32, #tpu.memory_space<hbm>> -> memref<10000x128xf32, #tpu.memory_space<hbm>>
      tpu.enqueue_indirect_dma source(%dma_start3A_89 : memref<10000x128xf32, #tpu.memory_space<hbm>>) target(%dma_start3A_83 : memref<125x128xf32, #tpu.memory_space<vmem>>) offsets(%dma_start3A_86 : memref<125xi32, #tpu.memory_space<vmem>>) semaphore(%arg10 : memref<!tpu.dma_semaphore, #tpu.memory_space<semaphore_mem>>)
      %dma_wait3A = arith.constant 0 : i32
      %dma_wait3A_90 = arith.constant 0 : i32
      %dma_wait3A_91 = arith.constant 0 : i32
      %dma_wait3A_92 = tpu.memref_slice %arg8[%dma_wait3A, %dma_wait3A_90, %dma_wait3A_91] : memref<2x125x128xf32, #tpu.memory_space<vmem>> -> memref<1x125x128xf32, #tpu.memory_space<vmem>>
      %dma_wait3A_93 = tpu.memref_squeeze %dma_wait3A_92 : memref<1x125x128xf32, #tpu.memory_space<vmem>> -> memref<125x128xf32, #tpu.memory_space<vmem>>
      %dma_wait3A_94 = arith.constant 0 : i32
      %dma_wait3A_95 = tpu.memref_slice %arg6[%add3A_76, %dma_wait3A_94] : memref<40x125xi32, #tpu.memory_space<vmem>> -> memref<1x125xi32, #tpu.memory_space<vmem>>
      %dma_wait3A_96 = tpu.memref_squeeze %dma_wait3A_95 : memref<1x125xi32, #tpu.memory_space<vmem>> -> memref<125xi32, #tpu.memory_space<vmem>>
      %dma_wait3A_97 = arith.constant 0 : i32
      %dma_wait3A_98 = arith.constant 0 : i32
      %dma_wait3A_99 = tpu.memref_slice %arg2[%dma_wait3A_97, %dma_wait3A_98] : memref<10000x128xf32, #tpu.memory_space<hbm>> -> memref<10000x128xf32, #tpu.memory_space<hbm>>
      tpu.wait_indirect_dma semaphore(%arg10 : memref<!tpu.dma_semaphore, #tpu.memory_space<semaphore_mem>>) src(%dma_wait3A_99 : memref<10000x128xf32, #tpu.memory_space<hbm>>) dst(%dma_wait3A_93 : memref<125x128xf32, #tpu.memory_space<vmem>>)
      %run_scoped3A_100 = arith.constant 0 : i32
      "tpu.region"() ({
        %run_scoped3A_119 = tpu.sem_alloc : memref<!tpu.dma_semaphore, #tpu.memory_space<semaphore_mem>>
        %dma_start3A_120 = arith.constant 0 : i32
        %dma_start3A_121 = arith.constant 0 : i32
        %dma_start3A_122 = tpu.memref_slice %arg8[%run_scoped3A_100, %dma_start3A_120, %dma_start3A_121] : memref<2x125x128xf32, #tpu.memory_space<vmem>> -> memref<1x125x128xf32, #tpu.memory_space<vmem>>
        %dma_start3A_123 = tpu.memref_squeeze %dma_start3A_122 : memref<1x125x128xf32, #tpu.memory_space<vmem>> -> memref<125x128xf32, #tpu.memory_space<vmem>>
        %dma_start3A_124 = arith.constant 0 : i32
        %dma_start3A_125 = tpu.memref_slice %arg7[%add3A_76, %dma_start3A_124] : memref<40x125xi32, #tpu.memory_space<vmem>> -> memref<1x125xi32, #tpu.memory_space<vmem>>
        %dma_start3A_126 = tpu.memref_squeeze %dma_start3A_125 : memref<1x125xi32, #tpu.memory_space<vmem>> -> memref<125xi32, #tpu.memory_space<vmem>>
        %dma_start3A_127 = arith.constant 0 : i32
        %dma_start3A_128 = arith.constant 0 : i32
        %dma_start3A_129 = tpu.memref_slice %arg9[%dma_start3A_127, %dma_start3A_128] : memref<10240x128xf32, #tpu.memory_space<vmem_shared>> -> memref<10240x128xf32, #tpu.memory_space<vmem_shared>>
        tpu.enqueue_indirect_dma source(%dma_start3A_123 : memref<125x128xf32, #tpu.memory_space<vmem>>) target(%dma_start3A_129 : memref<10240x128xf32, #tpu.memory_space<vmem_shared>>) offsets(%dma_start3A_126 : memref<125xi32, #tpu.memory_space<vmem>>) semaphore(%run_scoped3A_119 : memref<!tpu.dma_semaphore, #tpu.memory_space<semaphore_mem>>) {add = true}
        %dma_wait3A_130 = arith.constant 0 : i32
        %dma_wait3A_131 = arith.constant 0 : i32
        %dma_wait3A_132 = tpu.memref_slice %arg8[%run_scoped3A_100, %dma_wait3A_130, %dma_wait3A_131] : memref<2x125x128xf32, #tpu.memory_space<vmem>> -> memref<1x125x128xf32, #tpu.memory_space<vmem>>
        %dma_wait3A_133 = tpu.memref_squeeze %dma_wait3A_132 : memref<1x125x128xf32, #tpu.memory_space<vmem>> -> memref<125x128xf32, #tpu.memory_space<vmem>>
        %dma_wait3A_134 = arith.constant 0 : i32
        %dma_wait3A_135 = tpu.memref_slice %arg7[%add3A_76, %dma_wait3A_134] : memref<40x125xi32, #tpu.memory_space<vmem>> -> memref<1x125xi32, #tpu.memory_space<vmem>>
        %dma_wait3A_136 = tpu.memref_squeeze %dma_wait3A_135 : memref<1x125xi32, #tpu.memory_space<vmem>> -> memref<125xi32, #tpu.memory_space<vmem>>
        %dma_wait3A_137 = arith.constant 0 : i32
        %dma_wait3A_138 = arith.constant 0 : i32
        %dma_wait3A_139 = tpu.memref_slice %arg9[%dma_wait3A_137, %dma_wait3A_138] : memref<10240x128xf32, #tpu.memory_space<vmem_shared>> -> memref<10240x128xf32, #tpu.memory_space<vmem_shared>>
        tpu.wait_indirect_dma semaphore(%run_scoped3A_119 : memref<!tpu.dma_semaphore, #tpu.memory_space<semaphore_mem>>) src(%dma_wait3A_133 : memref<125x128xf32, #tpu.memory_space<vmem>>) dst(%dma_wait3A_139 : memref<10240x128xf32, #tpu.memory_space<vmem_shared>>)
        tpu.yield
      }) : () -> ()
      %mul3A_101 = arith.constant 2 : i32
      %mul3A_102 = arith.muli %scan3A_72, %mul3A_101 : i32
      %add3A_103 = arith.constant 1 : i32
      %add3A_104 = arith.addi %mul3A_102, %add3A_103 : i32
      %ne3A = arith.constant 19 : i32
      %ne3A_105 = arith.cmpi ne, %scan3A_72, %ne3A : i32
      %convert_element_type3A = arith.extui %ne3A_105 : i1 to i32
      %cond3A = arith.constant 0 : i32
      %cond3A_106 = arith.cmpi ne, %convert_element_type3A, %cond3A : i32
      scf.if %cond3A_106 {
        %add3A_119 = arith.constant 1 : i32
        %add3A_120 = arith.addi %add3A_104, %add3A_119 : i32
        %dma_start3A_121 = arith.constant 0 : i32
        %dma_start3A_122 = arith.constant 0 : i32
        %dma_start3A_123 = arith.constant 0 : i32
        %dma_start3A_124 = tpu.memref_slice %arg8[%dma_start3A_121, %dma_start3A_122, %dma_start3A_123] : memref<2x125x128xf32, #tpu.memory_space<vmem>> -> memref<1x125x128xf32, #tpu.memory_space<vmem>>
        %dma_start3A_125 = tpu.memref_squeeze %dma_start3A_124 : memref<1x125x128xf32, #tpu.memory_space<vmem>> -> memref<125x128xf32, #tpu.memory_space<vmem>>
        %dma_start3A_126 = arith.constant 0 : i32
        %dma_start3A_127 = tpu.memref_slice %arg6[%add3A_120, %dma_start3A_126] : memref<40x125xi32, #tpu.memory_space<vmem>> -> memref<1x125xi32, #tpu.memory_space<vmem>>
        %dma_start3A_128 = tpu.memref_squeeze %dma_start3A_127 : memref<1x125xi32, #tpu.memory_space<vmem>> -> memref<125xi32, #tpu.memory_space<vmem>>
        %dma_start3A_129 = arith.constant 0 : i32
        %dma_start3A_130 = arith.constant 0 : i32
        %dma_start3A_131 = tpu.memref_slice %arg2[%dma_start3A_129, %dma_start3A_130] : memref<10000x128xf32, #tpu.memory_space<hbm>> -> memref<10000x128xf32, #tpu.memory_space<hbm>>
        tpu.enqueue_indirect_dma source(%dma_start3A_131 : memref<10000x128xf32, #tpu.memory_space<hbm>>) target(%dma_start3A_125 : memref<125x128xf32, #tpu.memory_space<vmem>>) offsets(%dma_start3A_128 : memref<125xi32, #tpu.memory_space<vmem>>) semaphore(%arg10 : memref<!tpu.dma_semaphore, #tpu.memory_space<semaphore_mem>>)
      } else {
      }
      %dma_wait3A_107 = arith.constant 1 : i32
      %dma_wait3A_108 = arith.constant 0 : i32
      %dma_wait3A_109 = arith.constant 0 : i32
      %dma_wait3A_110 = tpu.memref_slice %arg8[%dma_wait3A_107, %dma_wait3A_108, %dma_wait3A_109] : memref<2x125x128xf32, #tpu.memory_space<vmem>> -> memref<1x125x128xf32, #tpu.memory_space<vmem>>
      %dma_wait3A_111 = tpu.memref_squeeze %dma_wait3A_110 : memref<1x125x128xf32, #tpu.memory_space<vmem>> -> memref<125x128xf32, #tpu.memory_space<vmem>>
      %dma_wait3A_112 = arith.constant 0 : i32
      %dma_wait3A_113 = tpu.memref_slice %arg6[%add3A_104, %dma_wait3A_112] : memref<40x125xi32, #tpu.memory_space<vmem>> -> memref<1x125xi32, #tpu.memory_space<vmem>>
      %dma_wait3A_114 = tpu.memref_squeeze %dma_wait3A_113 : memref<1x125xi32, #tpu.memory_space<vmem>> -> memref<125xi32, #tpu.memory_space<vmem>>
      %dma_wait3A_115 = arith.constant 0 : i32
      %dma_wait3A_116 = arith.constant 0 : i32
      %dma_wait3A_117 = tpu.memref_slice %arg2[%dma_wait3A_115, %dma_wait3A_116] : memref<10000x128xf32, #tpu.memory_space<hbm>> -> memref<10000x128xf32, #tpu.memory_space<hbm>>
      tpu.wait_indirect_dma semaphore(%arg10 : memref<!tpu.dma_semaphore, #tpu.memory_space<semaphore_mem>>) src(%dma_wait3A_117 : memref<10000x128xf32, #tpu.memory_space<hbm>>) dst(%dma_wait3A_111 : memref<125x128xf32, #tpu.memory_space<vmem>>)
      %run_scoped3A_118 = arith.constant 1 : i32
      "tpu.region"() ({
        %run_scoped3A_119 = tpu.sem_alloc : memref<!tpu.dma_semaphore, #tpu.memory_space<semaphore_mem>>
        %dma_start3A_120 = arith.constant 0 : i32
        %dma_start3A_121 = arith.constant 0 : i32
        %dma_start3A_122 = tpu.memref_slice %arg8[%run_scoped3A_118, %dma_start3A_120, %dma_start3A_121] : memref<2x125x128xf32, #tpu.memory_space<vmem>> -> memref<1x125x128xf32, #tpu.memory_space<vmem>>
        %dma_start3A_123 = tpu.memref_squeeze %dma_start3A_122 : memref<1x125x128xf32, #tpu.memory_space<vmem>> -> memref<125x128xf32, #tpu.memory_space<vmem>>
        %dma_start3A_124 = arith.constant 0 : i32
        %dma_start3A_125 = tpu.memref_slice %arg7[%add3A_104, %dma_start3A_124] : memref<40x125xi32, #tpu.memory_space<vmem>> -> memref<1x125xi32, #tpu.memory_space<vmem>>
        %dma_start3A_126 = tpu.memref_squeeze %dma_start3A_125 : memref<1x125xi32, #tpu.memory_space<vmem>> -> memref<125xi32, #tpu.memory_space<vmem>>
        %dma_start3A_127 = arith.constant 0 : i32
        %dma_start3A_128 = arith.constant 0 : i32
        %dma_start3A_129 = tpu.memref_slice %arg9[%dma_start3A_127, %dma_start3A_128] : memref<10240x128xf32, #tpu.memory_space<vmem_shared>> -> memref<10240x128xf32, #tpu.memory_space<vmem_shared>>
        tpu.enqueue_indirect_dma source(%dma_start3A_123 : memref<125x128xf32, #tpu.memory_space<vmem>>) target(%dma_start3A_129 : memref<10240x128xf32, #tpu.memory_space<vmem_shared>>) offsets(%dma_start3A_126 : memref<125xi32, #tpu.memory_space<vmem>>) semaphore(%run_scoped3A_119 : memref<!tpu.dma_semaphore, #tpu.memory_space<semaphore_mem>>) {add = true}
        %dma_wait3A_130 = arith.constant 0 : i32
        %dma_wait3A_131 = arith.constant 0 : i32
        %dma_wait3A_132 = tpu.memref_slice %arg8[%run_scoped3A_118, %dma_wait3A_130, %dma_wait3A_131] : memref<2x125x128xf32, #tpu.memory_space<vmem>> -> memref<1x125x128xf32, #tpu.memory_space<vmem>>
        %dma_wait3A_133 = tpu.memref_squeeze %dma_wait3A_132 : memref<1x125x128xf32, #tpu.memory_space<vmem>> -> memref<125x128xf32, #tpu.memory_space<vmem>>
        %dma_wait3A_134 = arith.constant 0 : i32
        %dma_wait3A_135 = tpu.memref_slice %arg7[%add3A_104, %dma_wait3A_134] : memref<40x125xi32, #tpu.memory_space<vmem>> -> memref<1x125xi32, #tpu.memory_space<vmem>>
        %dma_wait3A_136 = tpu.memref_squeeze %dma_wait3A_135 : memref<1x125xi32, #tpu.memory_space<vmem>> -> memref<125xi32, #tpu.memory_space<vmem>>
        %dma_wait3A_137 = arith.constant 0 : i32
        %dma_wait3A_138 = arith.constant 0 : i32
        %dma_wait3A_139 = tpu.memref_slice %arg9[%dma_wait3A_137, %dma_wait3A_138] : memref<10240x128xf32, #tpu.memory_space<vmem_shared>> -> memref<10240x128xf32, #tpu.memory_space<vmem_shared>>
        tpu.wait_indirect_dma semaphore(%run_scoped3A_119 : memref<!tpu.dma_semaphore, #tpu.memory_space<semaphore_mem>>) src(%dma_wait3A_133 : memref<125x128xf32, #tpu.memory_space<vmem>>) dst(%dma_wait3A_139 : memref<10240x128xf32, #tpu.memory_space<vmem_shared>>)
        tpu.yield
      }) : () -> ()
    }
    %scan3A_66 = arith.constant 20 : i32
    %barrier3A_67 = arith.constant 0 : index
    tpu.barrier barrier_id(%barrier3A_67)
    %mul3A_68 = arith.constant 640 : i32
    %mul3A_69 = arith.muli %arg1, %mul3A_68 : i32
    %mul3A_70 = arith.constant 640 : i32
    %mul3A_71 = arith.muli %arg1, %mul3A_70 : i32
    "tpu.region"() ({
      %run_scoped3A_72 = tpu.sem_alloc : memref<!tpu.dma_semaphore, #tpu.memory_space<semaphore_mem>>
      %dma_start3A_73 = arith.constant 0 : i32
      %dma_start3A_74 = tpu.memref_slice %arg5[%arg0, %mul3A_71, %dma_start3A_73] : memref<2x10240x128xf32, #tpu.memory_space<hbm>> -> memref<1x640x128xf32, #tpu.memory_space<hbm>>
      %dma_start3A_75 = tpu.memref_squeeze %dma_start3A_74 : memref<1x640x128xf32, #tpu.memory_space<hbm>> -> memref<640x128xf32, #tpu.memory_space<hbm>>
      %dma_start3A_76 = arith.constant 0 : i32
      %dma_start3A_77 = tpu.memref_slice %arg9[%mul3A_69, %dma_start3A_76] : memref<10240x128xf32, #tpu.memory_space<vmem_shared>> -> memref<640x128xf32, #tpu.memory_space<vmem_shared>>
      tpu.enqueue_dma source(%dma_start3A_77 : memref<640x128xf32, #tpu.memory_space<vmem_shared>>) target(%dma_start3A_75 : memref<640x128xf32, #tpu.memory_space<hbm>>) target_semaphore(%run_scoped3A_72 : memref<!tpu.dma_semaphore, #tpu.memory_space<semaphore_mem>>)
      %dma_wait3A = arith.constant 0 : i32
      %dma_wait3A_78 = tpu.memref_slice %arg5[%arg0, %mul3A_71, %dma_wait3A] : memref<2x10240x128xf32, #tpu.memory_space<hbm>> -> memref<1x640x128xf32, #tpu.memory_space<hbm>>
      %dma_wait3A_79 = tpu.memref_squeeze %dma_wait3A_78 : memref<1x640x128xf32, #tpu.memory_space<hbm>> -> memref<640x128xf32, #tpu.memory_space<hbm>>
      %dma_wait3A_80 = arith.constant 0 : i32
      %dma_wait3A_81 = tpu.memref_slice %arg9[%mul3A_69, %dma_wait3A_80] : memref<10240x128xf32, #tpu.memory_space<vmem_shared>> -> memref<640x128xf32, #tpu.memory_space<vmem_shared>>
      tpu.wait_dma2 semaphore(%run_scoped3A_72 : memref<!tpu.dma_semaphore, #tpu.memory_space<semaphore_mem>>) src(%dma_wait3A_81 : memref<640x128xf32, #tpu.memory_space<vmem_shared>>) dst(%dma_wait3A_79 : memref<640x128xf32, #tpu.memory_space<hbm>>)
      tpu.yield
    }) : () -> ()
    return
  }
}

#map = affine_map<(d0, d1) -> (0, 0)>
#map1 = affine_map<(d0, d1) -> (0, 0, 0, 0)>
#map2 = affine_map<(d0, d1) -> (0, 0, 0)>
module attributes {stable_mosaic.version = 14 : i64} {
  func.func @_agg_kernel(%arg0: i32, %arg1: i32, %arg2: memref<10000x128xf32, #tpu.memory_space<hbm>>, %arg3: memref<2x16x80x125xi32, #tpu.memory_space<hbm>>, %arg4: memref<2x16x80x125xi32, #tpu.memory_space<hbm>>, %arg5: memref<2x10240x128xf32, #tpu.memory_space<hbm>>, %arg6: memref<40x125xi32, #tpu.memory_space<vmem>>, %arg7: memref<40x125xi32, #tpu.memory_space<vmem>>, %arg8: memref<2x125x128xf32, #tpu.memory_space<vmem>>, %arg9: memref<10240x128xf32, #tpu.memory_space<vmem_shared>>, %arg10: memref<!tpu.dma_semaphore, #tpu.memory_space<semaphore_mem>>) attributes {dimension_semantics = [#tpu.dimension_semantics<core_parallel>, #tpu.dimension_semantics<subcore_parallel>], iteration_bounds = array<i64: 2, 16>, scalar_prefetch = 0 : i64, scratch_operands = 5 : i64, tpu.core_type = #tpu.core_type<sc_vector_subcore>, window_params = [{transform_indices = #map}, {transform_indices = #map1}, {transform_indices = #map1}, {transform_indices = #map2}]} {
    %scan3A = arith.constant 0 : i32
    %scan3A_0 = arith.constant 0 : i32
    %scan3A_1 = arith.constant 125 : i32
    %scan3A_2 = arith.addi %scan3A_0, %scan3A_1 : i32
    %scan3A_3 = arith.constant 1 : i32
    scf.for %scan3A_72 = %scan3A_0 to %scan3A_2 step %scan3A_3  : i32 {
      %broadcast_in_dim3A = arith.constant 0.000000e+00 : f32
      %broadcast_in_dim3A_73 = vector.broadcast %broadcast_in_dim3A : f32 to vector<16xf32>
      %swap3A = arith.constant 0 : i32
      %swap3A_74 = arith.index_cast %swap3A : i32 to index
      %swap3A_75 = arith.index_cast %scan3A_72 : i32 to index
      %swap3A_76 = arith.constant 0 : index
      %swap3A_77 = tpu.vector_load %arg8[%swap3A_74, %swap3A_75, %swap3A_76] {strides = array<i32>} : memref<2x125x128xf32, #tpu.memory_space<vmem>>, vector<1x1x16xf32>,
      %swap3A_78 = vector.shape_cast %swap3A_77 : vector<1x1x16xf32> to vector<16xf32>
      %swap3A_79 = vector.shape_cast %broadcast_in_dim3A_73 : vector<16xf32> to vector<1x1x16xf32>
      tpu.vector_store %arg8[%swap3A_74, %swap3A_75, %swap3A_76], %swap3A_79 {strides = array<i32>} : memref<2x125x128xf32, #tpu.memory_space<vmem>>, vector<1x1x16xf32>,
      %broadcast_in_dim3A_80 = arith.constant 0.000000e+00 : f32
      %broadcast_in_dim3A_81 = vector.broadcast %broadcast_in_dim3A_80 : f32 to vector<16xf32>
      %swap3A_82 = arith.constant 0 : i32
      %swap3A_83 = arith.index_cast %swap3A_82 : i32 to index
      %swap3A_84 = arith.index_cast %scan3A_72 : i32 to index
      %swap3A_85 = arith.constant 16 : index
      %swap3A_86 = tpu.vector_load %arg8[%swap3A_83, %swap3A_84, %swap3A_85] {strides = array<i32>} : memref<2x125x128xf32, #tpu.memory_space<vmem>>, vector<1x1x16xf32>,
      %swap3A_87 = vector.shape_cast %swap3A_86 : vector<1x1x16xf32> to vector<16xf32>
      %swap3A_88 = vector.shape_cast %broadcast_in_dim3A_81 : vector<16xf32> to vector<1x1x16xf32>
      tpu.vector_store %arg8[%swap3A_83, %swap3A_84, %swap3A_85], %swap3A_88 {strides = array<i32>} : memref<2x125x128xf32, #tpu.memory_space<vmem>>, vector<1x1x16xf32>,
      %broadcast_in_dim3A_89 = arith.constant 0.000000e+00 : f32
      %broadcast_in_dim3A_90 = vector.broadcast %broadcast_in_dim3A_89 : f32 to vector<16xf32>
      %swap3A_91 = arith.constant 0 : i32
      %swap3A_92 = arith.index_cast %swap3A_91 : i32 to index
      %swap3A_93 = arith.index_cast %scan3A_72 : i32 to index
      %swap3A_94 = arith.constant 32 : index
      %swap3A_95 = tpu.vector_load %arg8[%swap3A_92, %swap3A_93, %swap3A_94] {strides = array<i32>} : memref<2x125x128xf32, #tpu.memory_space<vmem>>, vector<1x1x16xf32>,
      %swap3A_96 = vector.shape_cast %swap3A_95 : vector<1x1x16xf32> to vector<16xf32>
      %swap3A_97 = vector.shape_cast %broadcast_in_dim3A_90 : vector<16xf32> to vector<1x1x16xf32>
      tpu.vector_store %arg8[%swap3A_92, %swap3A_93, %swap3A_94], %swap3A_97 {strides = array<i32>} : memref<2x125x128xf32, #tpu.memory_space<vmem>>, vector<1x1x16xf32>,
      %broadcast_in_dim3A_98 = arith.constant 0.000000e+00 : f32
      %broadcast_in_dim3A_99 = vector.broadcast %broadcast_in_dim3A_98 : f32 to vector<16xf32>
      %swap3A_100 = arith.constant 0 : i32
      %swap3A_101 = arith.index_cast %swap3A_100 : i32 to index
      %swap3A_102 = arith.index_cast %scan3A_72 : i32 to index
      %swap3A_103 = arith.constant 48 : index
      %swap3A_104 = tpu.vector_load %arg8[%swap3A_101, %swap3A_102, %swap3A_103] {strides = array<i32>} : memref<2x125x128xf32, #tpu.memory_space<vmem>>, vector<1x1x16xf32>,
      %swap3A_105 = vector.shape_cast %swap3A_104 : vector<1x1x16xf32> to vector<16xf32>
      %swap3A_106 = vector.shape_cast %broadcast_in_dim3A_99 : vector<16xf32> to vector<1x1x16xf32>
      tpu.vector_store %arg8[%swap3A_101, %swap3A_102, %swap3A_103], %swap3A_106 {strides = array<i32>} : memref<2x125x128xf32, #tpu.memory_space<vmem>>, vector<1x1x16xf32>,
      %broadcast_in_dim3A_107 = arith.constant 0.000000e+00 : f32
      %broadcast_in_dim3A_108 = vector.broadcast %broadcast_in_dim3A_107 : f32 to vector<16xf32>
      %swap3A_109 = arith.constant 0 : i32
      %swap3A_110 = arith.index_cast %swap3A_109 : i32 to index
      %swap3A_111 = arith.index_cast %scan3A_72 : i32 to index
      %swap3A_112 = arith.constant 64 : index
      %swap3A_113 = tpu.vector_load %arg8[%swap3A_110, %swap3A_111, %swap3A_112] {strides = array<i32>} : memref<2x125x128xf32, #tpu.memory_space<vmem>>, vector<1x1x16xf32>,
      %swap3A_114 = vector.shape_cast %swap3A_113 : vector<1x1x16xf32> to vector<16xf32>
      %swap3A_115 = vector.shape_cast %broadcast_in_dim3A_108 : vector<16xf32> to vector<1x1x16xf32>
      tpu.vector_store %arg8[%swap3A_110, %swap3A_111, %swap3A_112], %swap3A_115 {strides = array<i32>} : memref<2x125x128xf32, #tpu.memory_space<vmem>>, vector<1x1x16xf32>,
      %broadcast_in_dim3A_116 = arith.constant 0.000000e+00 : f32
      %broadcast_in_dim3A_117 = vector.broadcast %broadcast_in_dim3A_116 : f32 to vector<16xf32>
      %swap3A_118 = arith.constant 0 : i32
      %swap3A_119 = arith.index_cast %swap3A_118 : i32 to index
      %swap3A_120 = arith.index_cast %scan3A_72 : i32 to index
      %swap3A_121 = arith.constant 80 : index
      %swap3A_122 = tpu.vector_load %arg8[%swap3A_119, %swap3A_120, %swap3A_121] {strides = array<i32>} : memref<2x125x128xf32, #tpu.memory_space<vmem>>, vector<1x1x16xf32>,
      %swap3A_123 = vector.shape_cast %swap3A_122 : vector<1x1x16xf32> to vector<16xf32>
      %swap3A_124 = vector.shape_cast %broadcast_in_dim3A_117 : vector<16xf32> to vector<1x1x16xf32>
      tpu.vector_store %arg8[%swap3A_119, %swap3A_120, %swap3A_121], %swap3A_124 {strides = array<i32>} : memref<2x125x128xf32, #tpu.memory_space<vmem>>, vector<1x1x16xf32>,
      %broadcast_in_dim3A_125 = arith.constant 0.000000e+00 : f32
      %broadcast_in_dim3A_126 = vector.broadcast %broadcast_in_dim3A_125 : f32 to vector<16xf32>
      %swap3A_127 = arith.constant 0 : i32
      %swap3A_128 = arith.index_cast %swap3A_127 : i32 to index
      %swap3A_129 = arith.index_cast %scan3A_72 : i32 to index
      %swap3A_130 = arith.constant 96 : index
      %swap3A_131 = tpu.vector_load %arg8[%swap3A_128, %swap3A_129, %swap3A_130] {strides = array<i32>} : memref<2x125x128xf32, #tpu.memory_space<vmem>>, vector<1x1x16xf32>,
      %swap3A_132 = vector.shape_cast %swap3A_131 : vector<1x1x16xf32> to vector<16xf32>
      %swap3A_133 = vector.shape_cast %broadcast_in_dim3A_126 : vector<16xf32> to vector<1x1x16xf32>
      tpu.vector_store %arg8[%swap3A_128, %swap3A_129, %swap3A_130], %swap3A_133 {strides = array<i32>} : memref<2x125x128xf32, #tpu.memory_space<vmem>>, vector<1x1x16xf32>,
      %broadcast_in_dim3A_134 = arith.constant 0.000000e+00 : f32
      %broadcast_in_dim3A_135 = vector.broadcast %broadcast_in_dim3A_134 : f32 to vector<16xf32>
      %swap3A_136 = arith.constant 0 : i32
      %swap3A_137 = arith.index_cast %swap3A_136 : i32 to index
      %swap3A_138 = arith.index_cast %scan3A_72 : i32 to index
      %swap3A_139 = arith.constant 112 : index
      %swap3A_140 = tpu.vector_load %arg8[%swap3A_137, %swap3A_138, %swap3A_139] {strides = array<i32>} : memref<2x125x128xf32, #tpu.memory_space<vmem>>, vector<1x1x16xf32>,
      %swap3A_141 = vector.shape_cast %swap3A_140 : vector<1x1x16xf32> to vector<16xf32>
      %swap3A_142 = vector.shape_cast %broadcast_in_dim3A_135 : vector<16xf32> to vector<1x1x16xf32>
      tpu.vector_store %arg8[%swap3A_137, %swap3A_138, %swap3A_139], %swap3A_142 {strides = array<i32>} : memref<2x125x128xf32, #tpu.memory_space<vmem>>, vector<1x1x16xf32>,
    }
    %scan3A_4 = arith.constant 125 : i32
    %mul3A = arith.constant 640 : i32
    %mul3A_5 = arith.muli %arg1, %mul3A : i32
    %add3A = arith.constant 0 : i32
    %add3A_6 = arith.addi %mul3A_5, %add3A : i32
    %run_scoped3A = arith.constant 0 : i32
    "tpu.region"() ({
      %run_scoped3A_72 = tpu.sem_alloc : memref<!tpu.dma_semaphore, #tpu.memory_space<semaphore_mem>>
      %dma_start3A_73 = arith.constant 0 : i32
      %dma_start3A_74 = arith.constant 0 : i32
      %dma_start3A_75 = tpu.memref_slice %arg8[%run_scoped3A, %dma_start3A_73, %dma_start3A_74] : memref<2x125x128xf32, #tpu.memory_space<vmem>> -> memref<1x125x128xf32, #tpu.memory_space<vmem>>
      %dma_start3A_76 = tpu.memref_squeeze %dma_start3A_75 : memref<1x125x128xf32, #tpu.memory_space<vmem>> -> memref<125x128xf32, #tpu.memory_space<vmem>>
      %dma_start3A_77 = arith.constant 0 : i32
      %dma_start3A_78 = tpu.memref_slice %arg9[%add3A_6, %dma_start3A_77] : memref<10240x128xf32, #tpu.memory_space<vmem_shared>> -> memref<125x128xf32, #tpu.memory_space<vmem_shared>>
      %dma_start3A_79 = arith.constant 0 : i32
      %dma_start3A_80 = tpu.memref_slice %arg9[%add3A_6, %dma_start3A_79] : memref<10240x128xf32, #tpu.memory_space<vmem_shared>> -> memref<125x128xf32, #tpu.memory_space<vmem_shared>>
      %dma_start3A_81 = arith.constant 0 : i32
      %dma_start3A_82 = arith.constant 0 : i32
      %dma_start3A_83 = tpu.memref_slice %arg8[%run_scoped3A, %dma_start3A_81, %dma_start3A_82] : memref<2x125x128xf32, #tpu.memory_space<vmem>> -> memref<1x125x128xf32, #tpu.memory_space<vmem>>
      %dma_start3A_84 = tpu.memref_squeeze %dma_start3A_83 : memref<1x125x128xf32, #tpu.memory_space<vmem>> -> memref<125x128xf32, #tpu.memory_space<vmem>>
      tpu.enqueue_dma source(%dma_start3A_84 : memref<125x128xf32, #tpu.memory_space<vmem>>) target(%dma_start3A_80 : memref<125x128xf32, #tpu.memory_space<vmem_shared>>) target_semaphore(%run_scoped3A_72 : memref<!tpu.dma_semaphore, #tpu.memory_space<semaphore_mem>>)
      %dma_wait3A = arith.constant 0 : i32
      %dma_wait3A_85 = arith.constant 0 : i32
      %dma_wait3A_86 = tpu.memref_slice %arg8[%run_scoped3A, %dma_wait3A, %dma_wait3A_85] : memref<2x125x128xf32, #tpu.memory_space<vmem>> -> memref<1x125x128xf32, #tpu.memory_space<vmem>>
      %dma_wait3A_87 = tpu.memref_squeeze %dma_wait3A_86 : memref<1x125x128xf32, #tpu.memory_space<vmem>> -> memref<125x128xf32, #tpu.memory_space<vmem>>
      %dma_wait3A_88 = arith.constant 0 : i32
      %dma_wait3A_89 = tpu.memref_slice %arg9[%add3A_6, %dma_wait3A_88] : memref<10240x128xf32, #tpu.memory_space<vmem_shared>> -> memref<125x128xf32, #tpu.memory_space<vmem_shared>>
      %dma_wait3A_90 = arith.constant 0 : i32
      %dma_wait3A_91 = tpu.memref_slice %arg9[%add3A_6, %dma_wait3A_90] : memref<10240x128xf32, #tpu.memory_space<vmem_shared>> -> memref<125x128xf32, #tpu.memory_space<vmem_shared>>
      %dma_wait3A_92 = arith.constant 0 : i32
      %dma_wait3A_93 = arith.constant 0 : i32
      %dma_wait3A_94 = tpu.memref_slice %arg8[%run_scoped3A, %dma_wait3A_92, %dma_wait3A_93] : memref<2x125x128xf32, #tpu.memory_space<vmem>> -> memref<1x125x128xf32, #tpu.memory_space<vmem>>
      %dma_wait3A_95 = tpu.memref_squeeze %dma_wait3A_94 : memref<1x125x128xf32, #tpu.memory_space<vmem>> -> memref<125x128xf32, #tpu.memory_space<vmem>>
      tpu.wait_dma2 semaphore(%run_scoped3A_72 : memref<!tpu.dma_semaphore, #tpu.memory_space<semaphore_mem>>) src(%dma_wait3A_95 : memref<125x128xf32, #tpu.memory_space<vmem>>) dst(%dma_wait3A_91 : memref<125x128xf32, #tpu.memory_space<vmem_shared>>)
      tpu.yield
    }) : () -> ()
    %mul3A_7 = arith.constant 640 : i32
    %mul3A_8 = arith.muli %arg1, %mul3A_7 : i32
    %add3A_9 = arith.constant 125 : i32
    %add3A_10 = arith.addi %mul3A_8, %add3A_9 : i32
    %run_scoped3A_11 = arith.constant 0 : i32
    "tpu.region"() ({
      %run_scoped3A_72 = tpu.sem_alloc : memref<!tpu.dma_semaphore, #tpu.memory_space<semaphore_mem>>
      %dma_start3A_73 = arith.constant 0 : i32
      %dma_start3A_74 = arith.constant 0 : i32
      %dma_start3A_75 = tpu.memref_slice %arg8[%run_scoped3A_11, %dma_start3A_73, %dma_start3A_74] : memref<2x125x128xf32, #tpu.memory_space<vmem>> -> memref<1x125x128xf32, #tpu.memory_space<vmem>>
      %dma_start3A_76 = tpu.memref_squeeze %dma_start3A_75 : memref<1x125x128xf32, #tpu.memory_space<vmem>> -> memref<125x128xf32, #tpu.memory_space<vmem>>
      %dma_start3A_77 = arith.constant 0 : i32
      %dma_start3A_78 = tpu.memref_slice %arg9[%add3A_10, %dma_start3A_77] : memref<10240x128xf32, #tpu.memory_space<vmem_shared>> -> memref<125x128xf32, #tpu.memory_space<vmem_shared>>
      %dma_start3A_79 = arith.constant 0 : i32
      %dma_start3A_80 = tpu.memref_slice %arg9[%add3A_10, %dma_start3A_79] : memref<10240x128xf32, #tpu.memory_space<vmem_shared>> -> memref<125x128xf32, #tpu.memory_space<vmem_shared>>
      %dma_start3A_81 = arith.constant 0 : i32
      %dma_start3A_82 = arith.constant 0 : i32
      %dma_start3A_83 = tpu.memref_slice %arg8[%run_scoped3A_11, %dma_start3A_81, %dma_start3A_82] : memref<2x125x128xf32, #tpu.memory_space<vmem>> -> memref<1x125x128xf32, #tpu.memory_space<vmem>>
      %dma_start3A_84 = tpu.memref_squeeze %dma_start3A_83 : memref<1x125x128xf32, #tpu.memory_space<vmem>> -> memref<125x128xf32, #tpu.memory_space<vmem>>
      tpu.enqueue_dma source(%dma_start3A_84 : memref<125x128xf32, #tpu.memory_space<vmem>>) target(%dma_start3A_80 : memref<125x128xf32, #tpu.memory_space<vmem_shared>>) target_semaphore(%run_scoped3A_72 : memref<!tpu.dma_semaphore, #tpu.memory_space<semaphore_mem>>)
      %dma_wait3A = arith.constant 0 : i32
      %dma_wait3A_85 = arith.constant 0 : i32
      %dma_wait3A_86 = tpu.memref_slice %arg8[%run_scoped3A_11, %dma_wait3A, %dma_wait3A_85] : memref<2x125x128xf32, #tpu.memory_space<vmem>> -> memref<1x125x128xf32, #tpu.memory_space<vmem>>
      %dma_wait3A_87 = tpu.memref_squeeze %dma_wait3A_86 : memref<1x125x128xf32, #tpu.memory_space<vmem>> -> memref<125x128xf32, #tpu.memory_space<vmem>>
      %dma_wait3A_88 = arith.constant 0 : i32
      %dma_wait3A_89 = tpu.memref_slice %arg9[%add3A_10, %dma_wait3A_88] : memref<10240x128xf32, #tpu.memory_space<vmem_shared>> -> memref<125x128xf32, #tpu.memory_space<vmem_shared>>
      %dma_wait3A_90 = arith.constant 0 : i32
      %dma_wait3A_91 = tpu.memref_slice %arg9[%add3A_10, %dma_wait3A_90] : memref<10240x128xf32, #tpu.memory_space<vmem_shared>> -> memref<125x128xf32, #tpu.memory_space<vmem_shared>>
      %dma_wait3A_92 = arith.constant 0 : i32
      %dma_wait3A_93 = arith.constant 0 : i32
      %dma_wait3A_94 = tpu.memref_slice %arg8[%run_scoped3A_11, %dma_wait3A_92, %dma_wait3A_93] : memref<2x125x128xf32, #tpu.memory_space<vmem>> -> memref<1x125x128xf32, #tpu.memory_space<vmem>>
      %dma_wait3A_95 = tpu.memref_squeeze %dma_wait3A_94 : memref<1x125x128xf32, #tpu.memory_space<vmem>> -> memref<125x128xf32, #tpu.memory_space<vmem>>
      tpu.wait_dma2 semaphore(%run_scoped3A_72 : memref<!tpu.dma_semaphore, #tpu.memory_space<semaphore_mem>>) src(%dma_wait3A_95 : memref<125x128xf32, #tpu.memory_space<vmem>>) dst(%dma_wait3A_91 : memref<125x128xf32, #tpu.memory_space<vmem_shared>>)
      tpu.yield
    }) : () -> ()
    %mul3A_12 = arith.constant 640 : i32
    %mul3A_13 = arith.muli %arg1, %mul3A_12 : i32
    %add3A_14 = arith.constant 250 : i32
    %add3A_15 = arith.addi %mul3A_13, %add3A_14 : i32
    %run_scoped3A_16 = arith.constant 0 : i32
    "tpu.region"() ({
      %run_scoped3A_72 = tpu.sem_alloc : memref<!tpu.dma_semaphore, #tpu.memory_space<semaphore_mem>>
      %dma_start3A_73 = arith.constant 0 : i32
      %dma_start3A_74 = arith.constant 0 : i32
      %dma_start3A_75 = tpu.memref_slice %arg8[%run_scoped3A_16, %dma_start3A_73, %dma_start3A_74] : memref<2x125x128xf32, #tpu.memory_space<vmem>> -> memref<1x125x128xf32, #tpu.memory_space<vmem>>
      %dma_start3A_76 = tpu.memref_squeeze %dma_start3A_75 : memref<1x125x128xf32, #tpu.memory_space<vmem>> -> memref<125x128xf32, #tpu.memory_space<vmem>>
      %dma_start3A_77 = arith.constant 0 : i32
      %dma_start3A_78 = tpu.memref_slice %arg9[%add3A_15, %dma_start3A_77] : memref<10240x128xf32, #tpu.memory_space<vmem_shared>> -> memref<125x128xf32, #tpu.memory_space<vmem_shared>>
      %dma_start3A_79 = arith.constant 0 : i32
      %dma_start3A_80 = tpu.memref_slice %arg9[%add3A_15, %dma_start3A_79] : memref<10240x128xf32, #tpu.memory_space<vmem_shared>> -> memref<125x128xf32, #tpu.memory_space<vmem_shared>>
      %dma_start3A_81 = arith.constant 0 : i32
      %dma_start3A_82 = arith.constant 0 : i32
      %dma_start3A_83 = tpu.memref_slice %arg8[%run_scoped3A_16, %dma_start3A_81, %dma_start3A_82] : memref<2x125x128xf32, #tpu.memory_space<vmem>> -> memref<1x125x128xf32, #tpu.memory_space<vmem>>
      %dma_start3A_84 = tpu.memref_squeeze %dma_start3A_83 : memref<1x125x128xf32, #tpu.memory_space<vmem>> -> memref<125x128xf32, #tpu.memory_space<vmem>>
      tpu.enqueue_dma source(%dma_start3A_84 : memref<125x128xf32, #tpu.memory_space<vmem>>) target(%dma_start3A_80 : memref<125x128xf32, #tpu.memory_space<vmem_shared>>) target_semaphore(%run_scoped3A_72 : memref<!tpu.dma_semaphore, #tpu.memory_space<semaphore_mem>>)
      %dma_wait3A = arith.constant 0 : i32
      %dma_wait3A_85 = arith.constant 0 : i32
      %dma_wait3A_86 = tpu.memref_slice %arg8[%run_scoped3A_16, %dma_wait3A, %dma_wait3A_85] : memref<2x125x128xf32, #tpu.memory_space<vmem>> -> memref<1x125x128xf32, #tpu.memory_space<vmem>>
      %dma_wait3A_87 = tpu.memref_squeeze %dma_wait3A_86 : memref<1x125x128xf32, #tpu.memory_space<vmem>> -> memref<125x128xf32, #tpu.memory_space<vmem>>
      %dma_wait3A_88 = arith.constant 0 : i32
      %dma_wait3A_89 = tpu.memref_slice %arg9[%add3A_15, %dma_wait3A_88] : memref<10240x128xf32, #tpu.memory_space<vmem_shared>> -> memref<125x128xf32, #tpu.memory_space<vmem_shared>>
      %dma_wait3A_90 = arith.constant 0 : i32
      %dma_wait3A_91 = tpu.memref_slice %arg9[%add3A_15, %dma_wait3A_90] : memref<10240x128xf32, #tpu.memory_space<vmem_shared>> -> memref<125x128xf32, #tpu.memory_space<vmem_shared>>
      %dma_wait3A_92 = arith.constant 0 : i32
      %dma_wait3A_93 = arith.constant 0 : i32
      %dma_wait3A_94 = tpu.memref_slice %arg8[%run_scoped3A_16, %dma_wait3A_92, %dma_wait3A_93] : memref<2x125x128xf32, #tpu.memory_space<vmem>> -> memref<1x125x128xf32, #tpu.memory_space<vmem>>
      %dma_wait3A_95 = tpu.memref_squeeze %dma_wait3A_94 : memref<1x125x128xf32, #tpu.memory_space<vmem>> -> memref<125x128xf32, #tpu.memory_space<vmem>>
      tpu.wait_dma2 semaphore(%run_scoped3A_72 : memref<!tpu.dma_semaphore, #tpu.memory_space<semaphore_mem>>) src(%dma_wait3A_95 : memref<125x128xf32, #tpu.memory_space<vmem>>) dst(%dma_wait3A_91 : memref<125x128xf32, #tpu.memory_space<vmem_shared>>)
      tpu.yield
    }) : () -> ()
    %mul3A_17 = arith.constant 640 : i32
    %mul3A_18 = arith.muli %arg1, %mul3A_17 : i32
    %add3A_19 = arith.constant 375 : i32
    %add3A_20 = arith.addi %mul3A_18, %add3A_19 : i32
    %run_scoped3A_21 = arith.constant 0 : i32
    "tpu.region"() ({
      %run_scoped3A_72 = tpu.sem_alloc : memref<!tpu.dma_semaphore, #tpu.memory_space<semaphore_mem>>
      %dma_start3A_73 = arith.constant 0 : i32
      %dma_start3A_74 = arith.constant 0 : i32
      %dma_start3A_75 = tpu.memref_slice %arg8[%run_scoped3A_21, %dma_start3A_73, %dma_start3A_74] : memref<2x125x128xf32, #tpu.memory_space<vmem>> -> memref<1x125x128xf32, #tpu.memory_space<vmem>>
      %dma_start3A_76 = tpu.memref_squeeze %dma_start3A_75 : memref<1x125x128xf32, #tpu.memory_space<vmem>> -> memref<125x128xf32, #tpu.memory_space<vmem>>
      %dma_start3A_77 = arith.constant 0 : i32
      %dma_start3A_78 = tpu.memref_slice %arg9[%add3A_20, %dma_start3A_77] : memref<10240x128xf32, #tpu.memory_space<vmem_shared>> -> memref<125x128xf32, #tpu.memory_space<vmem_shared>>
      %dma_start3A_79 = arith.constant 0 : i32
      %dma_start3A_80 = tpu.memref_slice %arg9[%add3A_20, %dma_start3A_79] : memref<10240x128xf32, #tpu.memory_space<vmem_shared>> -> memref<125x128xf32, #tpu.memory_space<vmem_shared>>
      %dma_start3A_81 = arith.constant 0 : i32
      %dma_start3A_82 = arith.constant 0 : i32
      %dma_start3A_83 = tpu.memref_slice %arg8[%run_scoped3A_21, %dma_start3A_81, %dma_start3A_82] : memref<2x125x128xf32, #tpu.memory_space<vmem>> -> memref<1x125x128xf32, #tpu.memory_space<vmem>>
      %dma_start3A_84 = tpu.memref_squeeze %dma_start3A_83 : memref<1x125x128xf32, #tpu.memory_space<vmem>> -> memref<125x128xf32, #tpu.memory_space<vmem>>
      tpu.enqueue_dma source(%dma_start3A_84 : memref<125x128xf32, #tpu.memory_space<vmem>>) target(%dma_start3A_80 : memref<125x128xf32, #tpu.memory_space<vmem_shared>>) target_semaphore(%run_scoped3A_72 : memref<!tpu.dma_semaphore, #tpu.memory_space<semaphore_mem>>)
      %dma_wait3A = arith.constant 0 : i32
      %dma_wait3A_85 = arith.constant 0 : i32
      %dma_wait3A_86 = tpu.memref_slice %arg8[%run_scoped3A_21, %dma_wait3A, %dma_wait3A_85] : memref<2x125x128xf32, #tpu.memory_space<vmem>> -> memref<1x125x128xf32, #tpu.memory_space<vmem>>
      %dma_wait3A_87 = tpu.memref_squeeze %dma_wait3A_86 : memref<1x125x128xf32, #tpu.memory_space<vmem>> -> memref<125x128xf32, #tpu.memory_space<vmem>>
      %dma_wait3A_88 = arith.constant 0 : i32
      %dma_wait3A_89 = tpu.memref_slice %arg9[%add3A_20, %dma_wait3A_88] : memref<10240x128xf32, #tpu.memory_space<vmem_shared>> -> memref<125x128xf32, #tpu.memory_space<vmem_shared>>
      %dma_wait3A_90 = arith.constant 0 : i32
      %dma_wait3A_91 = tpu.memref_slice %arg9[%add3A_20, %dma_wait3A_90] : memref<10240x128xf32, #tpu.memory_space<vmem_shared>> -> memref<125x128xf32, #tpu.memory_space<vmem_shared>>
      %dma_wait3A_92 = arith.constant 0 : i32
      %dma_wait3A_93 = arith.constant 0 : i32
      %dma_wait3A_94 = tpu.memref_slice %arg8[%run_scoped3A_21, %dma_wait3A_92, %dma_wait3A_93] : memref<2x125x128xf32, #tpu.memory_space<vmem>> -> memref<1x125x128xf32, #tpu.memory_space<vmem>>
      %dma_wait3A_95 = tpu.memref_squeeze %dma_wait3A_94 : memref<1x125x128xf32, #tpu.memory_space<vmem>> -> memref<125x128xf32, #tpu.memory_space<vmem>>
      tpu.wait_dma2 semaphore(%run_scoped3A_72 : memref<!tpu.dma_semaphore, #tpu.memory_space<semaphore_mem>>) src(%dma_wait3A_95 : memref<125x128xf32, #tpu.memory_space<vmem>>) dst(%dma_wait3A_91 : memref<125x128xf32, #tpu.memory_space<vmem_shared>>)
      tpu.yield
    }) : () -> ()
    %mul3A_22 = arith.constant 640 : i32
    %mul3A_23 = arith.muli %arg1, %mul3A_22 : i32
    %add3A_24 = arith.constant 500 : i32
    %add3A_25 = arith.addi %mul3A_23, %add3A_24 : i32
    %run_scoped3A_26 = arith.constant 0 : i32
    "tpu.region"() ({
      %run_scoped3A_72 = tpu.sem_alloc : memref<!tpu.dma_semaphore, #tpu.memory_space<semaphore_mem>>
      %dma_start3A_73 = arith.constant 0 : i32
      %dma_start3A_74 = arith.constant 0 : i32
      %dma_start3A_75 = tpu.memref_slice %arg8[%run_scoped3A_26, %dma_start3A_73, %dma_start3A_74] : memref<2x125x128xf32, #tpu.memory_space<vmem>> -> memref<1x125x128xf32, #tpu.memory_space<vmem>>
      %dma_start3A_76 = tpu.memref_squeeze %dma_start3A_75 : memref<1x125x128xf32, #tpu.memory_space<vmem>> -> memref<125x128xf32, #tpu.memory_space<vmem>>
      %dma_start3A_77 = arith.constant 0 : i32
      %dma_start3A_78 = tpu.memref_slice %arg9[%add3A_25, %dma_start3A_77] : memref<10240x128xf32, #tpu.memory_space<vmem_shared>> -> memref<125x128xf32, #tpu.memory_space<vmem_shared>>
      %dma_start3A_79 = arith.constant 0 : i32
      %dma_start3A_80 = tpu.memref_slice %arg9[%add3A_25, %dma_start3A_79] : memref<10240x128xf32, #tpu.memory_space<vmem_shared>> -> memref<125x128xf32, #tpu.memory_space<vmem_shared>>
      %dma_start3A_81 = arith.constant 0 : i32
      %dma_start3A_82 = arith.constant 0 : i32
      %dma_start3A_83 = tpu.memref_slice %arg8[%run_scoped3A_26, %dma_start3A_81, %dma_start3A_82] : memref<2x125x128xf32, #tpu.memory_space<vmem>> -> memref<1x125x128xf32, #tpu.memory_space<vmem>>
      %dma_start3A_84 = tpu.memref_squeeze %dma_start3A_83 : memref<1x125x128xf32, #tpu.memory_space<vmem>> -> memref<125x128xf32, #tpu.memory_space<vmem>>
      tpu.enqueue_dma source(%dma_start3A_84 : memref<125x128xf32, #tpu.memory_space<vmem>>) target(%dma_start3A_80 : memref<125x128xf32, #tpu.memory_space<vmem_shared>>) target_semaphore(%run_scoped3A_72 : memref<!tpu.dma_semaphore, #tpu.memory_space<semaphore_mem>>)
      %dma_wait3A = arith.constant 0 : i32
      %dma_wait3A_85 = arith.constant 0 : i32
      %dma_wait3A_86 = tpu.memref_slice %arg8[%run_scoped3A_26, %dma_wait3A, %dma_wait3A_85] : memref<2x125x128xf32, #tpu.memory_space<vmem>> -> memref<1x125x128xf32, #tpu.memory_space<vmem>>
      %dma_wait3A_87 = tpu.memref_squeeze %dma_wait3A_86 : memref<1x125x128xf32, #tpu.memory_space<vmem>> -> memref<125x128xf32, #tpu.memory_space<vmem>>
      %dma_wait3A_88 = arith.constant 0 : i32
      %dma_wait3A_89 = tpu.memref_slice %arg9[%add3A_25, %dma_wait3A_88] : memref<10240x128xf32, #tpu.memory_space<vmem_shared>> -> memref<125x128xf32, #tpu.memory_space<vmem_shared>>
      %dma_wait3A_90 = arith.constant 0 : i32
      %dma_wait3A_91 = tpu.memref_slice %arg9[%add3A_25, %dma_wait3A_90] : memref<10240x128xf32, #tpu.memory_space<vmem_shared>> -> memref<125x128xf32, #tpu.memory_space<vmem_shared>>
      %dma_wait3A_92 = arith.constant 0 : i32
      %dma_wait3A_93 = arith.constant 0 : i32
      %dma_wait3A_94 = tpu.memref_slice %arg8[%run_scoped3A_26, %dma_wait3A_92, %dma_wait3A_93] : memref<2x125x128xf32, #tpu.memory_space<vmem>> -> memref<1x125x128xf32, #tpu.memory_space<vmem>>
      %dma_wait3A_95 = tpu.memref_squeeze %dma_wait3A_94 : memref<1x125x128xf32, #tpu.memory_space<vmem>> -> memref<125x128xf32, #tpu.memory_space<vmem>>
      tpu.wait_dma2 semaphore(%run_scoped3A_72 : memref<!tpu.dma_semaphore, #tpu.memory_space<semaphore_mem>>) src(%dma_wait3A_95 : memref<125x128xf32, #tpu.memory_space<vmem>>) dst(%dma_wait3A_91 : memref<125x128xf32, #tpu.memory_space<vmem_shared>>)
      tpu.yield
    }) : () -> ()
    %mul3A_27 = arith.constant 640 : i32
    %mul3A_28 = arith.muli %arg1, %mul3A_27 : i32
    %add3A_29 = arith.constant 625 : i32
    %add3A_30 = arith.addi %mul3A_28, %add3A_29 : i32
    %run_scoped3A_31 = arith.constant 0 : i32
    "tpu.region"() ({
      %run_scoped3A_72 = tpu.sem_alloc : memref<!tpu.dma_semaphore, #tpu.memory_space<semaphore_mem>>
      %dma_start3A_73 = arith.constant 0 : i32
      %dma_start3A_74 = arith.constant 0 : i32
      %dma_start3A_75 = tpu.memref_slice %arg8[%run_scoped3A_31, %dma_start3A_73, %dma_start3A_74] : memref<2x125x128xf32, #tpu.memory_space<vmem>> -> memref<1x15x128xf32, #tpu.memory_space<vmem>>
      %dma_start3A_76 = tpu.memref_squeeze %dma_start3A_75 : memref<1x15x128xf32, #tpu.memory_space<vmem>> -> memref<15x128xf32, #tpu.memory_space<vmem>>
      %dma_start3A_77 = arith.constant 0 : i32
      %dma_start3A_78 = tpu.memref_slice %arg9[%add3A_30, %dma_start3A_77] : memref<10240x128xf32, #tpu.memory_space<vmem_shared>> -> memref<15x128xf32, #tpu.memory_space<vmem_shared>>
      %dma_start3A_79 = arith.constant 0 : i32
      %dma_start3A_80 = tpu.memref_slice %arg9[%add3A_30, %dma_start3A_79] : memref<10240x128xf32, #tpu.memory_space<vmem_shared>> -> memref<15x128xf32, #tpu.memory_space<vmem_shared>>
      %dma_start3A_81 = arith.constant 0 : i32
      %dma_start3A_82 = arith.constant 0 : i32
      %dma_start3A_83 = tpu.memref_slice %arg8[%run_scoped3A_31, %dma_start3A_81, %dma_start3A_82] : memref<2x125x128xf32, #tpu.memory_space<vmem>> -> memref<1x15x128xf32, #tpu.memory_space<vmem>>
      %dma_start3A_84 = tpu.memref_squeeze %dma_start3A_83 : memref<1x15x128xf32, #tpu.memory_space<vmem>> -> memref<15x128xf32, #tpu.memory_space<vmem>>
      tpu.enqueue_dma source(%dma_start3A_84 : memref<15x128xf32, #tpu.memory_space<vmem>>) target(%dma_start3A_80 : memref<15x128xf32, #tpu.memory_space<vmem_shared>>) target_semaphore(%run_scoped3A_72 : memref<!tpu.dma_semaphore, #tpu.memory_space<semaphore_mem>>)
      %dma_wait3A = arith.constant 0 : i32
      %dma_wait3A_85 = arith.constant 0 : i32
      %dma_wait3A_86 = tpu.memref_slice %arg8[%run_scoped3A_31, %dma_wait3A, %dma_wait3A_85] : memref<2x125x128xf32, #tpu.memory_space<vmem>> -> memref<1x15x128xf32, #tpu.memory_space<vmem>>
      %dma_wait3A_87 = tpu.memref_squeeze %dma_wait3A_86 : memref<1x15x128xf32, #tpu.memory_space<vmem>> -> memref<15x128xf32, #tpu.memory_space<vmem>>
      %dma_wait3A_88 = arith.constant 0 : i32
      %dma_wait3A_89 = tpu.memref_slice %arg9[%add3A_30, %dma_wait3A_88] : memref<10240x128xf32, #tpu.memory_space<vmem_shared>> -> memref<15x128xf32, #tpu.memory_space<vmem_shared>>
      %dma_wait3A_90 = arith.constant 0 : i32
      %dma_wait3A_91 = tpu.memref_slice %arg9[%add3A_30, %dma_wait3A_90] : memref<10240x128xf32, #tpu.memory_space<vmem_shared>> -> memref<15x128xf32, #tpu.memory_space<vmem_shared>>
      %dma_wait3A_92 = arith.constant 0 : i32
      %dma_wait3A_93 = arith.constant 0 : i32
      %dma_wait3A_94 = tpu.memref_slice %arg8[%run_scoped3A_31, %dma_wait3A_92, %dma_wait3A_93] : memref<2x125x128xf32, #tpu.memory_space<vmem>> -> memref<1x15x128xf32, #tpu.memory_space<vmem>>
      %dma_wait3A_95 = tpu.memref_squeeze %dma_wait3A_94 : memref<1x15x128xf32, #tpu.memory_space<vmem>> -> memref<15x128xf32, #tpu.memory_space<vmem>>
      tpu.wait_dma2 semaphore(%run_scoped3A_72 : memref<!tpu.dma_semaphore, #tpu.memory_space<semaphore_mem>>) src(%dma_wait3A_95 : memref<15x128xf32, #tpu.memory_space<vmem>>) dst(%dma_wait3A_91 : memref<15x128xf32, #tpu.memory_space<vmem_shared>>)
      tpu.yield
    }) : () -> ()
    %barrier3A = arith.constant 0 : index
    tpu.barrier barrier_id(%barrier3A)
    "tpu.region"() ({
      %run_scoped3A_72 = tpu.sem_alloc : memref<!tpu.dma_semaphore, #tpu.memory_space<semaphore_mem>>
      %dma_start3A_73 = arith.constant 0 : i32
      %dma_start3A_74 = arith.constant 0 : i32
      %dma_start3A_75 = tpu.memref_slice %arg3[%arg0, %arg1, %dma_start3A_73, %dma_start3A_74] : memref<2x16x80x125xi32, #tpu.memory_space<hbm>> -> memref<1x1x40x125xi32, #tpu.memory_space<hbm>>
      %dma_start3A_76 = tpu.memref_squeeze %dma_start3A_75 : memref<1x1x40x125xi32, #tpu.memory_space<hbm>> -> memref<40x125xi32, #tpu.memory_space<hbm>>
      %dma_start3A_77 = arith.constant 0 : i32
      %dma_start3A_78 = arith.constant 0 : i32
      %dma_start3A_79 = tpu.memref_slice %arg3[%arg0, %arg1, %dma_start3A_77, %dma_start3A_78] : memref<2x16x80x125xi32, #tpu.memory_space<hbm>> -> memref<1x1x40x125xi32, #tpu.memory_space<hbm>>
      %dma_start3A_80 = tpu.memref_squeeze %dma_start3A_79 : memref<1x1x40x125xi32, #tpu.memory_space<hbm>> -> memref<40x125xi32, #tpu.memory_space<hbm>>
      tpu.enqueue_dma source(%dma_start3A_80 : memref<40x125xi32, #tpu.memory_space<hbm>>) target(%arg6 : memref<40x125xi32, #tpu.memory_space<vmem>>) target_semaphore(%run_scoped3A_72 : memref<!tpu.dma_semaphore, #tpu.memory_space<semaphore_mem>>)
      %dma_wait3A = arith.constant 0 : i32
      %dma_wait3A_81 = arith.constant 0 : i32
      %dma_wait3A_82 = tpu.memref_slice %arg3[%arg0, %arg1, %dma_wait3A, %dma_wait3A_81] : memref<2x16x80x125xi32, #tpu.memory_space<hbm>> -> memref<1x1x40x125xi32, #tpu.memory_space<hbm>>
      %dma_wait3A_83 = tpu.memref_squeeze %dma_wait3A_82 : memref<1x1x40x125xi32, #tpu.memory_space<hbm>> -> memref<40x125xi32, #tpu.memory_space<hbm>>
      %dma_wait3A_84 = arith.constant 0 : i32
      %dma_wait3A_85 = arith.constant 0 : i32
      %dma_wait3A_86 = tpu.memref_slice %arg3[%arg0, %arg1, %dma_wait3A_84, %dma_wait3A_85] : memref<2x16x80x125xi32, #tpu.memory_space<hbm>> -> memref<1x1x40x125xi32, #tpu.memory_space<hbm>>
      %dma_wait3A_87 = tpu.memref_squeeze %dma_wait3A_86 : memref<1x1x40x125xi32, #tpu.memory_space<hbm>> -> memref<40x125xi32, #tpu.memory_space<hbm>>
      tpu.wait_dma2 semaphore(%run_scoped3A_72 : memref<!tpu.dma_semaphore, #tpu.memory_space<semaphore_mem>>) src(%dma_wait3A_87 : memref<40x125xi32, #tpu.memory_space<hbm>>) dst(%arg6 : memref<40x125xi32, #tpu.memory_space<vmem>>)
      tpu.yield
    }) : () -> ()
    "tpu.region"() ({
      %run_scoped3A_72 = tpu.sem_alloc : memref<!tpu.dma_semaphore, #tpu.memory_space<semaphore_mem>>
      %dma_start3A_73 = arith.constant 0 : i32
      %dma_start3A_74 = arith.constant 0 : i32
      %dma_start3A_75 = tpu.memref_slice %arg4[%arg0, %arg1, %dma_start3A_73, %dma_start3A_74] : memref<2x16x80x125xi32, #tpu.memory_space<hbm>> -> memref<1x1x40x125xi32, #tpu.memory_space<hbm>>
      %dma_start3A_76 = tpu.memref_squeeze %dma_start3A_75 : memref<1x1x40x125xi32, #tpu.memory_space<hbm>> -> memref<40x125xi32, #tpu.memory_space<hbm>>
      %dma_start3A_77 = arith.constant 0 : i32
      %dma_start3A_78 = arith.constant 0 : i32
      %dma_start3A_79 = tpu.memref_slice %arg4[%arg0, %arg1, %dma_start3A_77, %dma_start3A_78] : memref<2x16x80x125xi32, #tpu.memory_space<hbm>> -> memref<1x1x40x125xi32, #tpu.memory_space<hbm>>
      %dma_start3A_80 = tpu.memref_squeeze %dma_start3A_79 : memref<1x1x40x125xi32, #tpu.memory_space<hbm>> -> memref<40x125xi32, #tpu.memory_space<hbm>>
      tpu.enqueue_dma source(%dma_start3A_80 : memref<40x125xi32, #tpu.memory_space<hbm>>) target(%arg7 : memref<40x125xi32, #tpu.memory_space<vmem>>) target_semaphore(%run_scoped3A_72 : memref<!tpu.dma_semaphore, #tpu.memory_space<semaphore_mem>>)
      %dma_wait3A = arith.constant 0 : i32
      %dma_wait3A_81 = arith.constant 0 : i32
      %dma_wait3A_82 = tpu.memref_slice %arg4[%arg0, %arg1, %dma_wait3A, %dma_wait3A_81] : memref<2x16x80x125xi32, #tpu.memory_space<hbm>> -> memref<1x1x40x125xi32, #tpu.memory_space<hbm>>
      %dma_wait3A_83 = tpu.memref_squeeze %dma_wait3A_82 : memref<1x1x40x125xi32, #tpu.memory_space<hbm>> -> memref<40x125xi32, #tpu.memory_space<hbm>>
      %dma_wait3A_84 = arith.constant 0 : i32
      %dma_wait3A_85 = arith.constant 0 : i32
      %dma_wait3A_86 = tpu.memref_slice %arg4[%arg0, %arg1, %dma_wait3A_84, %dma_wait3A_85] : memref<2x16x80x125xi32, #tpu.memory_space<hbm>> -> memref<1x1x40x125xi32, #tpu.memory_space<hbm>>
      %dma_wait3A_87 = tpu.memref_squeeze %dma_wait3A_86 : memref<1x1x40x125xi32, #tpu.memory_space<hbm>> -> memref<40x125xi32, #tpu.memory_space<hbm>>
      tpu.wait_dma2 semaphore(%run_scoped3A_72 : memref<!tpu.dma_semaphore, #tpu.memory_space<semaphore_mem>>) src(%dma_wait3A_87 : memref<40x125xi32, #tpu.memory_space<hbm>>) dst(%arg7 : memref<40x125xi32, #tpu.memory_space<vmem>>)
      tpu.yield
    }) : () -> ()
    %dma_start3A = arith.constant 0 : i32
    %dma_start3A_32 = arith.constant 0 : i32
    %dma_start3A_33 = arith.constant 0 : i32
    %dma_start3A_34 = arith.constant 0 : i32
    %dma_start3A_35 = tpu.memref_slice %arg8[%dma_start3A_32, %dma_start3A_33, %dma_start3A_34] : memref<2x125x128xf32, #tpu.memory_space<vmem>> -> memref<1x125x128xf32, #tpu.memory_space<vmem>>
    %dma_start3A_36 = tpu.memref_squeeze %dma_start3A_35 : memref<1x125x128xf32, #tpu.memory_space<vmem>> -> memref<125x128xf32, #tpu.memory_space<vmem>>
    %dma_start3A_37 = arith.constant 0 : i32
    %dma_start3A_38 = tpu.memref_slice %arg6[%dma_start3A, %dma_start3A_37] : memref<40x125xi32, #tpu.memory_space<vmem>> -> memref<1x125xi32, #tpu.memory_space<vmem>>
    %dma_start3A_39 = tpu.memref_squeeze %dma_start3A_38 : memref<1x125xi32, #tpu.memory_space<vmem>> -> memref<125xi32, #tpu.memory_space<vmem>>
    %dma_start3A_40 = arith.constant 0 : i32
    %dma_start3A_41 = arith.constant 0 : i32
    %dma_start3A_42 = tpu.memref_slice %arg2[%dma_start3A_40, %dma_start3A_41] : memref<10000x128xf32, #tpu.memory_space<hbm>> -> memref<10000x128xf32, #tpu.memory_space<hbm>>
    tpu.enqueue_indirect_dma source(%dma_start3A_42 : memref<10000x128xf32, #tpu.memory_space<hbm>>) target(%dma_start3A_36 : memref<125x128xf32, #tpu.memory_space<vmem>>) offsets(%dma_start3A_39 : memref<125xi32, #tpu.memory_space<vmem>>) semaphore(%arg10 : memref<!tpu.dma_semaphore, #tpu.memory_space<semaphore_mem>>)
    %scan3A_43 = arith.constant 0 : i32
    %scan3A_44 = arith.constant 0 : i32
    %scan3A_45 = arith.constant 20 : i32
    %scan3A_46 = arith.addi %scan3A_44, %scan3A_45 : i32
    %scan3A_47 = arith.constant 1 : i32
    scf.for %scan3A_72 = %scan3A_44 to %scan3A_46 step %scan3A_47  : i32 {
      %mul3A_73 = arith.constant 2 : i32
      %mul3A_74 = arith.muli %scan3A_72, %mul3A_73 : i32
      %add3A_75 = arith.constant 0 : i32
      %add3A_76 = arith.addi %mul3A_74, %add3A_75 : i32
      %add3A_77 = arith.constant 1 : i32
      %add3A_78 = arith.addi %add3A_76, %add3A_77 : i32
      %dma_start3A_79 = arith.constant 1 : i32
      %dma_start3A_80 = arith.constant 0 : i32
      %dma_start3A_81 = arith.constant 0 : i32
      %dma_start3A_82 = tpu.memref_slice %arg8[%dma_start3A_79, %dma_start3A_80, %dma_start3A_81] : memref<2x125x128xf32, #tpu.memory_space<vmem>> -> memref<1x125x128xf32, #tpu.memory_space<vmem>>
      %dma_start3A_83 = tpu.memref_squeeze %dma_start3A_82 : memref<1x125x128xf32, #tpu.memory_space<vmem>> -> memref<125x128xf32, #tpu.memory_space<vmem>>
      %dma_start3A_84 = arith.constant 0 : i32
      %dma_start3A_85 = tpu.memref_slice %arg6[%add3A_78, %dma_start3A_84] : memref<40x125xi32, #tpu.memory_space<vmem>> -> memref<1x125xi32, #tpu.memory_space<vmem>>
      %dma_start3A_86 = tpu.memref_squeeze %dma_start3A_85 : memref<1x125xi32, #tpu.memory_space<vmem>> -> memref<125xi32, #tpu.memory_space<vmem>>
      %dma_start3A_87 = arith.constant 0 : i32
      %dma_start3A_88 = arith.constant 0 : i32
      %dma_start3A_89 = tpu.memref_slice %arg2[%dma_start3A_87, %dma_start3A_88] : memref<10000x128xf32, #tpu.memory_space<hbm>> -> memref<10000x128xf32, #tpu.memory_space<hbm>>
      tpu.enqueue_indirect_dma source(%dma_start3A_89 : memref<10000x128xf32, #tpu.memory_space<hbm>>) target(%dma_start3A_83 : memref<125x128xf32, #tpu.memory_space<vmem>>) offsets(%dma_start3A_86 : memref<125xi32, #tpu.memory_space<vmem>>) semaphore(%arg10 : memref<!tpu.dma_semaphore, #tpu.memory_space<semaphore_mem>>)
      %dma_wait3A = arith.constant 0 : i32
      %dma_wait3A_90 = arith.constant 0 : i32
      %dma_wait3A_91 = arith.constant 0 : i32
      %dma_wait3A_92 = tpu.memref_slice %arg8[%dma_wait3A, %dma_wait3A_90, %dma_wait3A_91] : memref<2x125x128xf32, #tpu.memory_space<vmem>> -> memref<1x125x128xf32, #tpu.memory_space<vmem>>
      %dma_wait3A_93 = tpu.memref_squeeze %dma_wait3A_92 : memref<1x125x128xf32, #tpu.memory_space<vmem>> -> memref<125x128xf32, #tpu.memory_space<vmem>>
      %dma_wait3A_94 = arith.constant 0 : i32
      %dma_wait3A_95 = tpu.memref_slice %arg6[%add3A_76, %dma_wait3A_94] : memref<40x125xi32, #tpu.memory_space<vmem>> -> memref<1x125xi32, #tpu.memory_space<vmem>>
      %dma_wait3A_96 = tpu.memref_squeeze %dma_wait3A_95 : memref<1x125xi32, #tpu.memory_space<vmem>> -> memref<125xi32, #tpu.memory_space<vmem>>
      %dma_wait3A_97 = arith.constant 0 : i32
      %dma_wait3A_98 = arith.constant 0 : i32
      %dma_wait3A_99 = tpu.memref_slice %arg2[%dma_wait3A_97, %dma_wait3A_98] : memref<10000x128xf32, #tpu.memory_space<hbm>> -> memref<10000x128xf32, #tpu.memory_space<hbm>>
      tpu.wait_indirect_dma semaphore(%arg10 : memref<!tpu.dma_semaphore, #tpu.memory_space<semaphore_mem>>) src(%dma_wait3A_99 : memref<10000x128xf32, #tpu.memory_space<hbm>>) dst(%dma_wait3A_93 : memref<125x128xf32, #tpu.memory_space<vmem>>)
      %run_scoped3A_100 = arith.constant 0 : i32
      "tpu.region"() ({
        %run_scoped3A_119 = tpu.sem_alloc : memref<!tpu.dma_semaphore, #tpu.memory_space<semaphore_mem>>
        %dma_start3A_120 = arith.constant 0 : i32
        %dma_start3A_121 = arith.constant 0 : i32
        %dma_start3A_122 = tpu.memref_slice %arg8[%run_scoped3A_100, %dma_start3A_120, %dma_start3A_121] : memref<2x125x128xf32, #tpu.memory_space<vmem>> -> memref<1x125x128xf32, #tpu.memory_space<vmem>>
        %dma_start3A_123 = tpu.memref_squeeze %dma_start3A_122 : memref<1x125x128xf32, #tpu.memory_space<vmem>> -> memref<125x128xf32, #tpu.memory_space<vmem>>
        %dma_start3A_124 = arith.constant 0 : i32
        %dma_start3A_125 = tpu.memref_slice %arg7[%add3A_76, %dma_start3A_124] : memref<40x125xi32, #tpu.memory_space<vmem>> -> memref<1x125xi32, #tpu.memory_space<vmem>>
        %dma_start3A_126 = tpu.memref_squeeze %dma_start3A_125 : memref<1x125xi32, #tpu.memory_space<vmem>> -> memref<125xi32, #tpu.memory_space<vmem>>
        %dma_start3A_127 = arith.constant 0 : i32
        %dma_start3A_128 = arith.constant 0 : i32
        %dma_start3A_129 = tpu.memref_slice %arg9[%dma_start3A_127, %dma_start3A_128] : memref<10240x128xf32, #tpu.memory_space<vmem_shared>> -> memref<10240x128xf32, #tpu.memory_space<vmem_shared>>
        tpu.enqueue_indirect_dma source(%dma_start3A_123 : memref<125x128xf32, #tpu.memory_space<vmem>>) target(%dma_start3A_129 : memref<10240x128xf32, #tpu.memory_space<vmem_shared>>) offsets(%dma_start3A_126 : memref<125xi32, #tpu.memory_space<vmem>>) semaphore(%run_scoped3A_119 : memref<!tpu.dma_semaphore, #tpu.memory_space<semaphore_mem>>) {add = true}
        %dma_wait3A_130 = arith.constant 0 : i32
        %dma_wait3A_131 = arith.constant 0 : i32
        %dma_wait3A_132 = tpu.memref_slice %arg8[%run_scoped3A_100, %dma_wait3A_130, %dma_wait3A_131] : memref<2x125x128xf32, #tpu.memory_space<vmem>> -> memref<1x125x128xf32, #tpu.memory_space<vmem>>
        %dma_wait3A_133 = tpu.memref_squeeze %dma_wait3A_132 : memref<1x125x128xf32, #tpu.memory_space<vmem>> -> memref<125x128xf32, #tpu.memory_space<vmem>>
        %dma_wait3A_134 = arith.constant 0 : i32
        %dma_wait3A_135 = tpu.memref_slice %arg7[%add3A_76, %dma_wait3A_134] : memref<40x125xi32, #tpu.memory_space<vmem>> -> memref<1x125xi32, #tpu.memory_space<vmem>>
        %dma_wait3A_136 = tpu.memref_squeeze %dma_wait3A_135 : memref<1x125xi32, #tpu.memory_space<vmem>> -> memref<125xi32, #tpu.memory_space<vmem>>
        %dma_wait3A_137 = arith.constant 0 : i32
        %dma_wait3A_138 = arith.constant 0 : i32
        %dma_wait3A_139 = tpu.memref_slice %arg9[%dma_wait3A_137, %dma_wait3A_138] : memref<10240x128xf32, #tpu.memory_space<vmem_shared>> -> memref<10240x128xf32, #tpu.memory_space<vmem_shared>>
        tpu.wait_indirect_dma semaphore(%run_scoped3A_119 : memref<!tpu.dma_semaphore, #tpu.memory_space<semaphore_mem>>) src(%dma_wait3A_133 : memref<125x128xf32, #tpu.memory_space<vmem>>) dst(%dma_wait3A_139 : memref<10240x128xf32, #tpu.memory_space<vmem_shared>>)
        tpu.yield
      }) : () -> ()
      %mul3A_101 = arith.constant 2 : i32
      %mul3A_102 = arith.muli %scan3A_72, %mul3A_101 : i32
      %add3A_103 = arith.constant 1 : i32
      %add3A_104 = arith.addi %mul3A_102, %add3A_103 : i32
      %ne3A = arith.constant 19 : i32
      %ne3A_105 = arith.cmpi ne, %scan3A_72, %ne3A : i32
      %convert_element_type3A = arith.extui %ne3A_105 : i1 to i32
      %cond3A = arith.constant 0 : i32
      %cond3A_106 = arith.cmpi ne, %convert_element_type3A, %cond3A : i32
      scf.if %cond3A_106 {
        %add3A_119 = arith.constant 1 : i32
        %add3A_120 = arith.addi %add3A_104, %add3A_119 : i32
        %dma_start3A_121 = arith.constant 0 : i32
        %dma_start3A_122 = arith.constant 0 : i32
        %dma_start3A_123 = arith.constant 0 : i32
        %dma_start3A_124 = tpu.memref_slice %arg8[%dma_start3A_121, %dma_start3A_122, %dma_start3A_123] : memref<2x125x128xf32, #tpu.memory_space<vmem>> -> memref<1x125x128xf32, #tpu.memory_space<vmem>>
        %dma_start3A_125 = tpu.memref_squeeze %dma_start3A_124 : memref<1x125x128xf32, #tpu.memory_space<vmem>> -> memref<125x128xf32, #tpu.memory_space<vmem>>
        %dma_start3A_126 = arith.constant 0 : i32
        %dma_start3A_127 = tpu.memref_slice %arg6[%add3A_120, %dma_start3A_126] : memref<40x125xi32, #tpu.memory_space<vmem>> -> memref<1x125xi32, #tpu.memory_space<vmem>>
        %dma_start3A_128 = tpu.memref_squeeze %dma_start3A_127 : memref<1x125xi32, #tpu.memory_space<vmem>> -> memref<125xi32, #tpu.memory_space<vmem>>
        %dma_start3A_129 = arith.constant 0 : i32
        %dma_start3A_130 = arith.constant 0 : i32
        %dma_start3A_131 = tpu.memref_slice %arg2[%dma_start3A_129, %dma_start3A_130] : memref<10000x128xf32, #tpu.memory_space<hbm>> -> memref<10000x128xf32, #tpu.memory_space<hbm>>
        tpu.enqueue_indirect_dma source(%dma_start3A_131 : memref<10000x128xf32, #tpu.memory_space<hbm>>) target(%dma_start3A_125 : memref<125x128xf32, #tpu.memory_space<vmem>>) offsets(%dma_start3A_128 : memref<125xi32, #tpu.memory_space<vmem>>) semaphore(%arg10 : memref<!tpu.dma_semaphore, #tpu.memory_space<semaphore_mem>>)
      } else {
      }
      %dma_wait3A_107 = arith.constant 1 : i32
      %dma_wait3A_108 = arith.constant 0 : i32
      %dma_wait3A_109 = arith.constant 0 : i32
      %dma_wait3A_110 = tpu.memref_slice %arg8[%dma_wait3A_107, %dma_wait3A_108, %dma_wait3A_109] : memref<2x125x128xf32, #tpu.memory_space<vmem>> -> memref<1x125x128xf32, #tpu.memory_space<vmem>>
      %dma_wait3A_111 = tpu.memref_squeeze %dma_wait3A_110 : memref<1x125x128xf32, #tpu.memory_space<vmem>> -> memref<125x128xf32, #tpu.memory_space<vmem>>
      %dma_wait3A_112 = arith.constant 0 : i32
      %dma_wait3A_113 = tpu.memref_slice %arg6[%add3A_104, %dma_wait3A_112] : memref<40x125xi32, #tpu.memory_space<vmem>> -> memref<1x125xi32, #tpu.memory_space<vmem>>
      %dma_wait3A_114 = tpu.memref_squeeze %dma_wait3A_113 : memref<1x125xi32, #tpu.memory_space<vmem>> -> memref<125xi32, #tpu.memory_space<vmem>>
      %dma_wait3A_115 = arith.constant 0 : i32
      %dma_wait3A_116 = arith.constant 0 : i32
      %dma_wait3A_117 = tpu.memref_slice %arg2[%dma_wait3A_115, %dma_wait3A_116] : memref<10000x128xf32, #tpu.memory_space<hbm>> -> memref<10000x128xf32, #tpu.memory_space<hbm>>
      tpu.wait_indirect_dma semaphore(%arg10 : memref<!tpu.dma_semaphore, #tpu.memory_space<semaphore_mem>>) src(%dma_wait3A_117 : memref<10000x128xf32, #tpu.memory_space<hbm>>) dst(%dma_wait3A_111 : memref<125x128xf32, #tpu.memory_space<vmem>>)
      %run_scoped3A_118 = arith.constant 1 : i32
      "tpu.region"() ({
        %run_scoped3A_119 = tpu.sem_alloc : memref<!tpu.dma_semaphore, #tpu.memory_space<semaphore_mem>>
        %dma_start3A_120 = arith.constant 0 : i32
        %dma_start3A_121 = arith.constant 0 : i32
        %dma_start3A_122 = tpu.memref_slice %arg8[%run_scoped3A_118, %dma_start3A_120, %dma_start3A_121] : memref<2x125x128xf32, #tpu.memory_space<vmem>> -> memref<1x125x128xf32, #tpu.memory_space<vmem>>
        %dma_start3A_123 = tpu.memref_squeeze %dma_start3A_122 : memref<1x125x128xf32, #tpu.memory_space<vmem>> -> memref<125x128xf32, #tpu.memory_space<vmem>>
        %dma_start3A_124 = arith.constant 0 : i32
        %dma_start3A_125 = tpu.memref_slice %arg7[%add3A_104, %dma_start3A_124] : memref<40x125xi32, #tpu.memory_space<vmem>> -> memref<1x125xi32, #tpu.memory_space<vmem>>
        %dma_start3A_126 = tpu.memref_squeeze %dma_start3A_125 : memref<1x125xi32, #tpu.memory_space<vmem>> -> memref<125xi32, #tpu.memory_space<vmem>>
        %dma_start3A_127 = arith.constant 0 : i32
        %dma_start3A_128 = arith.constant 0 : i32
        %dma_start3A_129 = tpu.memref_slice %arg9[%dma_start3A_127, %dma_start3A_128] : memref<10240x128xf32, #tpu.memory_space<vmem_shared>> -> memref<10240x128xf32, #tpu.memory_space<vmem_shared>>
        tpu.enqueue_indirect_dma source(%dma_start3A_123 : memref<125x128xf32, #tpu.memory_space<vmem>>) target(%dma_start3A_129 : memref<10240x128xf32, #tpu.memory_space<vmem_shared>>) offsets(%dma_start3A_126 : memref<125xi32, #tpu.memory_space<vmem>>) semaphore(%run_scoped3A_119 : memref<!tpu.dma_semaphore, #tpu.memory_space<semaphore_mem>>) {add = true}
        %dma_wait3A_130 = arith.constant 0 : i32
        %dma_wait3A_131 = arith.constant 0 : i32
        %dma_wait3A_132 = tpu.memref_slice %arg8[%run_scoped3A_118, %dma_wait3A_130, %dma_wait3A_131] : memref<2x125x128xf32, #tpu.memory_space<vmem>> -> memref<1x125x128xf32, #tpu.memory_space<vmem>>
        %dma_wait3A_133 = tpu.memref_squeeze %dma_wait3A_132 : memref<1x125x128xf32, #tpu.memory_space<vmem>> -> memref<125x128xf32, #tpu.memory_space<vmem>>
        %dma_wait3A_134 = arith.constant 0 : i32
        %dma_wait3A_135 = tpu.memref_slice %arg7[%add3A_104, %dma_wait3A_134] : memref<40x125xi32, #tpu.memory_space<vmem>> -> memref<1x125xi32, #tpu.memory_space<vmem>>
        %dma_wait3A_136 = tpu.memref_squeeze %dma_wait3A_135 : memref<1x125xi32, #tpu.memory_space<vmem>> -> memref<125xi32, #tpu.memory_space<vmem>>
        %dma_wait3A_137 = arith.constant 0 : i32
        %dma_wait3A_138 = arith.constant 0 : i32
        %dma_wait3A_139 = tpu.memref_slice %arg9[%dma_wait3A_137, %dma_wait3A_138] : memref<10240x128xf32, #tpu.memory_space<vmem_shared>> -> memref<10240x128xf32, #tpu.memory_space<vmem_shared>>
        tpu.wait_indirect_dma semaphore(%run_scoped3A_119 : memref<!tpu.dma_semaphore, #tpu.memory_space<semaphore_mem>>) src(%dma_wait3A_133 : memref<125x128xf32, #tpu.memory_space<vmem>>) dst(%dma_wait3A_139 : memref<10240x128xf32, #tpu.memory_space<vmem_shared>>)
        tpu.yield
      }) : () -> ()
    }
    %scan3A_48 = arith.constant 20 : i32
    "tpu.region"() ({
      %run_scoped3A_72 = tpu.sem_alloc : memref<!tpu.dma_semaphore, #tpu.memory_space<semaphore_mem>>
      %dma_start3A_73 = arith.constant 40 : i32
      %dma_start3A_74 = arith.constant 0 : i32
      %dma_start3A_75 = tpu.memref_slice %arg3[%arg0, %arg1, %dma_start3A_73, %dma_start3A_74] : memref<2x16x80x125xi32, #tpu.memory_space<hbm>> -> memref<1x1x40x125xi32, #tpu.memory_space<hbm>>
      %dma_start3A_76 = tpu.memref_squeeze %dma_start3A_75 : memref<1x1x40x125xi32, #tpu.memory_space<hbm>> -> memref<40x125xi32, #tpu.memory_space<hbm>>
      %dma_start3A_77 = arith.constant 40 : i32
      %dma_start3A_78 = arith.constant 0 : i32
      %dma_start3A_79 = tpu.memref_slice %arg3[%arg0, %arg1, %dma_start3A_77, %dma_start3A_78] : memref<2x16x80x125xi32, #tpu.memory_space<hbm>> -> memref<1x1x40x125xi32, #tpu.memory_space<hbm>>
      %dma_start3A_80 = tpu.memref_squeeze %dma_start3A_79 : memref<1x1x40x125xi32, #tpu.memory_space<hbm>> -> memref<40x125xi32, #tpu.memory_space<hbm>>
      tpu.enqueue_dma source(%dma_start3A_80 : memref<40x125xi32, #tpu.memory_space<hbm>>) target(%arg6 : memref<40x125xi32, #tpu.memory_space<vmem>>) target_semaphore(%run_scoped3A_72 : memref<!tpu.dma_semaphore, #tpu.memory_space<semaphore_mem>>)
      %dma_wait3A = arith.constant 40 : i32
      %dma_wait3A_81 = arith.constant 0 : i32
      %dma_wait3A_82 = tpu.memref_slice %arg3[%arg0, %arg1, %dma_wait3A, %dma_wait3A_81] : memref<2x16x80x125xi32, #tpu.memory_space<hbm>> -> memref<1x1x40x125xi32, #tpu.memory_space<hbm>>
      %dma_wait3A_83 = tpu.memref_squeeze %dma_wait3A_82 : memref<1x1x40x125xi32, #tpu.memory_space<hbm>> -> memref<40x125xi32, #tpu.memory_space<hbm>>
      %dma_wait3A_84 = arith.constant 40 : i32
      %dma_wait3A_85 = arith.constant 0 : i32
      %dma_wait3A_86 = tpu.memref_slice %arg3[%arg0, %arg1, %dma_wait3A_84, %dma_wait3A_85] : memref<2x16x80x125xi32, #tpu.memory_space<hbm>> -> memref<1x1x40x125xi32, #tpu.memory_space<hbm>>
      %dma_wait3A_87 = tpu.memref_squeeze %dma_wait3A_86 : memref<1x1x40x125xi32, #tpu.memory_space<hbm>> -> memref<40x125xi32, #tpu.memory_space<hbm>>
      tpu.wait_dma2 semaphore(%run_scoped3A_72 : memref<!tpu.dma_semaphore, #tpu.memory_space<semaphore_mem>>) src(%dma_wait3A_87 : memref<40x125xi32, #tpu.memory_space<hbm>>) dst(%arg6 : memref<40x125xi32, #tpu.memory_space<vmem>>)
      tpu.yield
    }) : () -> ()
    "tpu.region"() ({
      %run_scoped3A_72 = tpu.sem_alloc : memref<!tpu.dma_semaphore, #tpu.memory_space<semaphore_mem>>
      %dma_start3A_73 = arith.constant 40 : i32
      %dma_start3A_74 = arith.constant 0 : i32
      %dma_start3A_75 = tpu.memref_slice %arg4[%arg0, %arg1, %dma_start3A_73, %dma_start3A_74] : memref<2x16x80x125xi32, #tpu.memory_space<hbm>> -> memref<1x1x40x125xi32, #tpu.memory_space<hbm>>
      %dma_start3A_76 = tpu.memref_squeeze %dma_start3A_75 : memref<1x1x40x125xi32, #tpu.memory_space<hbm>> -> memref<40x125xi32, #tpu.memory_space<hbm>>
      %dma_start3A_77 = arith.constant 40 : i32
      %dma_start3A_78 = arith.constant 0 : i32
      %dma_start3A_79 = tpu.memref_slice %arg4[%arg0, %arg1, %dma_start3A_77, %dma_start3A_78] : memref<2x16x80x125xi32, #tpu.memory_space<hbm>> -> memref<1x1x40x125xi32, #tpu.memory_space<hbm>>
      %dma_start3A_80 = tpu.memref_squeeze %dma_start3A_79 : memref<1x1x40x125xi32, #tpu.memory_space<hbm>> -> memref<40x125xi32, #tpu.memory_space<hbm>>
      tpu.enqueue_dma source(%dma_start3A_80 : memref<40x125xi32, #tpu.memory_space<hbm>>) target(%arg7 : memref<40x125xi32, #tpu.memory_space<vmem>>) target_semaphore(%run_scoped3A_72 : memref<!tpu.dma_semaphore, #tpu.memory_space<semaphore_mem>>)
      %dma_wait3A = arith.constant 40 : i32
      %dma_wait3A_81 = arith.constant 0 : i32
      %dma_wait3A_82 = tpu.memref_slice %arg4[%arg0, %arg1, %dma_wait3A, %dma_wait3A_81] : memref<2x16x80x125xi32, #tpu.memory_space<hbm>> -> memref<1x1x40x125xi32, #tpu.memory_space<hbm>>
      %dma_wait3A_83 = tpu.memref_squeeze %dma_wait3A_82 : memref<1x1x40x125xi32, #tpu.memory_space<hbm>> -> memref<40x125xi32, #tpu.memory_space<hbm>>
      %dma_wait3A_84 = arith.constant 40 : i32
      %dma_wait3A_85 = arith.constant 0 : i32
      %dma_wait3A_86 = tpu.memref_slice %arg4[%arg0, %arg1, %dma_wait3A_84, %dma_wait3A_85] : memref<2x16x80x125xi32, #tpu.memory_space<hbm>> -> memref<1x1x40x125xi32, #tpu.memory_space<hbm>>
      %dma_wait3A_87 = tpu.memref_squeeze %dma_wait3A_86 : memref<1x1x40x125xi32, #tpu.memory_space<hbm>> -> memref<40x125xi32, #tpu.memory_space<hbm>>
      tpu.wait_dma2 semaphore(%run_scoped3A_72 : memref<!tpu.dma_semaphore, #tpu.memory_space<semaphore_mem>>) src(%dma_wait3A_87 : memref<40x125xi32, #tpu.memory_space<hbm>>) dst(%arg7 : memref<40x125xi32, #tpu.memory_space<vmem>>)
      tpu.yield
    }) : () -> ()
    %dma_start3A_49 = arith.constant 0 : i32
    %dma_start3A_50 = arith.constant 0 : i32
    %dma_start3A_51 = arith.constant 0 : i32
    %dma_start3A_52 = arith.constant 0 : i32
    %dma_start3A_53 = tpu.memref_slice %arg8[%dma_start3A_50, %dma_start3A_51, %dma_start3A_52] : memref<2x125x128xf32, #tpu.memory_space<vmem>> -> memref<1x125x128xf32, #tpu.memory_space<vmem>>
    %dma_start3A_54 = tpu.memref_squeeze %dma_start3A_53 : memref<1x125x128xf32, #tpu.memory_space<vmem>> -> memref<125x128xf32, #tpu.memory_space<vmem>>
    %dma_start3A_55 = arith.constant 0 : i32
    %dma_start3A_56 = tpu.memref_slice %arg6[%dma_start3A_49, %dma_start3A_55] : memref<40x125xi32, #tpu.memory_space<vmem>> -> memref<1x125xi32, #tpu.memory_space<vmem>>
    %dma_start3A_57 = tpu.memref_squeeze %dma_start3A_56 : memref<1x125xi32, #tpu.memory_space<vmem>> -> memref<125xi32, #tpu.memory_space<vmem>>
    %dma_start3A_58 = arith.constant 0 : i32
    %dma_start3A_59 = arith.constant 0 : i32
    %dma_start3A_60 = tpu.memref_slice %arg2[%dma_start3A_58, %dma_start3A_59] : memref<10000x128xf32, #tpu.memory_space<hbm>> -> memref<10000x128xf32, #tpu.memory_space<hbm>>
    tpu.enqueue_indirect_dma source(%dma_start3A_60 : memref<10000x128xf32, #tpu.memory_space<hbm>>) target(%dma_start3A_54 : memref<125x128xf32, #tpu.memory_space<vmem>>) offsets(%dma_start3A_57 : memref<125xi32, #tpu.memory_space<vmem>>) semaphore(%arg10 : memref<!tpu.dma_semaphore, #tpu.memory_space<semaphore_mem>>)
    %scan3A_61 = arith.constant 0 : i32
    %scan3A_62 = arith.constant 0 : i32
    %scan3A_63 = arith.constant 20 : i32
    %scan3A_64 = arith.addi %scan3A_62, %scan3A_63 : i32
    %scan3A_65 = arith.constant 1 : i32
    scf.for %scan3A_72 = %scan3A_62 to %scan3A_64 step %scan3A_65  : i32 {
      %mul3A_73 = arith.constant 2 : i32
      %mul3A_74 = arith.muli %scan3A_72, %mul3A_73 : i32
      %add3A_75 = arith.constant 0 : i32
      %add3A_76 = arith.addi %mul3A_74, %add3A_75 : i32
      %add3A_77 = arith.constant 1 : i32
      %add3A_78 = arith.addi %add3A_76, %add3A_77 : i32
      %dma_start3A_79 = arith.constant 1 : i32
      %dma_start3A_80 = arith.constant 0 : i32
      %dma_start3A_81 = arith.constant 0 : i32
      %dma_start3A_82 = tpu.memref_slice %arg8[%dma_start3A_79, %dma_start3A_80, %dma_start3A_81] : memref<2x125x128xf32, #tpu.memory_space<vmem>> -> memref<1x125x128xf32, #tpu.memory_space<vmem>>
      %dma_start3A_83 = tpu.memref_squeeze %dma_start3A_82 : memref<1x125x128xf32, #tpu.memory_space<vmem>> -> memref<125x128xf32, #tpu.memory_space<vmem>>
      %dma_start3A_84 = arith.constant 0 : i32
      %dma_start3A_85 = tpu.memref_slice %arg6[%add3A_78, %dma_start3A_84] : memref<40x125xi32, #tpu.memory_space<vmem>> -> memref<1x125xi32, #tpu.memory_space<vmem>>
      %dma_start3A_86 = tpu.memref_squeeze %dma_start3A_85 : memref<1x125xi32, #tpu.memory_space<vmem>> -> memref<125xi32, #tpu.memory_space<vmem>>
      %dma_start3A_87 = arith.constant 0 : i32
      %dma_start3A_88 = arith.constant 0 : i32
      %dma_start3A_89 = tpu.memref_slice %arg2[%dma_start3A_87, %dma_start3A_88] : memref<10000x128xf32, #tpu.memory_space<hbm>> -> memref<10000x128xf32, #tpu.memory_space<hbm>>
      tpu.enqueue_indirect_dma source(%dma_start3A_89 : memref<10000x128xf32, #tpu.memory_space<hbm>>) target(%dma_start3A_83 : memref<125x128xf32, #tpu.memory_space<vmem>>) offsets(%dma_start3A_86 : memref<125xi32, #tpu.memory_space<vmem>>) semaphore(%arg10 : memref<!tpu.dma_semaphore, #tpu.memory_space<semaphore_mem>>)
      %dma_wait3A = arith.constant 0 : i32
      %dma_wait3A_90 = arith.constant 0 : i32
      %dma_wait3A_91 = arith.constant 0 : i32
      %dma_wait3A_92 = tpu.memref_slice %arg8[%dma_wait3A, %dma_wait3A_90, %dma_wait3A_91] : memref<2x125x128xf32, #tpu.memory_space<vmem>> -> memref<1x125x128xf32, #tpu.memory_space<vmem>>
      %dma_wait3A_93 = tpu.memref_squeeze %dma_wait3A_92 : memref<1x125x128xf32, #tpu.memory_space<vmem>> -> memref<125x128xf32, #tpu.memory_space<vmem>>
      %dma_wait3A_94 = arith.constant 0 : i32
      %dma_wait3A_95 = tpu.memref_slice %arg6[%add3A_76, %dma_wait3A_94] : memref<40x125xi32, #tpu.memory_space<vmem>> -> memref<1x125xi32, #tpu.memory_space<vmem>>
      %dma_wait3A_96 = tpu.memref_squeeze %dma_wait3A_95 : memref<1x125xi32, #tpu.memory_space<vmem>> -> memref<125xi32, #tpu.memory_space<vmem>>
      %dma_wait3A_97 = arith.constant 0 : i32
      %dma_wait3A_98 = arith.constant 0 : i32
      %dma_wait3A_99 = tpu.memref_slice %arg2[%dma_wait3A_97, %dma_wait3A_98] : memref<10000x128xf32, #tpu.memory_space<hbm>> -> memref<10000x128xf32, #tpu.memory_space<hbm>>
      tpu.wait_indirect_dma semaphore(%arg10 : memref<!tpu.dma_semaphore, #tpu.memory_space<semaphore_mem>>) src(%dma_wait3A_99 : memref<10000x128xf32, #tpu.memory_space<hbm>>) dst(%dma_wait3A_93 : memref<125x128xf32, #tpu.memory_space<vmem>>)
      %run_scoped3A_100 = arith.constant 0 : i32
      "tpu.region"() ({
        %run_scoped3A_119 = tpu.sem_alloc : memref<!tpu.dma_semaphore, #tpu.memory_space<semaphore_mem>>
        %dma_start3A_120 = arith.constant 0 : i32
        %dma_start3A_121 = arith.constant 0 : i32
        %dma_start3A_122 = tpu.memref_slice %arg8[%run_scoped3A_100, %dma_start3A_120, %dma_start3A_121] : memref<2x125x128xf32, #tpu.memory_space<vmem>> -> memref<1x125x128xf32, #tpu.memory_space<vmem>>
        %dma_start3A_123 = tpu.memref_squeeze %dma_start3A_122 : memref<1x125x128xf32, #tpu.memory_space<vmem>> -> memref<125x128xf32, #tpu.memory_space<vmem>>
        %dma_start3A_124 = arith.constant 0 : i32
        %dma_start3A_125 = tpu.memref_slice %arg7[%add3A_76, %dma_start3A_124] : memref<40x125xi32, #tpu.memory_space<vmem>> -> memref<1x125xi32, #tpu.memory_space<vmem>>
        %dma_start3A_126 = tpu.memref_squeeze %dma_start3A_125 : memref<1x125xi32, #tpu.memory_space<vmem>> -> memref<125xi32, #tpu.memory_space<vmem>>
        %dma_start3A_127 = arith.constant 0 : i32
        %dma_start3A_128 = arith.constant 0 : i32
        %dma_start3A_129 = tpu.memref_slice %arg9[%dma_start3A_127, %dma_start3A_128] : memref<10240x128xf32, #tpu.memory_space<vmem_shared>> -> memref<10240x128xf32, #tpu.memory_space<vmem_shared>>
        tpu.enqueue_indirect_dma source(%dma_start3A_123 : memref<125x128xf32, #tpu.memory_space<vmem>>) target(%dma_start3A_129 : memref<10240x128xf32, #tpu.memory_space<vmem_shared>>) offsets(%dma_start3A_126 : memref<125xi32, #tpu.memory_space<vmem>>) semaphore(%run_scoped3A_119 : memref<!tpu.dma_semaphore, #tpu.memory_space<semaphore_mem>>) {add = true}
        %dma_wait3A_130 = arith.constant 0 : i32
        %dma_wait3A_131 = arith.constant 0 : i32
        %dma_wait3A_132 = tpu.memref_slice %arg8[%run_scoped3A_100, %dma_wait3A_130, %dma_wait3A_131] : memref<2x125x128xf32, #tpu.memory_space<vmem>> -> memref<1x125x128xf32, #tpu.memory_space<vmem>>
        %dma_wait3A_133 = tpu.memref_squeeze %dma_wait3A_132 : memref<1x125x128xf32, #tpu.memory_space<vmem>> -> memref<125x128xf32, #tpu.memory_space<vmem>>
        %dma_wait3A_134 = arith.constant 0 : i32
        %dma_wait3A_135 = tpu.memref_slice %arg7[%add3A_76, %dma_wait3A_134] : memref<40x125xi32, #tpu.memory_space<vmem>> -> memref<1x125xi32, #tpu.memory_space<vmem>>
        %dma_wait3A_136 = tpu.memref_squeeze %dma_wait3A_135 : memref<1x125xi32, #tpu.memory_space<vmem>> -> memref<125xi32, #tpu.memory_space<vmem>>
        %dma_wait3A_137 = arith.constant 0 : i32
        %dma_wait3A_138 = arith.constant 0 : i32
        %dma_wait3A_139 = tpu.memref_slice %arg9[%dma_wait3A_137, %dma_wait3A_138] : memref<10240x128xf32, #tpu.memory_space<vmem_shared>> -> memref<10240x128xf32, #tpu.memory_space<vmem_shared>>
        tpu.wait_indirect_dma semaphore(%run_scoped3A_119 : memref<!tpu.dma_semaphore, #tpu.memory_space<semaphore_mem>>) src(%dma_wait3A_133 : memref<125x128xf32, #tpu.memory_space<vmem>>) dst(%dma_wait3A_139 : memref<10240x128xf32, #tpu.memory_space<vmem_shared>>)
        tpu.yield
      }) : () -> ()
      %mul3A_101 = arith.constant 2 : i32
      %mul3A_102 = arith.muli %scan3A_72, %mul3A_101 : i32
      %add3A_103 = arith.constant 1 : i32
      %add3A_104 = arith.addi %mul3A_102, %add3A_103 : i32
      %ne3A = arith.constant 19 : i32
      %ne3A_105 = arith.cmpi ne, %scan3A_72, %ne3A : i32
      %convert_element_type3A = arith.extui %ne3A_105 : i1 to i32
      %cond3A = arith.constant 0 : i32
      %cond3A_106 = arith.cmpi ne, %convert_element_type3A, %cond3A : i32
      scf.if %cond3A_106 {
        %add3A_119 = arith.constant 1 : i32
        %add3A_120 = arith.addi %add3A_104, %add3A_119 : i32
        %dma_start3A_121 = arith.constant 0 : i32
        %dma_start3A_122 = arith.constant 0 : i32
        %dma_start3A_123 = arith.constant 0 : i32
        %dma_start3A_124 = tpu.memref_slice %arg8[%dma_start3A_121, %dma_start3A_122, %dma_start3A_123] : memref<2x125x128xf32, #tpu.memory_space<vmem>> -> memref<1x125x128xf32, #tpu.memory_space<vmem>>
        %dma_start3A_125 = tpu.memref_squeeze %dma_start3A_124 : memref<1x125x128xf32, #tpu.memory_space<vmem>> -> memref<125x128xf32, #tpu.memory_space<vmem>>
        %dma_start3A_126 = arith.constant 0 : i32
        %dma_start3A_127 = tpu.memref_slice %arg6[%add3A_120, %dma_start3A_126] : memref<40x125xi32, #tpu.memory_space<vmem>> -> memref<1x125xi32, #tpu.memory_space<vmem>>
        %dma_start3A_128 = tpu.memref_squeeze %dma_start3A_127 : memref<1x125xi32, #tpu.memory_space<vmem>> -> memref<125xi32, #tpu.memory_space<vmem>>
        %dma_start3A_129 = arith.constant 0 : i32
        %dma_start3A_130 = arith.constant 0 : i32
        %dma_start3A_131 = tpu.memref_slice %arg2[%dma_start3A_129, %dma_start3A_130] : memref<10000x128xf32, #tpu.memory_space<hbm>> -> memref<10000x128xf32, #tpu.memory_space<hbm>>
        tpu.enqueue_indirect_dma source(%dma_start3A_131 : memref<10000x128xf32, #tpu.memory_space<hbm>>) target(%dma_start3A_125 : memref<125x128xf32, #tpu.memory_space<vmem>>) offsets(%dma_start3A_128 : memref<125xi32, #tpu.memory_space<vmem>>) semaphore(%arg10 : memref<!tpu.dma_semaphore, #tpu.memory_space<semaphore_mem>>)
      } else {
      }
      %dma_wait3A_107 = arith.constant 1 : i32
      %dma_wait3A_108 = arith.constant 0 : i32
      %dma_wait3A_109 = arith.constant 0 : i32
      %dma_wait3A_110 = tpu.memref_slice %arg8[%dma_wait3A_107, %dma_wait3A_108, %dma_wait3A_109] : memref<2x125x128xf32, #tpu.memory_space<vmem>> -> memref<1x125x128xf32, #tpu.memory_space<vmem>>
      %dma_wait3A_111 = tpu.memref_squeeze %dma_wait3A_110 : memref<1x125x128xf32, #tpu.memory_space<vmem>> -> memref<125x128xf32, #tpu.memory_space<vmem>>
      %dma_wait3A_112 = arith.constant 0 : i32
      %dma_wait3A_113 = tpu.memref_slice %arg6[%add3A_104, %dma_wait3A_112] : memref<40x125xi32, #tpu.memory_space<vmem>> -> memref<1x125xi32, #tpu.memory_space<vmem>>
      %dma_wait3A_114 = tpu.memref_squeeze %dma_wait3A_113 : memref<1x125xi32, #tpu.memory_space<vmem>> -> memref<125xi32, #tpu.memory_space<vmem>>
      %dma_wait3A_115 = arith.constant 0 : i32
      %dma_wait3A_116 = arith.constant 0 : i32
      %dma_wait3A_117 = tpu.memref_slice %arg2[%dma_wait3A_115, %dma_wait3A_116] : memref<10000x128xf32, #tpu.memory_space<hbm>> -> memref<10000x128xf32, #tpu.memory_space<hbm>>
      tpu.wait_indirect_dma semaphore(%arg10 : memref<!tpu.dma_semaphore, #tpu.memory_space<semaphore_mem>>) src(%dma_wait3A_117 : memref<10000x128xf32, #tpu.memory_space<hbm>>) dst(%dma_wait3A_111 : memref<125x128xf32, #tpu.memory_space<vmem>>)
      %run_scoped3A_118 = arith.constant 1 : i32
      "tpu.region"() ({
        %run_scoped3A_119 = tpu.sem_alloc : memref<!tpu.dma_semaphore, #tpu.memory_space<semaphore_mem>>
        %dma_start3A_120 = arith.constant 0 : i32
        %dma_start3A_121 = arith.constant 0 : i32
        %dma_start3A_122 = tpu.memref_slice %arg8[%run_scoped3A_118, %dma_start3A_120, %dma_start3A_121] : memref<2x125x128xf32, #tpu.memory_space<vmem>> -> memref<1x125x128xf32, #tpu.memory_space<vmem>>
        %dma_start3A_123 = tpu.memref_squeeze %dma_start3A_122 : memref<1x125x128xf32, #tpu.memory_space<vmem>> -> memref<125x128xf32, #tpu.memory_space<vmem>>
        %dma_start3A_124 = arith.constant 0 : i32
        %dma_start3A_125 = tpu.memref_slice %arg7[%add3A_104, %dma_start3A_124] : memref<40x125xi32, #tpu.memory_space<vmem>> -> memref<1x125xi32, #tpu.memory_space<vmem>>
        %dma_start3A_126 = tpu.memref_squeeze %dma_start3A_125 : memref<1x125xi32, #tpu.memory_space<vmem>> -> memref<125xi32, #tpu.memory_space<vmem>>
        %dma_start3A_127 = arith.constant 0 : i32
        %dma_start3A_128 = arith.constant 0 : i32
        %dma_start3A_129 = tpu.memref_slice %arg9[%dma_start3A_127, %dma_start3A_128] : memref<10240x128xf32, #tpu.memory_space<vmem_shared>> -> memref<10240x128xf32, #tpu.memory_space<vmem_shared>>
        tpu.enqueue_indirect_dma source(%dma_start3A_123 : memref<125x128xf32, #tpu.memory_space<vmem>>) target(%dma_start3A_129 : memref<10240x128xf32, #tpu.memory_space<vmem_shared>>) offsets(%dma_start3A_126 : memref<125xi32, #tpu.memory_space<vmem>>) semaphore(%run_scoped3A_119 : memref<!tpu.dma_semaphore, #tpu.memory_space<semaphore_mem>>) {add = true}
        %dma_wait3A_130 = arith.constant 0 : i32
        %dma_wait3A_131 = arith.constant 0 : i32
        %dma_wait3A_132 = tpu.memref_slice %arg8[%run_scoped3A_118, %dma_wait3A_130, %dma_wait3A_131] : memref<2x125x128xf32, #tpu.memory_space<vmem>> -> memref<1x125x128xf32, #tpu.memory_space<vmem>>
        %dma_wait3A_133 = tpu.memref_squeeze %dma_wait3A_132 : memref<1x125x128xf32, #tpu.memory_space<vmem>> -> memref<125x128xf32, #tpu.memory_space<vmem>>
        %dma_wait3A_134 = arith.constant 0 : i32
        %dma_wait3A_135 = tpu.memref_slice %arg7[%add3A_104, %dma_wait3A_134] : memref<40x125xi32, #tpu.memory_space<vmem>> -> memref<1x125xi32, #tpu.memory_space<vmem>>
        %dma_wait3A_136 = tpu.memref_squeeze %dma_wait3A_135 : memref<1x125xi32, #tpu.memory_space<vmem>> -> memref<125xi32, #tpu.memory_space<vmem>>
        %dma_wait3A_137 = arith.constant 0 : i32
        %dma_wait3A_138 = arith.constant 0 : i32
        %dma_wait3A_139 = tpu.memref_slice %arg9[%dma_wait3A_137, %dma_wait3A_138] : memref<10240x128xf32, #tpu.memory_space<vmem_shared>> -> memref<10240x128xf32, #tpu.memory_space<vmem_shared>>
        tpu.wait_indirect_dma semaphore(%run_scoped3A_119 : memref<!tpu.dma_semaphore, #tpu.memory_space<semaphore_mem>>) src(%dma_wait3A_133 : memref<125x128xf32, #tpu.memory_space<vmem>>) dst(%dma_wait3A_139 : memref<10240x128xf32, #tpu.memory_space<vmem_shared>>)
        tpu.yield
      }) : () -> ()
    }
    %scan3A_66 = arith.constant 20 : i32
    %barrier3A_67 = arith.constant 0 : index
    tpu.barrier barrier_id(%barrier3A_67)
    %mul3A_68 = arith.constant 640 : i32
    %mul3A_69 = arith.muli %arg1, %mul3A_68 : i32
    %mul3A_70 = arith.constant 640 : i32
    %mul3A_71 = arith.muli %arg1, %mul3A_70 : i32
    "tpu.region"() ({
      %run_scoped3A_72 = tpu.sem_alloc : memref<!tpu.dma_semaphore, #tpu.memory_space<semaphore_mem>>
      %dma_start3A_73 = arith.constant 0 : i32
      %dma_start3A_74 = tpu.memref_slice %arg5[%arg0, %mul3A_71, %dma_start3A_73] : memref<2x10240x128xf32, #tpu.memory_space<hbm>> -> memref<1x640x128xf32, #tpu.memory_space<hbm>>
      %dma_start3A_75 = tpu.memref_squeeze %dma_start3A_74 : memref<1x640x128xf32, #tpu.memory_space<hbm>> -> memref<640x128xf32, #tpu.memory_space<hbm>>
      %dma_start3A_76 = arith.constant 0 : i32
      %dma_start3A_77 = tpu.memref_slice %arg9[%mul3A_69, %dma_start3A_76] : memref<10240x128xf32, #tpu.memory_space<vmem_shared>> -> memref<640x128xf32, #tpu.memory_space<vmem_shared>>
      tpu.enqueue_dma source(%dma_start3A_77 : memref<640x128xf32, #tpu.memory_space<vmem_shared>>) target(%dma_start3A_75 : memref<640x128xf32, #tpu.memory_space<hbm>>) target_semaphore(%run_scoped3A_72 : memref<!tpu.dma_semaphore, #tpu.memory_space<semaphore_mem>>)
      %dma_wait3A = arith.constant 0 : i32
      %dma_wait3A_78 = tpu.memref_slice %arg5[%arg0, %mul3A_71, %dma_wait3A] : memref<2x10240x128xf32, #tpu.memory_space<hbm>> -> memref<1x640x128xf32, #tpu.memory_space<hbm>>
      %dma_wait3A_79 = tpu.memref_squeeze %dma_wait3A_78 : memref<1x640x128xf32, #tpu.memory_space<hbm>> -> memref<640x128xf32, #tpu.memory_space<hbm>>
      %dma_wait3A_80 = arith.constant 0 : i32
      %dma_wait3A_81 = tpu.memref_slice %arg9[%mul3A_69, %dma_wait3A_80] : memref<10240x128xf32, #tpu.memory_space<vmem_shared>> -> memref<640x128xf32, #tpu.memory_space<vmem_shared>>
      tpu.wait_dma2 semaphore(%run_scoped3A_72 : memref<!tpu.dma_semaphore, #tpu.memory_space<semaphore_mem>>) src(%dma_wait3A_81 : memref<640x128xf32, #tpu.memory_space<vmem_shared>>) dst(%dma_wait3A_79 : memref<640x128xf32, #tpu.memory_space<hbm>>)
      tpu.yield
    }) : () -> ()
    return
  }
}

#map = affine_map<(d0, d1) -> (0, 0, 0, 0)>
#map1 = affine_map<(d0, d1) -> (0, 0)>
module attributes {stable_mosaic.version = 14 : i64} {
  func.func @_deg_kernel(%arg0: i32, %arg1: i32, %arg2: memref<2x16x100x100xi32, #tpu.memory_space<hbm>>, %arg3: memref<2x10240xf32, #tpu.memory_space<hbm>>, %arg4: memref<112xf32, #tpu.memory_space<vmem>>, %arg5: memref<100x100xi32, #tpu.memory_space<vmem>>, %arg6: memref<640xf32, #tpu.memory_space<vmem>>, %arg7: memref<10240xf32, #tpu.memory_space<vmem_shared>>, %arg8: memref<!tpu.dma_semaphore, #tpu.memory_space<semaphore_mem>>) attributes {dimension_semantics = [#tpu.dimension_semantics<core_parallel>, #tpu.dimension_semantics<subcore_parallel>], iteration_bounds = array<i64: 2, 16>, scalar_prefetch = 0 : i64, scratch_operands = 5 : i64, tpu.core_type = #tpu.core_type<sc_vector_subcore>, window_params = [{transform_indices = #map}, {transform_indices = #map1}]} {
    %broadcast_in_dim3A = arith.constant 1.000000e+00 : f32
    %broadcast_in_dim3A_0 = vector.broadcast %broadcast_in_dim3A : f32 to vector<16xf32>
    %swap3A = arith.constant 0 : index
    %swap3A_1 = tpu.vector_load %arg4[%swap3A] {strides = array<i32>} : memref<112xf32, #tpu.memory_space<vmem>>, vector<16xf32>,
    %swap3A_2 = vector.shape_cast %swap3A_1 : vector<16xf32> to vector<16xf32>
    %swap3A_3 = vector.shape_cast %broadcast_in_dim3A_0 : vector<16xf32> to vector<16xf32>
    tpu.vector_store %arg4[%swap3A], %swap3A_3 {strides = array<i32>} : memref<112xf32, #tpu.memory_space<vmem>>, vector<16xf32>,
    %broadcast_in_dim3A_4 = arith.constant 1.000000e+00 : f32
    %broadcast_in_dim3A_5 = vector.broadcast %broadcast_in_dim3A_4 : f32 to vector<16xf32>
    %swap3A_6 = arith.constant 16 : index
    %swap3A_7 = tpu.vector_load %arg4[%swap3A_6] {strides = array<i32>} : memref<112xf32, #tpu.memory_space<vmem>>, vector<16xf32>,
    %swap3A_8 = vector.shape_cast %swap3A_7 : vector<16xf32> to vector<16xf32>
    %swap3A_9 = vector.shape_cast %broadcast_in_dim3A_5 : vector<16xf32> to vector<16xf32>
    tpu.vector_store %arg4[%swap3A_6], %swap3A_9 {strides = array<i32>} : memref<112xf32, #tpu.memory_space<vmem>>, vector<16xf32>,
    %broadcast_in_dim3A_10 = arith.constant 1.000000e+00 : f32
    %broadcast_in_dim3A_11 = vector.broadcast %broadcast_in_dim3A_10 : f32 to vector<16xf32>
    %swap3A_12 = arith.constant 32 : index
    %swap3A_13 = tpu.vector_load %arg4[%swap3A_12] {strides = array<i32>} : memref<112xf32, #tpu.memory_space<vmem>>, vector<16xf32>,
    %swap3A_14 = vector.shape_cast %swap3A_13 : vector<16xf32> to vector<16xf32>
    %swap3A_15 = vector.shape_cast %broadcast_in_dim3A_11 : vector<16xf32> to vector<16xf32>
    tpu.vector_store %arg4[%swap3A_12], %swap3A_15 {strides = array<i32>} : memref<112xf32, #tpu.memory_space<vmem>>, vector<16xf32>,
    %broadcast_in_dim3A_16 = arith.constant 1.000000e+00 : f32
    %broadcast_in_dim3A_17 = vector.broadcast %broadcast_in_dim3A_16 : f32 to vector<16xf32>
    %swap3A_18 = arith.constant 48 : index
    %swap3A_19 = tpu.vector_load %arg4[%swap3A_18] {strides = array<i32>} : memref<112xf32, #tpu.memory_space<vmem>>, vector<16xf32>,
    %swap3A_20 = vector.shape_cast %swap3A_19 : vector<16xf32> to vector<16xf32>
    %swap3A_21 = vector.shape_cast %broadcast_in_dim3A_17 : vector<16xf32> to vector<16xf32>
    tpu.vector_store %arg4[%swap3A_18], %swap3A_21 {strides = array<i32>} : memref<112xf32, #tpu.memory_space<vmem>>, vector<16xf32>,
    %broadcast_in_dim3A_22 = arith.constant 1.000000e+00 : f32
    %broadcast_in_dim3A_23 = vector.broadcast %broadcast_in_dim3A_22 : f32 to vector<16xf32>
    %swap3A_24 = arith.constant 64 : index
    %swap3A_25 = tpu.vector_load %arg4[%swap3A_24] {strides = array<i32>} : memref<112xf32, #tpu.memory_space<vmem>>, vector<16xf32>,
    %swap3A_26 = vector.shape_cast %swap3A_25 : vector<16xf32> to vector<16xf32>
    %swap3A_27 = vector.shape_cast %broadcast_in_dim3A_23 : vector<16xf32> to vector<16xf32>
    tpu.vector_store %arg4[%swap3A_24], %swap3A_27 {strides = array<i32>} : memref<112xf32, #tpu.memory_space<vmem>>, vector<16xf32>,
    %broadcast_in_dim3A_28 = arith.constant 1.000000e+00 : f32
    %broadcast_in_dim3A_29 = vector.broadcast %broadcast_in_dim3A_28 : f32 to vector<16xf32>
    %swap3A_30 = arith.constant 80 : index
    %swap3A_31 = tpu.vector_load %arg4[%swap3A_30] {strides = array<i32>} : memref<112xf32, #tpu.memory_space<vmem>>, vector<16xf32>,
    %swap3A_32 = vector.shape_cast %swap3A_31 : vector<16xf32> to vector<16xf32>
    %swap3A_33 = vector.shape_cast %broadcast_in_dim3A_29 : vector<16xf32> to vector<16xf32>
    tpu.vector_store %arg4[%swap3A_30], %swap3A_33 {strides = array<i32>} : memref<112xf32, #tpu.memory_space<vmem>>, vector<16xf32>,
    %broadcast_in_dim3A_34 = arith.constant 1.000000e+00 : f32
    %broadcast_in_dim3A_35 = vector.broadcast %broadcast_in_dim3A_34 : f32 to vector<16xf32>
    %swap3A_36 = arith.constant 96 : index
    %swap3A_37 = tpu.vector_load %arg4[%swap3A_36] {strides = array<i32>} : memref<112xf32, #tpu.memory_space<vmem>>, vector<16xf32>,
    %swap3A_38 = vector.shape_cast %swap3A_37 : vector<16xf32> to vector<16xf32>
    %swap3A_39 = vector.shape_cast %broadcast_in_dim3A_35 : vector<16xf32> to vector<16xf32>
    tpu.vector_store %arg4[%swap3A_36], %swap3A_39 {strides = array<i32>} : memref<112xf32, #tpu.memory_space<vmem>>, vector<16xf32>,
    %scan3A = arith.constant 0 : i32
    %scan3A_40 = arith.constant 0 : i32
    %scan3A_41 = arith.constant 40 : i32
    %scan3A_42 = arith.addi %scan3A_40, %scan3A_41 : i32
    %scan3A_43 = arith.constant 1 : i32
    scf.for %scan3A_135 = %scan3A_40 to %scan3A_42 step %scan3A_43  : i32 {
      %broadcast_in_dim3A_136 = arith.constant 0.000000e+00 : f32
      %broadcast_in_dim3A_137 = vector.broadcast %broadcast_in_dim3A_136 : f32 to vector<16xf32>
      %mul3A_138 = arith.constant 16 : i32
      %mul3A_139 = arith.muli %scan3A_135, %mul3A_138 : i32
      %swap3A_140 = arith.index_cast %mul3A_139 : i32 to index
      %swap3A_141 = tpu.vector_load %arg6[%swap3A_140] {strides = array<i32>} : memref<640xf32, #tpu.memory_space<vmem>>, vector<16xf32>,
      %swap3A_142 = vector.shape_cast %swap3A_141 : vector<16xf32> to vector<16xf32>
      %swap3A_143 = vector.shape_cast %broadcast_in_dim3A_137 : vector<16xf32> to vector<16xf32>
      tpu.vector_store %arg6[%swap3A_140], %swap3A_143 {strides = array<i32>} : memref<640xf32, #tpu.memory_space<vmem>>, vector<16xf32>,
    }
    %scan3A_44 = arith.constant 40 : i32
    %mul3A = arith.constant 640 : i32
    %mul3A_45 = arith.muli %arg1, %mul3A : i32
    "tpu.region"() ({
      %run_scoped3A = tpu.sem_alloc : memref<!tpu.dma_semaphore, #tpu.memory_space<semaphore_mem>>
      %dma_start3A_135 = tpu.memref_slice %arg7[%mul3A_45] : memref<10240xf32, #tpu.memory_space<vmem_shared>> -> memref<640xf32, #tpu.memory_space<vmem_shared>>
      %dma_start3A_136 = tpu.memref_slice %arg7[%mul3A_45] : memref<10240xf32, #tpu.memory_space<vmem_shared>> -> memref<640xf32, #tpu.memory_space<vmem_shared>>
      tpu.enqueue_dma source(%arg6 : memref<640xf32, #tpu.memory_space<vmem>>) target(%dma_start3A_136 : memref<640xf32, #tpu.memory_space<vmem_shared>>) target_semaphore(%run_scoped3A : memref<!tpu.dma_semaphore, #tpu.memory_space<semaphore_mem>>)
      %dma_wait3A_137 = tpu.memref_slice %arg7[%mul3A_45] : memref<10240xf32, #tpu.memory_space<vmem_shared>> -> memref<640xf32, #tpu.memory_space<vmem_shared>>
      %dma_wait3A_138 = tpu.memref_slice %arg7[%mul3A_45] : memref<10240xf32, #tpu.memory_space<vmem_shared>> -> memref<640xf32, #tpu.memory_space<vmem_shared>>
      tpu.wait_dma2 semaphore(%run_scoped3A : memref<!tpu.dma_semaphore, #tpu.memory_space<semaphore_mem>>) src(%arg6 : memref<640xf32, #tpu.memory_space<vmem>>) dst(%dma_wait3A_138 : memref<640xf32, #tpu.memory_space<vmem_shared>>)
      tpu.yield
    }) : () -> ()
    %barrier3A = arith.constant 0 : index
    tpu.barrier barrier_id(%barrier3A)
    "tpu.region"() ({
      %run_scoped3A = tpu.sem_alloc : memref<!tpu.dma_semaphore, #tpu.memory_space<semaphore_mem>>
      %dma_start3A_135 = arith.constant 0 : i32
      %dma_start3A_136 = arith.constant 0 : i32
      %dma_start3A_137 = tpu.memref_slice %arg2[%arg0, %arg1, %dma_start3A_135, %dma_start3A_136] : memref<2x16x100x100xi32, #tpu.memory_space<hbm>> -> memref<1x1x100x100xi32, #tpu.memory_space<hbm>>
      %dma_start3A_138 = tpu.memref_squeeze %dma_start3A_137 : memref<1x1x100x100xi32, #tpu.memory_space<hbm>> -> memref<100x100xi32, #tpu.memory_space<hbm>>
      %dma_start3A_139 = arith.constant 0 : i32
      %dma_start3A_140 = arith.constant 0 : i32
      %dma_start3A_141 = tpu.memref_slice %arg2[%arg0, %arg1, %dma_start3A_139, %dma_start3A_140] : memref<2x16x100x100xi32, #tpu.memory_space<hbm>> -> memref<1x1x100x100xi32, #tpu.memory_space<hbm>>
      %dma_start3A_142 = tpu.memref_squeeze %dma_start3A_141 : memref<1x1x100x100xi32, #tpu.memory_space<hbm>> -> memref<100x100xi32, #tpu.memory_space<hbm>>
      tpu.enqueue_dma source(%dma_start3A_142 : memref<100x100xi32, #tpu.memory_space<hbm>>) target(%arg5 : memref<100x100xi32, #tpu.memory_space<vmem>>) target_semaphore(%run_scoped3A : memref<!tpu.dma_semaphore, #tpu.memory_space<semaphore_mem>>)
      %dma_wait3A_143 = arith.constant 0 : i32
      %dma_wait3A_144 = arith.constant 0 : i32
      %dma_wait3A_145 = tpu.memref_slice %arg2[%arg0, %arg1, %dma_wait3A_143, %dma_wait3A_144] : memref<2x16x100x100xi32, #tpu.memory_space<hbm>> -> memref<1x1x100x100xi32, #tpu.memory_space<hbm>>
      %dma_wait3A_146 = tpu.memref_squeeze %dma_wait3A_145 : memref<1x1x100x100xi32, #tpu.memory_space<hbm>> -> memref<100x100xi32, #tpu.memory_space<hbm>>
      %dma_wait3A_147 = arith.constant 0 : i32
      %dma_wait3A_148 = arith.constant 0 : i32
      %dma_wait3A_149 = tpu.memref_slice %arg2[%arg0, %arg1, %dma_wait3A_147, %dma_wait3A_148] : memref<2x16x100x100xi32, #tpu.memory_space<hbm>> -> memref<1x1x100x100xi32, #tpu.memory_space<hbm>>
      %dma_wait3A_150 = tpu.memref_squeeze %dma_wait3A_149 : memref<1x1x100x100xi32, #tpu.memory_space<hbm>> -> memref<100x100xi32, #tpu.memory_space<hbm>>
      tpu.wait_dma2 semaphore(%run_scoped3A : memref<!tpu.dma_semaphore, #tpu.memory_space<semaphore_mem>>) src(%dma_wait3A_150 : memref<100x100xi32, #tpu.memory_space<hbm>>) dst(%arg5 : memref<100x100xi32, #tpu.memory_space<vmem>>)
      tpu.yield
    }) : () -> ()
    %dma_start3A = arith.constant 0 : i32
    %dma_start3A_46 = arith.constant 0 : i32
    %dma_start3A_47 = tpu.memref_slice %arg4[%dma_start3A_46] : memref<112xf32, #tpu.memory_space<vmem>> -> memref<100xf32, #tpu.memory_space<vmem>>
    %dma_start3A_48 = arith.constant 0 : i32
    %dma_start3A_49 = tpu.memref_slice %arg5[%dma_start3A, %dma_start3A_48] : memref<100x100xi32, #tpu.memory_space<vmem>> -> memref<1x100xi32, #tpu.memory_space<vmem>>
    %dma_start3A_50 = tpu.memref_squeeze %dma_start3A_49 : memref<1x100xi32, #tpu.memory_space<vmem>> -> memref<100xi32, #tpu.memory_space<vmem>>
    %dma_start3A_51 = arith.constant 0 : i32
    %dma_start3A_52 = tpu.memref_slice %arg7[%dma_start3A_51] : memref<10240xf32, #tpu.memory_space<vmem_shared>> -> memref<10240xf32, #tpu.memory_space<vmem_shared>>
    tpu.enqueue_indirect_dma source(%dma_start3A_47 : memref<100xf32, #tpu.memory_space<vmem>>) target(%dma_start3A_52 : memref<10240xf32, #tpu.memory_space<vmem_shared>>) offsets(%dma_start3A_50 : memref<100xi32, #tpu.memory_space<vmem>>) semaphore(%arg8 : memref<!tpu.dma_semaphore, #tpu.memory_space<semaphore_mem>>) {add = true}
    %dma_start3A_53 = arith.constant 1 : i32
    %dma_start3A_54 = arith.constant 0 : i32
    %dma_start3A_55 = tpu.memref_slice %arg4[%dma_start3A_54] : memref<112xf32, #tpu.memory_space<vmem>> -> memref<100xf32, #tpu.memory_space<vmem>>
    %dma_start3A_56 = arith.constant 0 : i32
    %dma_start3A_57 = tpu.memref_slice %arg5[%dma_start3A_53, %dma_start3A_56] : memref<100x100xi32, #tpu.memory_space<vmem>> -> memref<1x100xi32, #tpu.memory_space<vmem>>
    %dma_start3A_58 = tpu.memref_squeeze %dma_start3A_57 : memref<1x100xi32, #tpu.memory_space<vmem>> -> memref<100xi32, #tpu.memory_space<vmem>>
    %dma_start3A_59 = arith.constant 0 : i32
    %dma_start3A_60 = tpu.memref_slice %arg7[%dma_start3A_59] : memref<10240xf32, #tpu.memory_space<vmem_shared>> -> memref<10240xf32, #tpu.memory_space<vmem_shared>>
    tpu.enqueue_indirect_dma source(%dma_start3A_55 : memref<100xf32, #tpu.memory_space<vmem>>) target(%dma_start3A_60 : memref<10240xf32, #tpu.memory_space<vmem_shared>>) offsets(%dma_start3A_58 : memref<100xi32, #tpu.memory_space<vmem>>) semaphore(%arg8 : memref<!tpu.dma_semaphore, #tpu.memory_space<semaphore_mem>>) {add = true}
    %dma_start3A_61 = arith.constant 2 : i32
    %dma_start3A_62 = arith.constant 0 : i32
    %dma_start3A_63 = tpu.memref_slice %arg4[%dma_start3A_62] : memref<112xf32, #tpu.memory_space<vmem>> -> memref<100xf32, #tpu.memory_space<vmem>>
    %dma_start3A_64 = arith.constant 0 : i32
    %dma_start3A_65 = tpu.memref_slice %arg5[%dma_start3A_61, %dma_start3A_64] : memref<100x100xi32, #tpu.memory_space<vmem>> -> memref<1x100xi32, #tpu.memory_space<vmem>>
    %dma_start3A_66 = tpu.memref_squeeze %dma_start3A_65 : memref<1x100xi32, #tpu.memory_space<vmem>> -> memref<100xi32, #tpu.memory_space<vmem>>
    %dma_start3A_67 = arith.constant 0 : i32
    %dma_start3A_68 = tpu.memref_slice %arg7[%dma_start3A_67] : memref<10240xf32, #tpu.memory_space<vmem_shared>> -> memref<10240xf32, #tpu.memory_space<vmem_shared>>
    tpu.enqueue_indirect_dma source(%dma_start3A_63 : memref<100xf32, #tpu.memory_space<vmem>>) target(%dma_start3A_68 : memref<10240xf32, #tpu.memory_space<vmem_shared>>) offsets(%dma_start3A_66 : memref<100xi32, #tpu.memory_space<vmem>>) semaphore(%arg8 : memref<!tpu.dma_semaphore, #tpu.memory_space<semaphore_mem>>) {add = true}
    %dma_start3A_69 = arith.constant 3 : i32
    %dma_start3A_70 = arith.constant 0 : i32
    %dma_start3A_71 = tpu.memref_slice %arg4[%dma_start3A_70] : memref<112xf32, #tpu.memory_space<vmem>> -> memref<100xf32, #tpu.memory_space<vmem>>
    %dma_start3A_72 = arith.constant 0 : i32
    %dma_start3A_73 = tpu.memref_slice %arg5[%dma_start3A_69, %dma_start3A_72] : memref<100x100xi32, #tpu.memory_space<vmem>> -> memref<1x100xi32, #tpu.memory_space<vmem>>
    %dma_start3A_74 = tpu.memref_squeeze %dma_start3A_73 : memref<1x100xi32, #tpu.memory_space<vmem>> -> memref<100xi32, #tpu.memory_space<vmem>>
    %dma_start3A_75 = arith.constant 0 : i32
    %dma_start3A_76 = tpu.memref_slice %arg7[%dma_start3A_75] : memref<10240xf32, #tpu.memory_space<vmem_shared>> -> memref<10240xf32, #tpu.memory_space<vmem_shared>>
    tpu.enqueue_indirect_dma source(%dma_start3A_71 : memref<100xf32, #tpu.memory_space<vmem>>) target(%dma_start3A_76 : memref<10240xf32, #tpu.memory_space<vmem_shared>>) offsets(%dma_start3A_74 : memref<100xi32, #tpu.memory_space<vmem>>) semaphore(%arg8 : memref<!tpu.dma_semaphore, #tpu.memory_space<semaphore_mem>>) {add = true}
    %dma_start3A_77 = arith.constant 4 : i32
    %dma_start3A_78 = arith.constant 0 : i32
    %dma_start3A_79 = tpu.memref_slice %arg4[%dma_start3A_78] : memref<112xf32, #tpu.memory_space<vmem>> -> memref<100xf32, #tpu.memory_space<vmem>>
    %dma_start3A_80 = arith.constant 0 : i32
    %dma_start3A_81 = tpu.memref_slice %arg5[%dma_start3A_77, %dma_start3A_80] : memref<100x100xi32, #tpu.memory_space<vmem>> -> memref<1x100xi32, #tpu.memory_space<vmem>>
    %dma_start3A_82 = tpu.memref_squeeze %dma_start3A_81 : memref<1x100xi32, #tpu.memory_space<vmem>> -> memref<100xi32, #tpu.memory_space<vmem>>
    %dma_start3A_83 = arith.constant 0 : i32
    %dma_start3A_84 = tpu.memref_slice %arg7[%dma_start3A_83] : memref<10240xf32, #tpu.memory_space<vmem_shared>> -> memref<10240xf32, #tpu.memory_space<vmem_shared>>
    tpu.enqueue_indirect_dma source(%dma_start3A_79 : memref<100xf32, #tpu.memory_space<vmem>>) target(%dma_start3A_84 : memref<10240xf32, #tpu.memory_space<vmem_shared>>) offsets(%dma_start3A_82 : memref<100xi32, #tpu.memory_space<vmem>>) semaphore(%arg8 : memref<!tpu.dma_semaphore, #tpu.memory_space<semaphore_mem>>) {add = true}
    %scan3A_85 = arith.constant 0 : i32
    %scan3A_86 = arith.constant 0 : i32
    %scan3A_87 = arith.constant 19 : i32
    %scan3A_88 = arith.addi %scan3A_86, %scan3A_87 : i32
    %scan3A_89 = arith.constant 1 : i32
    scf.for %scan3A_135 = %scan3A_86 to %scan3A_88 step %scan3A_89  : i32 {
      %add3A = arith.constant 1 : i32
      %add3A_136 = arith.addi %scan3A_135, %add3A : i32
      %mul3A_137 = arith.constant 5 : i32
      %mul3A_138 = arith.muli %add3A_136, %mul3A_137 : i32
      %add3A_139 = arith.constant 0 : i32
      %add3A_140 = arith.addi %mul3A_138, %add3A_139 : i32
      %dma_start3A_141 = arith.constant 0 : i32
      %dma_start3A_142 = tpu.memref_slice %arg4[%dma_start3A_141] : memref<112xf32, #tpu.memory_space<vmem>> -> memref<100xf32, #tpu.memory_space<vmem>>
      %dma_start3A_143 = arith.constant 0 : i32
      %dma_start3A_144 = tpu.memref_slice %arg5[%add3A_140, %dma_start3A_143] : memref<100x100xi32, #tpu.memory_space<vmem>> -> memref<1x100xi32, #tpu.memory_space<vmem>>
      %dma_start3A_145 = tpu.memref_squeeze %dma_start3A_144 : memref<1x100xi32, #tpu.memory_space<vmem>> -> memref<100xi32, #tpu.memory_space<vmem>>
      %dma_start3A_146 = arith.constant 0 : i32
      %dma_start3A_147 = tpu.memref_slice %arg7[%dma_start3A_146] : memref<10240xf32, #tpu.memory_space<vmem_shared>> -> memref<10240xf32, #tpu.memory_space<vmem_shared>>
      tpu.enqueue_indirect_dma source(%dma_start3A_142 : memref<100xf32, #tpu.memory_space<vmem>>) target(%dma_start3A_147 : memref<10240xf32, #tpu.memory_space<vmem_shared>>) offsets(%dma_start3A_145 : memref<100xi32, #tpu.memory_space<vmem>>) semaphore(%arg8 : memref<!tpu.dma_semaphore, #tpu.memory_space<semaphore_mem>>) {add = true}
      %add3A_148 = arith.constant 1 : i32
      %add3A_149 = arith.addi %mul3A_138, %add3A_148 : i32
      %dma_start3A_150 = arith.constant 0 : i32
      %dma_start3A_151 = tpu.memref_slice %arg4[%dma_start3A_150] : memref<112xf32, #tpu.memory_space<vmem>> -> memref<100xf32, #tpu.memory_space<vmem>>
      %dma_start3A_152 = arith.constant 0 : i32
      %dma_start3A_153 = tpu.memref_slice %arg5[%add3A_149, %dma_start3A_152] : memref<100x100xi32, #tpu.memory_space<vmem>> -> memref<1x100xi32, #tpu.memory_space<vmem>>
      %dma_start3A_154 = tpu.memref_squeeze %dma_start3A_153 : memref<1x100xi32, #tpu.memory_space<vmem>> -> memref<100xi32, #tpu.memory_space<vmem>>
      %dma_start3A_155 = arith.constant 0 : i32
      %dma_start3A_156 = tpu.memref_slice %arg7[%dma_start3A_155] : memref<10240xf32, #tpu.memory_space<vmem_shared>> -> memref<10240xf32, #tpu.memory_space<vmem_shared>>
      tpu.enqueue_indirect_dma source(%dma_start3A_151 : memref<100xf32, #tpu.memory_space<vmem>>) target(%dma_start3A_156 : memref<10240xf32, #tpu.memory_space<vmem_shared>>) offsets(%dma_start3A_154 : memref<100xi32, #tpu.memory_space<vmem>>) semaphore(%arg8 : memref<!tpu.dma_semaphore, #tpu.memory_space<semaphore_mem>>) {add = true}
      %add3A_157 = arith.constant 2 : i32
      %add3A_158 = arith.addi %mul3A_138, %add3A_157 : i32
      %dma_start3A_159 = arith.constant 0 : i32
      %dma_start3A_160 = tpu.memref_slice %arg4[%dma_start3A_159] : memref<112xf32, #tpu.memory_space<vmem>> -> memref<100xf32, #tpu.memory_space<vmem>>
      %dma_start3A_161 = arith.constant 0 : i32
      %dma_start3A_162 = tpu.memref_slice %arg5[%add3A_158, %dma_start3A_161] : memref<100x100xi32, #tpu.memory_space<vmem>> -> memref<1x100xi32, #tpu.memory_space<vmem>>
      %dma_start3A_163 = tpu.memref_squeeze %dma_start3A_162 : memref<1x100xi32, #tpu.memory_space<vmem>> -> memref<100xi32, #tpu.memory_space<vmem>>
      %dma_start3A_164 = arith.constant 0 : i32
      %dma_start3A_165 = tpu.memref_slice %arg7[%dma_start3A_164] : memref<10240xf32, #tpu.memory_space<vmem_shared>> -> memref<10240xf32, #tpu.memory_space<vmem_shared>>
      tpu.enqueue_indirect_dma source(%dma_start3A_160 : memref<100xf32, #tpu.memory_space<vmem>>) target(%dma_start3A_165 : memref<10240xf32, #tpu.memory_space<vmem_shared>>) offsets(%dma_start3A_163 : memref<100xi32, #tpu.memory_space<vmem>>) semaphore(%arg8 : memref<!tpu.dma_semaphore, #tpu.memory_space<semaphore_mem>>) {add = true}
      %add3A_166 = arith.constant 3 : i32
      %add3A_167 = arith.addi %mul3A_138, %add3A_166 : i32
      %dma_start3A_168 = arith.constant 0 : i32
      %dma_start3A_169 = tpu.memref_slice %arg4[%dma_start3A_168] : memref<112xf32, #tpu.memory_space<vmem>> -> memref<100xf32, #tpu.memory_space<vmem>>
      %dma_start3A_170 = arith.constant 0 : i32
      %dma_start3A_171 = tpu.memref_slice %arg5[%add3A_167, %dma_start3A_170] : memref<100x100xi32, #tpu.memory_space<vmem>> -> memref<1x100xi32, #tpu.memory_space<vmem>>
      %dma_start3A_172 = tpu.memref_squeeze %dma_start3A_171 : memref<1x100xi32, #tpu.memory_space<vmem>> -> memref<100xi32, #tpu.memory_space<vmem>>
      %dma_start3A_173 = arith.constant 0 : i32
      %dma_start3A_174 = tpu.memref_slice %arg7[%dma_start3A_173] : memref<10240xf32, #tpu.memory_space<vmem_shared>> -> memref<10240xf32, #tpu.memory_space<vmem_shared>>
      tpu.enqueue_indirect_dma source(%dma_start3A_169 : memref<100xf32, #tpu.memory_space<vmem>>) target(%dma_start3A_174 : memref<10240xf32, #tpu.memory_space<vmem_shared>>) offsets(%dma_start3A_172 : memref<100xi32, #tpu.memory_space<vmem>>) semaphore(%arg8 : memref<!tpu.dma_semaphore, #tpu.memory_space<semaphore_mem>>) {add = true}
      %add3A_175 = arith.constant 4 : i32
      %add3A_176 = arith.addi %mul3A_138, %add3A_175 : i32
      %dma_start3A_177 = arith.constant 0 : i32
      %dma_start3A_178 = tpu.memref_slice %arg4[%dma_start3A_177] : memref<112xf32, #tpu.memory_space<vmem>> -> memref<100xf32, #tpu.memory_space<vmem>>
      %dma_start3A_179 = arith.constant 0 : i32
      %dma_start3A_180 = tpu.memref_slice %arg5[%add3A_176, %dma_start3A_179] : memref<100x100xi32, #tpu.memory_space<vmem>> -> memref<1x100xi32, #tpu.memory_space<vmem>>
      %dma_start3A_181 = tpu.memref_squeeze %dma_start3A_180 : memref<1x100xi32, #tpu.memory_space<vmem>> -> memref<100xi32, #tpu.memory_space<vmem>>
      %dma_start3A_182 = arith.constant 0 : i32
      %dma_start3A_183 = tpu.memref_slice %arg7[%dma_start3A_182] : memref<10240xf32, #tpu.memory_space<vmem_shared>> -> memref<10240xf32, #tpu.memory_space<vmem_shared>>
      tpu.enqueue_indirect_dma source(%dma_start3A_178 : memref<100xf32, #tpu.memory_space<vmem>>) target(%dma_start3A_183 : memref<10240xf32, #tpu.memory_space<vmem_shared>>) offsets(%dma_start3A_181 : memref<100xi32, #tpu.memory_space<vmem>>) semaphore(%arg8 : memref<!tpu.dma_semaphore, #tpu.memory_space<semaphore_mem>>) {add = true}
      %mul3A_184 = arith.constant 5 : i32
      %mul3A_185 = arith.muli %scan3A_135, %mul3A_184 : i32
      %add3A_186 = arith.constant 0 : i32
      %add3A_187 = arith.addi %mul3A_185, %add3A_186 : i32
      %dma_wait3A_188 = arith.constant 0 : i32
      %dma_wait3A_189 = tpu.memref_slice %arg4[%dma_wait3A_188] : memref<112xf32, #tpu.memory_space<vmem>> -> memref<100xf32, #tpu.memory_space<vmem>>
      %dma_wait3A_190 = arith.constant 0 : i32
      %dma_wait3A_191 = tpu.memref_slice %arg5[%add3A_187, %dma_wait3A_190] : memref<100x100xi32, #tpu.memory_space<vmem>> -> memref<1x100xi32, #tpu.memory_space<vmem>>
      %dma_wait3A_192 = tpu.memref_squeeze %dma_wait3A_191 : memref<1x100xi32, #tpu.memory_space<vmem>> -> memref<100xi32, #tpu.memory_space<vmem>>
      %dma_wait3A_193 = arith.constant 0 : i32
      %dma_wait3A_194 = tpu.memref_slice %arg7[%dma_wait3A_193] : memref<10240xf32, #tpu.memory_space<vmem_shared>> -> memref<10240xf32, #tpu.memory_space<vmem_shared>>
      tpu.wait_indirect_dma semaphore(%arg8 : memref<!tpu.dma_semaphore, #tpu.memory_space<semaphore_mem>>) src(%dma_wait3A_189 : memref<100xf32, #tpu.memory_space<vmem>>) dst(%dma_wait3A_194 : memref<10240xf32, #tpu.memory_space<vmem_shared>>)
      %add3A_195 = arith.constant 1 : i32
      %add3A_196 = arith.addi %mul3A_185, %add3A_195 : i32
      %dma_wait3A_197 = arith.constant 0 : i32
      %dma_wait3A_198 = tpu.memref_slice %arg4[%dma_wait3A_197] : memref<112xf32, #tpu.memory_space<vmem>> -> memref<100xf32, #tpu.memory_space<vmem>>
      %dma_wait3A_199 = arith.constant 0 : i32
      %dma_wait3A_200 = tpu.memref_slice %arg5[%add3A_196, %dma_wait3A_199] : memref<100x100xi32, #tpu.memory_space<vmem>> -> memref<1x100xi32, #tpu.memory_space<vmem>>
      %dma_wait3A_201 = tpu.memref_squeeze %dma_wait3A_200 : memref<1x100xi32, #tpu.memory_space<vmem>> -> memref<100xi32, #tpu.memory_space<vmem>>
      %dma_wait3A_202 = arith.constant 0 : i32
      %dma_wait3A_203 = tpu.memref_slice %arg7[%dma_wait3A_202] : memref<10240xf32, #tpu.memory_space<vmem_shared>> -> memref<10240xf32, #tpu.memory_space<vmem_shared>>
      tpu.wait_indirect_dma semaphore(%arg8 : memref<!tpu.dma_semaphore, #tpu.memory_space<semaphore_mem>>) src(%dma_wait3A_198 : memref<100xf32, #tpu.memory_space<vmem>>) dst(%dma_wait3A_203 : memref<10240xf32, #tpu.memory_space<vmem_shared>>)
      %add3A_204 = arith.constant 2 : i32
      %add3A_205 = arith.addi %mul3A_185, %add3A_204 : i32
      %dma_wait3A_206 = arith.constant 0 : i32
      %dma_wait3A_207 = tpu.memref_slice %arg4[%dma_wait3A_206] : memref<112xf32, #tpu.memory_space<vmem>> -> memref<100xf32, #tpu.memory_space<vmem>>
      %dma_wait3A_208 = arith.constant 0 : i32
      %dma_wait3A_209 = tpu.memref_slice %arg5[%add3A_205, %dma_wait3A_208] : memref<100x100xi32, #tpu.memory_space<vmem>> -> memref<1x100xi32, #tpu.memory_space<vmem>>
      %dma_wait3A_210 = tpu.memref_squeeze %dma_wait3A_209 : memref<1x100xi32, #tpu.memory_space<vmem>> -> memref<100xi32, #tpu.memory_space<vmem>>
      %dma_wait3A_211 = arith.constant 0 : i32
      %dma_wait3A_212 = tpu.memref_slice %arg7[%dma_wait3A_211] : memref<10240xf32, #tpu.memory_space<vmem_shared>> -> memref<10240xf32, #tpu.memory_space<vmem_shared>>
      tpu.wait_indirect_dma semaphore(%arg8 : memref<!tpu.dma_semaphore, #tpu.memory_space<semaphore_mem>>) src(%dma_wait3A_207 : memref<100xf32, #tpu.memory_space<vmem>>) dst(%dma_wait3A_212 : memref<10240xf32, #tpu.memory_space<vmem_shared>>)
      %add3A_213 = arith.constant 3 : i32
      %add3A_214 = arith.addi %mul3A_185, %add3A_213 : i32
      %dma_wait3A_215 = arith.constant 0 : i32
      %dma_wait3A_216 = tpu.memref_slice %arg4[%dma_wait3A_215] : memref<112xf32, #tpu.memory_space<vmem>> -> memref<100xf32, #tpu.memory_space<vmem>>
      %dma_wait3A_217 = arith.constant 0 : i32
      %dma_wait3A_218 = tpu.memref_slice %arg5[%add3A_214, %dma_wait3A_217] : memref<100x100xi32, #tpu.memory_space<vmem>> -> memref<1x100xi32, #tpu.memory_space<vmem>>
      %dma_wait3A_219 = tpu.memref_squeeze %dma_wait3A_218 : memref<1x100xi32, #tpu.memory_space<vmem>> -> memref<100xi32, #tpu.memory_space<vmem>>
      %dma_wait3A_220 = arith.constant 0 : i32
      %dma_wait3A_221 = tpu.memref_slice %arg7[%dma_wait3A_220] : memref<10240xf32, #tpu.memory_space<vmem_shared>> -> memref<10240xf32, #tpu.memory_space<vmem_shared>>
      tpu.wait_indirect_dma semaphore(%arg8 : memref<!tpu.dma_semaphore, #tpu.memory_space<semaphore_mem>>) src(%dma_wait3A_216 : memref<100xf32, #tpu.memory_space<vmem>>) dst(%dma_wait3A_221 : memref<10240xf32, #tpu.memory_space<vmem_shared>>)
      %add3A_222 = arith.constant 4 : i32
      %add3A_223 = arith.addi %mul3A_185, %add3A_222 : i32
      %dma_wait3A_224 = arith.constant 0 : i32
      %dma_wait3A_225 = tpu.memref_slice %arg4[%dma_wait3A_224] : memref<112xf32, #tpu.memory_space<vmem>> -> memref<100xf32, #tpu.memory_space<vmem>>
      %dma_wait3A_226 = arith.constant 0 : i32
      %dma_wait3A_227 = tpu.memref_slice %arg5[%add3A_223, %dma_wait3A_226] : memref<100x100xi32, #tpu.memory_space<vmem>> -> memref<1x100xi32, #tpu.memory_space<vmem>>
      %dma_wait3A_228 = tpu.memref_squeeze %dma_wait3A_227 : memref<1x100xi32, #tpu.memory_space<vmem>> -> memref<100xi32, #tpu.memory_space<vmem>>
      %dma_wait3A_229 = arith.constant 0 : i32
      %dma_wait3A_230 = tpu.memref_slice %arg7[%dma_wait3A_229] : memref<10240xf32, #tpu.memory_space<vmem_shared>> -> memref<10240xf32, #tpu.memory_space<vmem_shared>>
      tpu.wait_indirect_dma semaphore(%arg8 : memref<!tpu.dma_semaphore, #tpu.memory_space<semaphore_mem>>) src(%dma_wait3A_225 : memref<100xf32, #tpu.memory_space<vmem>>) dst(%dma_wait3A_230 : memref<10240xf32, #tpu.memory_space<vmem_shared>>)
    }
    %scan3A_90 = arith.constant 19 : i32
    %dma_wait3A = arith.constant 95 : i32
    %dma_wait3A_91 = arith.constant 0 : i32
    %dma_wait3A_92 = tpu.memref_slice %arg4[%dma_wait3A_91] : memref<112xf32, #tpu.memory_space<vmem>> -> memref<100xf32, #tpu.memory_space<vmem>>
    %dma_wait3A_93 = arith.constant 0 : i32
    %dma_wait3A_94 = tpu.memref_slice %arg5[%dma_wait3A, %dma_wait3A_93] : memref<100x100xi32, #tpu.memory_space<vmem>> -> memref<1x100xi32, #tpu.memory_space<vmem>>
    %dma_wait3A_95 = tpu.memref_squeeze %dma_wait3A_94 : memref<1x100xi32, #tpu.memory_space<vmem>> -> memref<100xi32, #tpu.memory_space<vmem>>
    %dma_wait3A_96 = arith.constant 0 : i32
    %dma_wait3A_97 = tpu.memref_slice %arg7[%dma_wait3A_96] : memref<10240xf32, #tpu.memory_space<vmem_shared>> -> memref<10240xf32, #tpu.memory_space<vmem_shared>>
    tpu.wait_indirect_dma semaphore(%arg8 : memref<!tpu.dma_semaphore, #tpu.memory_space<semaphore_mem>>) src(%dma_wait3A_92 : memref<100xf32, #tpu.memory_space<vmem>>) dst(%dma_wait3A_97 : memref<10240xf32, #tpu.memory_space<vmem_shared>>)
    %dma_wait3A_98 = arith.constant 96 : i32
    %dma_wait3A_99 = arith.constant 0 : i32
    %dma_wait3A_100 = tpu.memref_slice %arg4[%dma_wait3A_99] : memref<112xf32, #tpu.memory_space<vmem>> -> memref<100xf32, #tpu.memory_space<vmem>>
    %dma_wait3A_101 = arith.constant 0 : i32
    %dma_wait3A_102 = tpu.memref_slice %arg5[%dma_wait3A_98, %dma_wait3A_101] : memref<100x100xi32, #tpu.memory_space<vmem>> -> memref<1x100xi32, #tpu.memory_space<vmem>>
    %dma_wait3A_103 = tpu.memref_squeeze %dma_wait3A_102 : memref<1x100xi32, #tpu.memory_space<vmem>> -> memref<100xi32, #tpu.memory_space<vmem>>
    %dma_wait3A_104 = arith.constant 0 : i32
    %dma_wait3A_105 = tpu.memref_slice %arg7[%dma_wait3A_104] : memref<10240xf32, #tpu.memory_space<vmem_shared>> -> memref<10240xf32, #tpu.memory_space<vmem_shared>>
    tpu.wait_indirect_dma semaphore(%arg8 : memref<!tpu.dma_semaphore, #tpu.memory_space<semaphore_mem>>) src(%dma_wait3A_100 : memref<100xf32, #tpu.memory_space<vmem>>) dst(%dma_wait3A_105 : memref<10240xf32, #tpu.memory_space<vmem_shared>>)
    %dma_wait3A_106 = arith.constant 97 : i32
    %dma_wait3A_107 = arith.constant 0 : i32
    %dma_wait3A_108 = tpu.memref_slice %arg4[%dma_wait3A_107] : memref<112xf32, #tpu.memory_space<vmem>> -> memref<100xf32, #tpu.memory_space<vmem>>
    %dma_wait3A_109 = arith.constant 0 : i32
    %dma_wait3A_110 = tpu.memref_slice %arg5[%dma_wait3A_106, %dma_wait3A_109] : memref<100x100xi32, #tpu.memory_space<vmem>> -> memref<1x100xi32, #tpu.memory_space<vmem>>
    %dma_wait3A_111 = tpu.memref_squeeze %dma_wait3A_110 : memref<1x100xi32, #tpu.memory_space<vmem>> -> memref<100xi32, #tpu.memory_space<vmem>>
    %dma_wait3A_112 = arith.constant 0 : i32
    %dma_wait3A_113 = tpu.memref_slice %arg7[%dma_wait3A_112] : memref<10240xf32, #tpu.memory_space<vmem_shared>> -> memref<10240xf32, #tpu.memory_space<vmem_shared>>
    tpu.wait_indirect_dma semaphore(%arg8 : memref<!tpu.dma_semaphore, #tpu.memory_space<semaphore_mem>>) src(%dma_wait3A_108 : memref<100xf32, #tpu.memory_space<vmem>>) dst(%dma_wait3A_113 : memref<10240xf32, #tpu.memory_space<vmem_shared>>)
    %dma_wait3A_114 = arith.constant 98 : i32
    %dma_wait3A_115 = arith.constant 0 : i32
    %dma_wait3A_116 = tpu.memref_slice %arg4[%dma_wait3A_115] : memref<112xf32, #tpu.memory_space<vmem>> -> memref<100xf32, #tpu.memory_space<vmem>>
    %dma_wait3A_117 = arith.constant 0 : i32
    %dma_wait3A_118 = tpu.memref_slice %arg5[%dma_wait3A_114, %dma_wait3A_117] : memref<100x100xi32, #tpu.memory_space<vmem>> -> memref<1x100xi32, #tpu.memory_space<vmem>>
    %dma_wait3A_119 = tpu.memref_squeeze %dma_wait3A_118 : memref<1x100xi32, #tpu.memory_space<vmem>> -> memref<100xi32, #tpu.memory_space<vmem>>
    %dma_wait3A_120 = arith.constant 0 : i32
    %dma_wait3A_121 = tpu.memref_slice %arg7[%dma_wait3A_120] : memref<10240xf32, #tpu.memory_space<vmem_shared>> -> memref<10240xf32, #tpu.memory_space<vmem_shared>>
    tpu.wait_indirect_dma semaphore(%arg8 : memref<!tpu.dma_semaphore, #tpu.memory_space<semaphore_mem>>) src(%dma_wait3A_116 : memref<100xf32, #tpu.memory_space<vmem>>) dst(%dma_wait3A_121 : memref<10240xf32, #tpu.memory_space<vmem_shared>>)
    %dma_wait3A_122 = arith.constant 99 : i32
    %dma_wait3A_123 = arith.constant 0 : i32
    %dma_wait3A_124 = tpu.memref_slice %arg4[%dma_wait3A_123] : memref<112xf32, #tpu.memory_space<vmem>> -> memref<100xf32, #tpu.memory_space<vmem>>
    %dma_wait3A_125 = arith.constant 0 : i32
    %dma_wait3A_126 = tpu.memref_slice %arg5[%dma_wait3A_122, %dma_wait3A_125] : memref<100x100xi32, #tpu.memory_space<vmem>> -> memref<1x100xi32, #tpu.memory_space<vmem>>
    %dma_wait3A_127 = tpu.memref_squeeze %dma_wait3A_126 : memref<1x100xi32, #tpu.memory_space<vmem>> -> memref<100xi32, #tpu.memory_space<vmem>>
    %dma_wait3A_128 = arith.constant 0 : i32
    %dma_wait3A_129 = tpu.memref_slice %arg7[%dma_wait3A_128] : memref<10240xf32, #tpu.memory_space<vmem_shared>> -> memref<10240xf32, #tpu.memory_space<vmem_shared>>
    tpu.wait_indirect_dma semaphore(%arg8 : memref<!tpu.dma_semaphore, #tpu.memory_space<semaphore_mem>>) src(%dma_wait3A_124 : memref<100xf32, #tpu.memory_space<vmem>>) dst(%dma_wait3A_129 : memref<10240xf32, #tpu.memory_space<vmem_shared>>)
    %barrier3A_130 = arith.constant 0 : index
    tpu.barrier barrier_id(%barrier3A_130)
    %mul3A_131 = arith.constant 640 : i32
    %mul3A_132 = arith.muli %arg1, %mul3A_131 : i32
    %mul3A_133 = arith.constant 640 : i32
    %mul3A_134 = arith.muli %arg1, %mul3A_133 : i32
    "tpu.region"() ({
      %run_scoped3A = tpu.sem_alloc : memref<!tpu.dma_semaphore, #tpu.memory_space<semaphore_mem>>
      %dma_start3A_135 = tpu.memref_slice %arg3[%arg0, %mul3A_134] : memref<2x10240xf32, #tpu.memory_space<hbm>> -> memref<1x640xf32, #tpu.memory_space<hbm>>
      %dma_start3A_136 = tpu.memref_squeeze %dma_start3A_135 : memref<1x640xf32, #tpu.memory_space<hbm>> -> memref<640xf32, #tpu.memory_space<hbm>>
      %dma_start3A_137 = tpu.memref_slice %arg7[%mul3A_132] : memref<10240xf32, #tpu.memory_space<vmem_shared>> -> memref<640xf32, #tpu.memory_space<vmem_shared>>
      tpu.enqueue_dma source(%dma_start3A_137 : memref<640xf32, #tpu.memory_space<vmem_shared>>) target(%dma_start3A_136 : memref<640xf32, #tpu.memory_space<hbm>>) target_semaphore(%run_scoped3A : memref<!tpu.dma_semaphore, #tpu.memory_space<semaphore_mem>>)
      %dma_wait3A_138 = tpu.memref_slice %arg3[%arg0, %mul3A_134] : memref<2x10240xf32, #tpu.memory_space<hbm>> -> memref<1x640xf32, #tpu.memory_space<hbm>>
      %dma_wait3A_139 = tpu.memref_squeeze %dma_wait3A_138 : memref<1x640xf32, #tpu.memory_space<hbm>> -> memref<640xf32, #tpu.memory_space<hbm>>
      %dma_wait3A_140 = tpu.memref_slice %arg7[%mul3A_132] : memref<10240xf32, #tpu.memory_space<vmem_shared>> -> memref<640xf32, #tpu.memory_space<vmem_shared>>
      tpu.wait_dma2 semaphore(%run_scoped3A : memref<!tpu.dma_semaphore, #tpu.memory_space<semaphore_mem>>) src(%dma_wait3A_140 : memref<640xf32, #tpu.memory_space<vmem_shared>>) dst(%dma_wait3A_139 : memref<640xf32, #tpu.memory_space<hbm>>)
      tpu.yield
    }) : () -> ()
    return
  }
}

module attributes {stable_mosaic.version = 14 : i64} {
  func.func @_scale_body(%arg0: i32, %arg1: memref<2000x1xf32, #tpu.memory_space<vmem>>, %arg2: memref<2000x1xf32, #tpu.memory_space<vmem>>, %arg3: memref<2000x128xf32, #tpu.memory_space<vmem>>, %arg4: memref<2000x128xf32, #tpu.memory_space<vmem>>, %arg5: memref<2000x1xf32, #tpu.memory_space<vmem>>) attributes {dimension_semantics = [#tpu.dimension_semantics<arbitrary>], iteration_bounds = array<i64: 5>, scalar_prefetch = 0 : i64, scratch_operands = 0 : i64, tpu.core_type = #tpu.core_type<tc>, window_params = [{transform_indices = @transform_0, window_bounds = array<i64: 2000, 1>}, {transform_indices = @transform_1, window_bounds = array<i64: 2000, 1>}, {transform_indices = @transform_2, window_bounds = array<i64: 2000, 128>}, {transform_indices = @transform_3, window_bounds = array<i64: 2000, 128>}, {transform_indices = @transform_4, window_bounds = array<i64: 2000, 1>}]} {
    %get3A = arith.constant 0 : index
    %get3A_0 = arith.constant 0 : index
    %get3A_1 = vector.load %arg1[%get3A, %get3A_0] : memref<2000x1xf32, #tpu.memory_space<vmem>>, vector<2000x1xf32>
    %get3A_2 = arith.constant 0 : index
    %get3A_3 = arith.constant 0 : index
    %get3A_4 = vector.load %arg2[%get3A_2, %get3A_3] : memref<2000x1xf32, #tpu.memory_space<vmem>>, vector<2000x1xf32>
    %add3A = arith.addf %get3A_1, %get3A_4 : vector<2000x1xf32>
    %max3A = arith.constant 1.000000e+00 : f32
    %max3A_5 = vector.broadcast %max3A : f32 to vector<2000x1xf32>
    %max3A_6 = arith.maximumf %add3A, %max3A_5 : vector<2000x1xf32>
    %div3A = arith.constant 1.000000e+00 : f32
    %div3A_7 = vector.broadcast %div3A : f32 to vector<2000x1xf32>
    %div3A_8 = arith.divf %div3A_7, %max3A_6 : vector<2000x1xf32>
    %get3A_9 = arith.constant 0 : index
    %get3A_10 = arith.constant 0 : index
    %get3A_11 = vector.load %arg3[%get3A_9, %get3A_10] : memref<2000x128xf32, #tpu.memory_space<vmem>>, vector<2000x128xf32>
    %mul3A = vector.broadcast %div3A_8 : vector<2000x1xf32> to vector<2000x128xf32>
    %mul3A_12 = arith.mulf %get3A_11, %mul3A : vector<2000x128xf32>
    %swap3A = arith.constant 0 : index
    %swap3A_13 = arith.constant 0 : index
    %swap3A_14 = vector.load %arg4[%swap3A, %swap3A_13] : memref<2000x128xf32, #tpu.memory_space<vmem>>, vector<2000x128xf32>
    tpu.vector_store %arg4[%swap3A, %swap3A_13], %mul3A_12 {strides = array<i32>} : memref<2000x128xf32, #tpu.memory_space<vmem>>, vector<2000x128xf32>,
    %swap3A_15 = arith.constant 0 : index
    %swap3A_16 = arith.constant 0 : index
    %swap3A_17 = vector.load %arg5[%swap3A_15, %swap3A_16] : memref<2000x1xf32, #tpu.memory_space<vmem>>, vector<2000x1xf32>
    tpu.vector_store %arg5[%swap3A_15, %swap3A_16], %div3A_8 {strides = array<i32>} : memref<2000x1xf32, #tpu.memory_space<vmem>>, vector<2000x1xf32>,
    return
  }
  func.func @transform_0(%arg0: i32) -> (i32, i32) {
    %c0_i32 = arith.constant 0 : i32
    %c0_i32_0 = arith.constant 0 : i32
    return %arg0, %c0_i32 : i32, i32
  }
  func.func @transform_1(%arg0: i32) -> (i32, i32) {
    %c0_i32 = arith.constant 0 : i32
    %c0_i32_0 = arith.constant 0 : i32
    return %arg0, %c0_i32 : i32, i32
  }
  func.func @transform_2(%arg0: i32) -> (i32, i32) {
    %c0_i32 = arith.constant 0 : i32
    %c0_i32_0 = arith.constant 0 : i32
    return %arg0, %c0_i32 : i32, i32
  }
  func.func @transform_3(%arg0: i32) -> (i32, i32) {
    %c0_i32 = arith.constant 0 : i32
    %c0_i32_0 = arith.constant 0 : i32
    return %arg0, %c0_i32 : i32, i32
  }
  func.func @transform_4(%arg0: i32) -> (i32, i32) {
    %c0_i32 = arith.constant 0 : i32
    %c0_i32_0 = arith.constant 0 : i32
    return %arg0, %c0_i32 : i32, i32
  }
}

module attributes {stable_mosaic.version = 14 : i64} {
  func.func @_mid_body(%arg0: i32, %arg1: memref<2000x128xf32, #tpu.memory_space<vmem>>, %arg2: memref<2000x128xf32, #tpu.memory_space<vmem>>, %arg3: memref<1x128xf32, #tpu.memory_space<vmem>>, %arg4: memref<128x128xf32, #tpu.memory_space<vmem>>, %arg5: memref<2000x1xf32, #tpu.memory_space<vmem>>, %arg6: memref<2000x128xf32, #tpu.memory_space<vmem>>) attributes {dimension_semantics = [#tpu.dimension_semantics<arbitrary>], iteration_bounds = array<i64: 5>, scalar_prefetch = 0 : i64, scratch_operands = 0 : i64, tpu.core_type = #tpu.core_type<tc>, window_params = [{transform_indices = @transform_0, window_bounds = array<i64: 2000, 128>}, {transform_indices = @transform_1, window_bounds = array<i64: 2000, 128>}, {pipeline_mode = #tpu.pipeline_mode<synchronous>, transform_indices = @transform_2, window_bounds = array<i64: 1, 128>}, {pipeline_mode = #tpu.pipeline_mode<synchronous>, transform_indices = @transform_3, window_bounds = array<i64: 128, 128>}, {transform_indices = @transform_4, window_bounds = array<i64: 2000, 1>}, {transform_indices = @transform_5, window_bounds = array<i64: 2000, 128>}]} {
    %get3A = arith.constant 0 : index
    %get3A_0 = arith.constant 0 : index
    %get3A_1 = vector.load %arg1[%get3A, %get3A_0] : memref<2000x128xf32, #tpu.memory_space<vmem>>, vector<2000x128xf32>
    %get3A_2 = arith.constant 0 : index
    %get3A_3 = arith.constant 0 : index
    %get3A_4 = vector.load %arg2[%get3A_2, %get3A_3] : memref<2000x128xf32, #tpu.memory_space<vmem>>, vector<2000x128xf32>
    %add3A = arith.addf %get3A_1, %get3A_4 : vector<2000x128xf32>
    %get3A_5 = arith.constant 0 : index
    %get3A_6 = arith.constant 0 : index
    %get3A_7 = vector.load %arg4[%get3A_5, %get3A_6] : memref<128x128xf32, #tpu.memory_space<vmem>>, vector<128x128xf32>
    %dot_general3A = arith.constant dense<0.000000e+00> : vector<2000x128xf32>
    %dot_general3A_8 = tpu.matmul %add3A, %get3A_7, %dot_general3A {dimension_numbers = #tpu.dot_dimension_numbers<[1], [1], [0], [0], [0, 0, 1, 0], [], []>, precision = #tpu.contract_precision<fp32>, transpose_lhs_hint = false} : vector<2000x128xf32>, vector<128x128xf32>, vector<2000x128xf32> -> vector<2000x128xf32>
    %get3A_9 = arith.constant 0 : index
    %get3A_10 = arith.constant 0 : index
    %get3A_11 = vector.load %arg3[%get3A_9, %get3A_10] : memref<1x128xf32, #tpu.memory_space<vmem>>, vector<1x128xf32>
    %add3A_12 = vector.broadcast %get3A_11 : vector<1x128xf32> to vector<2000x128xf32>
    %add3A_13 = arith.addf %dot_general3A_8, %add3A_12 : vector<2000x128xf32>
    %max3A = arith.constant 0.000000e+00 : f32
    %max3A_14 = vector.broadcast %max3A : f32 to vector<2000x128xf32>
    %max3A_15 = arith.maximumf %add3A_13, %max3A_14 : vector<2000x128xf32>
    %get3A_16 = arith.constant 0 : index
    %get3A_17 = arith.constant 0 : index
    %get3A_18 = vector.load %arg5[%get3A_16, %get3A_17] : memref<2000x1xf32, #tpu.memory_space<vmem>>, vector<2000x1xf32>
    %mul3A = vector.broadcast %get3A_18 : vector<2000x1xf32> to vector<2000x128xf32>
    %mul3A_19 = arith.mulf %max3A_15, %mul3A : vector<2000x128xf32>
    %swap3A = arith.constant 0 : index
    %swap3A_20 = arith.constant 0 : index
    %swap3A_21 = vector.load %arg6[%swap3A, %swap3A_20] : memref<2000x128xf32, #tpu.memory_space<vmem>>, vector<2000x128xf32>
    tpu.vector_store %arg6[%swap3A, %swap3A_20], %mul3A_19 {strides = array<i32>} : memref<2000x128xf32, #tpu.memory_space<vmem>>, vector<2000x128xf32>,
    return
  }
  func.func @transform_0(%arg0: i32) -> (i32, i32) {
    %c0_i32 = arith.constant 0 : i32
    %c0_i32_0 = arith.constant 0 : i32
    return %arg0, %c0_i32 : i32, i32
  }
  func.func @transform_1(%arg0: i32) -> (i32, i32) {
    %c0_i32 = arith.constant 0 : i32
    %c0_i32_0 = arith.constant 0 : i32
    return %arg0, %c0_i32 : i32, i32
  }
  func.func @transform_2(%arg0: i32) -> (i32, i32) {
    %c0_i32 = arith.constant 0 : i32
    %c0_i32_0 = arith.constant 0 : i32
    %c0_i32_1 = arith.constant 0 : i32
    return %c0_i32, %c0_i32_0 : i32, i32
  }
  func.func @transform_3(%arg0: i32) -> (i32, i32) {
    %c0_i32 = arith.constant 0 : i32
    %c0_i32_0 = arith.constant 0 : i32
    %c0_i32_1 = arith.constant 0 : i32
    return %c0_i32, %c0_i32_0 : i32, i32
  }
  func.func @transform_4(%arg0: i32) -> (i32, i32) {
    %c0_i32 = arith.constant 0 : i32
    %c0_i32_0 = arith.constant 0 : i32
    return %arg0, %c0_i32 : i32, i32
  }
  func.func @transform_5(%arg0: i32) -> (i32, i32) {
    %c0_i32 = arith.constant 0 : i32
    %c0_i32_0 = arith.constant 0 : i32
    return %arg0, %c0_i32 : i32, i32
  }
}

module attributes {stable_mosaic.version = 14 : i64} {
  func.func @_out_body(%arg0: i32, %arg1: memref<2000x128xf32, #tpu.memory_space<vmem>>, %arg2: memref<2000x128xf32, #tpu.memory_space<vmem>>, %arg3: memref<1x128xf32, #tpu.memory_space<vmem>>, %arg4: memref<128x128xf32, #tpu.memory_space<vmem>>, %arg5: memref<2000x128xf32, #tpu.memory_space<vmem>>) attributes {dimension_semantics = [#tpu.dimension_semantics<arbitrary>], iteration_bounds = array<i64: 5>, scalar_prefetch = 0 : i64, scratch_operands = 0 : i64, tpu.core_type = #tpu.core_type<tc>, window_params = [{transform_indices = @transform_0, window_bounds = array<i64: 2000, 128>}, {transform_indices = @transform_1, window_bounds = array<i64: 2000, 128>}, {pipeline_mode = #tpu.pipeline_mode<synchronous>, transform_indices = @transform_2, window_bounds = array<i64: 1, 128>}, {pipeline_mode = #tpu.pipeline_mode<synchronous>, transform_indices = @transform_3, window_bounds = array<i64: 128, 128>}, {transform_indices = @transform_4, window_bounds = array<i64: 2000, 128>}]} {
    %get3A = arith.constant 0 : index
    %get3A_0 = arith.constant 0 : index
    %get3A_1 = vector.load %arg1[%get3A, %get3A_0] : memref<2000x128xf32, #tpu.memory_space<vmem>>, vector<2000x128xf32>
    %get3A_2 = arith.constant 0 : index
    %get3A_3 = arith.constant 0 : index
    %get3A_4 = vector.load %arg2[%get3A_2, %get3A_3] : memref<2000x128xf32, #tpu.memory_space<vmem>>, vector<2000x128xf32>
    %add3A = arith.addf %get3A_1, %get3A_4 : vector<2000x128xf32>
    %get3A_5 = arith.constant 0 : index
    %get3A_6 = arith.constant 0 : index
    %get3A_7 = vector.load %arg4[%get3A_5, %get3A_6] : memref<128x128xf32, #tpu.memory_space<vmem>>, vector<128x128xf32>
    %dot_general3A = arith.constant dense<0.000000e+00> : vector<2000x128xf32>
    %dot_general3A_8 = tpu.matmul %add3A, %get3A_7, %dot_general3A {dimension_numbers = #tpu.dot_dimension_numbers<[1], [1], [0], [0], [0, 0, 1, 0], [], []>, precision = #tpu.contract_precision<fp32>, transpose_lhs_hint = false} : vector<2000x128xf32>, vector<128x128xf32>, vector<2000x128xf32> -> vector<2000x128xf32>
    %get3A_9 = arith.constant 0 : index
    %get3A_10 = arith.constant 0 : index
    %get3A_11 = vector.load %arg3[%get3A_9, %get3A_10] : memref<1x128xf32, #tpu.memory_space<vmem>>, vector<1x128xf32>
    %add3A_12 = vector.broadcast %get3A_11 : vector<1x128xf32> to vector<2000x128xf32>
    %add3A_13 = arith.addf %dot_general3A_8, %add3A_12 : vector<2000x128xf32>
    %swap3A = arith.constant 0 : index
    %swap3A_14 = arith.constant 0 : index
    %swap3A_15 = vector.load %arg5[%swap3A, %swap3A_14] : memref<2000x128xf32, #tpu.memory_space<vmem>>, vector<2000x128xf32>
    tpu.vector_store %arg5[%swap3A, %swap3A_14], %add3A_13 {strides = array<i32>} : memref<2000x128xf32, #tpu.memory_space<vmem>>, vector<2000x128xf32>,
    return
  }
  func.func @transform_0(%arg0: i32) -> (i32, i32) {
    %c0_i32 = arith.constant 0 : i32
    %c0_i32_0 = arith.constant 0 : i32
    return %arg0, %c0_i32 : i32, i32
  }
  func.func @transform_1(%arg0: i32) -> (i32, i32) {
    %c0_i32 = arith.constant 0 : i32
    %c0_i32_0 = arith.constant 0 : i32
    return %arg0, %c0_i32 : i32, i32
  }
  func.func @transform_2(%arg0: i32) -> (i32, i32) {
    %c0_i32 = arith.constant 0 : i32
    %c0_i32_0 = arith.constant 0 : i32
    %c0_i32_1 = arith.constant 0 : i32
    return %c0_i32, %c0_i32_0 : i32, i32
  }
  func.func @transform_3(%arg0: i32) -> (i32, i32) {
    %c0_i32 = arith.constant 0 : i32
    %c0_i32_0 = arith.constant 0 : i32
    %c0_i32_1 = arith.constant 0 : i32
    return %c0_i32, %c0_i32_0 : i32, i32
  }
  func.func @transform_4(%arg0: i32) -> (i32, i32) {
    %c0_i32 = arith.constant 0 : i32
    %c0_i32_0 = arith.constant 0 : i32
    return %arg0, %c0_i32 : i32, i32
  }
}

</mosaic_0001>

<sc_bundles>
// kernel: kernel.11.cloned.1.call-start
scs
__scs_entry_jumppad:
0x0: {  	(pc) =	sbr.rel $0x88, $3  }
0x1: {  	(tag) =	ssettag $0x0;
	lr =	simm.s32 $0x1  }
0x2: {  	[smem:$0x3F9B] =	sst lr;
	_ =	strace $0xD0000000  }
0x3: {  	_ = 	snop  }
0x4: {  	_ = 	snop  }
0x5: {  	_ = 	snop  }
0x6: {  	_ = 	snop  }
0x7: {  	_ = 	snop  }
__scs_overlays_trampoline_lowered:
0x8: {  	[smem:$0x3FAA] =	sst s0  }
0x9: {  	[smem:$0x3FAB] =	sst s1  }
0xa: {  	[smem:$0x3FAC] =	sst s2  }
0xb: {  	[smem:$0x3FAD] =	sst s3  }
0xc: {  	[smem:$0x3FAE] =	sst s4  }
0xd: {  	[smem:$0x3FAF] =	sst s5  }
0xe: {  	[smem:$0x3FB0] =	sst s6  }
0xf: {  	[smem:$0x3FB1] =	sst s7  }
0x10: {  	[smem:$0x3FB2] =	sst s8  }
0x11: {  	[smem:$0x3FB3] =	sst s9;
	s0 =	simm.s32 @!p0 $0x0  }
0x12: {  	s1 =	sld [smem:$0x3F99];
	s0 =	simm.s32 @p0 $0x1  }
0x13: {  	[smem:$0x3FB4] =	sst s0;
	s0 =	simm.s32 @!p1 $0x0  }
0x14: {  	s2 =	sld [smem:$0x3F98];
	s0 =	simm.s32 @p1 $0x1  }
0x15: {  	[smem:$0x3FB5] =	sst s0;
	s0 =	simm.s32 @!p2 $0x0  }
0x16: {  	s3 =	sld [smem:$0x3FDB];
	s0 =	simm.s32 @p2 $0x1  }
0x17: {  	s4 =	simm.s32 $0x1BF5;
	[smem:$0x3FB7] =	sst s0  }
0x18: {  	s0 =	sld [smem:$0x3F9A];
	_ =	swait.ge [sflag:s4], $0x0  }
0x19: {  	s7 =	sld [smem:$0x3F9B]  }
0x1a: {  	s8 =	sadd.s32 $0xFFFFE003, lr  }
0x1b: {  	s9 =	sadd.s32 $0xFFFFFEF7, lr;
	s5 =	simm.s32 $0xFFFFFFFF;
	p2 =	slt.u32 s8, $0xFFFFF086  }
0x1c: {  	p1 =	slt.u32 s9, $0xF7A;
	s5 =	simm.s32 @!p2 $0x0  }
0x1d: {  	s5 =	simm.s32 @p1 $0x1;
	p0 =	seq.s32 s7, s2  }
0x1e: {  	s7 =	smul.u32 @!p0 $0xF7A, s2;
	p2 =	seq.s32 @!p0 s5, $0x0  }
0x1f: {  	s9 =	smul.u32 $0xF7A, s1;
	s8 =	simm.s32 @!p0 $0x1BF5;
	p2 =	por !p2, p0  }
0x20: {  	[sflag:s8] =	ssyncset.s32 @!p0 $0xFFFFF086;
	s6 =	sadd.s32 @!p0 s3, s7;
	s7 =	simm.s32 @!p0 $0x108  }
0x21: {  	s3 =	sadd.s32 s3, s9;
	s6 =	sadd.s32 @!p0 $0x88, s6;
	s7 =	simm.s32 @p2 $0x1082  }
0x22: {  	[simem:s7], [sflag:s8] =	dma.local @!p0 [hbm:s6], $0xF7A  }
0x23: {  	s9 =	sor.u32 $0xD0000000, s2;
	s6 =	simm.s32 $0x108;
	_ =	swait.ge @!p0 [sflag:s8], $0x0  }
0x24: {  	s3 =	sadd.s32 $0x88, s3;
	s6 =	simm.s32 @!p1 $0x1082;
	[sflag:s4] =	ssyncset.s32 $0xFFFFF086  }
0x25: {  	[simem:s6], [sflag:s4] =	dma.local [hbm:s3], $0xF7A  }
0x26: {  	[smem:$0x3F9B] =	sst s1;
	(tag) =	ssettag s2;
	_ =	strace s9  }
0x27: {  	s1 =	sld [smem:$0x3FAB]  }
0x28: {  	s2 =	sld [smem:$0x3FAC]  }
0x29: {  	s4 =	sld [smem:$0x3FAE]  }
0x2a: {  	p0 =	seq.s32 s5, $0x0;
	s5 =	sld [smem:$0x3FAF]  }
0x2b: {  	s6 =	sld [smem:$0x3FB0]  }
0x2c: {  	s7 =	sld [smem:$0x3FB1]  }
0x2d: {  	s3 =	simm.s32 $0x108;
	s8 =	sld [smem:$0x3FB2]  }
0x2e: {  	s3 =	simm.s32 @!p0 $0x1082;
	s9 =	sld [smem:$0x3FB3]  }
0x2f: {  	lr =	sadd.s32 s0, s3;
	s0 =	sld [smem:$0x3FAA]  }
0x30: {  	s3 =	sld [smem:$0x3FAD]  }
0x31: {  	[smem:$0x3FB6] =	sst s10  }
0x32: {  	s10 =	sld [smem:$0x3FB4];
	_ =	sdelay $0x3  }
0x33: {  	p0 =	seq.s32 s10, $0x1;
	s10 =	sld [smem:$0x3FB6];
	_ =	sdelay $0x3  }
0x34: {  	[smem:$0x3FB6] =	sst s10  }
0x35: {  	s10 =	sld [smem:$0x3FB5];
	_ =	sdelay $0x3  }
0x36: {  	p1 =	seq.s32 s10, $0x1;
	s10 =	sld [smem:$0x3FB6];
	_ =	sdelay $0x3  }
0x37: {  	[smem:$0x3FB6] =	sst s10  }
0x38: {  	s10 =	sld [smem:$0x3FB7]  }
0x39: {  	_ = 	snop;
	(pc) =	sbr.ind lr, $3  }
0x3a: {  	_ = 	snop  }
0x3b: {  	_ = 	snop  }
0x3c: {  	p2 =	seq.s32 s10, $0x1;
	s10 =	sld [smem:$0x3FB6]  }
0x3d: {  	_ =	shalt  }
0x3e: {  	_ =	shalt  }
0x3f: {  	_ =	shalt  }
0x40: {  	_ =	shalt  }
0x41: {  	_ =	shalt  }
0x42: {  	_ =	shalt  }
0x43: {  	_ =	shalt  }
0x44: {  	_ =	shalt  }
0x45: {  	_ =	shalt  }
0x46: {  	_ =	shalt  }
0x47: {  	_ =	shalt  }
0x48: {  	_ =	shalt  }
0x49: {  	_ =	shalt  }
0x4a: {  	_ =	shalt  }
0x4b: {  	_ =	shalt  }
0x4c: {  	_ =	shalt  }
0x4d: {  	_ =	shalt  }
0x4e: {  	_ =	shalt  }
0x4f: {  	_ =	shalt  }
0x50: {  	_ =	shalt  }
0x51: {  	_ =	shalt  }
0x52: {  	_ =	shalt  }
0x53: {  	_ =	shalt  }
0x54: {  	_ =	shalt  }
0x55: {  	_ =	shalt  }
0x56: {  	_ =	shalt  }
0x57: {  	_ =	shalt  }
0x58: {  	_ =	shalt  }
0x59: {  	_ =	shalt  }
0x5a: {  	_ =	shalt  }
0x5b: {  	_ =	shalt  }
0x5c: {  	_ =	shalt  }
0x5d: {  	_ =	shalt  }
0x5e: {  	_ =	shalt  }
0x5f: {  	_ =	shalt  }
0x60: {  	_ =	shalt  }
0x61: {  	_ =	shalt  }
0x62: {  	_ =	shalt  }
0x63: {  	_ =	shalt  }
0x64: {  	_ =	shalt  }
0x65: {  	_ =	shalt  }
0x66: {  	_ =	shalt  }
0x67: {  	_ =	shalt  }
0x68: {  	_ =	shalt  }
0x69: {  	_ =	shalt  }
0x6a: {  	_ =	shalt  }
0x6b: {  	_ =	shalt  }
0x6c: {  	_ =	shalt  }
0x6d: {  	_ =	shalt  }
0x6e: {  	_ =	shalt  }
0x6f: {  	_ =	shalt  }
0x70: {  	_ =	shalt  }
0x71: {  	_ =	shalt  }
0x72: {  	_ =	shalt  }
0x73: {  	_ =	shalt  }
0x74: {  	_ =	shalt  }
0x75: {  	_ =	shalt  }
0x76: {  	_ =	shalt  }
0x77: {  	_ =	shalt  }
0x78: {  	_ =	shalt  }
0x79: {  	_ =	shalt  }
0x7a: {  	_ =	shalt  }
0x7b: {  	_ =	shalt  }
0x7c: {  	_ =	shalt  }
0x7d: {  	_ =	shalt  }
0x7e: {  	_ =	shalt  }
0x7f: {  	_ =	shalt  }
0x80: {  	_ =	shalt  }
0x81: {  	_ =	shalt  }
0x82: {  	_ =	shalt  }
0x83: {  	_ =	shalt  }
0x84: {  	_ =	shalt  }
0x85: {  	_ =	shalt  }
0x86: {  	_ =	shalt  }
0x87: {  	_ =	shalt  }
.Lfunc_end0:
.L_simem_size_0:
called_computation.1_lowered:
.L_overlay_start_0:
0x88: {  	s2 =	sld [smem:$0x3FD9]  }
0x89: {  	s3 =	sld [smem:$0x3FFE];
	_ =	sdelay $0x1  }
0x8a: {  	s1 =	srdreg.scid  }
0x8b: {  	s0 =	sand.u32 $0x1, s1  }
0x8c: {  	s17 =	sshll.u32 s0, $0xA;
	s2 =	sadd.s32 s3, s2  }
0x8d: {  	s2 =	sadd.s32 s2, s17  }
0x8e: {  	[smem:$0x3FC2] =	sst s2  }
0x8f: {  	_ = 	snop  }
0x90: {  	s2 =	sld [smem:$0x3FD0];
	(tm) =	ssettm $0x1  }
0x91: {  	s18 =	sld [smem:$0x3FFB];
	_ =	sdelay $0x3  }
0x92: {  	_ =	strace s18  }
0x93: {  	s3 =	sld [smem:$0x3FFC];
	_ =	sdelay $0x3  }
0x94: {  	_ =	strace s3  }
0x95: {  	s3 =	sld [smem:$0x3FFD];
	_ =	sdelay $0x3  }
0x96: {  	_ =	strace s3  }
0x97: {  	_ =	strace $0x8FFFFFFF  }
0x98: {  	s19 =	sld [smem:$0x3FDB];
	_ =	sdelay $0x1  }
0x99: {  	s4 =	simm.s32 $_scs_section_size  }
0x9a: {  	s5 =	simm.s32 $_size__tile_overlayer_lowered;
	s6 =	simm.s32 $_tile_overlayer_lowered  }
0x9b: {  	s22 =	simm.s32 $0x1BFF;
	s21 =	sshll.u32 s6, $0x1;
	s3 =	sadd.s32 s4, s19  }
0x9c: {  	s7 =	simm.s32 $0x0;
	s20 =	sshll.u32 s5, $0x1;
	s5 =	sadd.s32 s21, s3  }
0x9d: {  	[timem:s7], [sflag:s22] =	dma.local [hbm:s5], s20  }
0x9e: {  	_ =	swait.ge [sflag:s22], s20  }
0x9f: {  	s4 =	ssub.s32 $0x0, s20;
	[sflag:s22] =	ssyncset.done $0x0  }
0xa0: {  	[sflag:s22] =	ssyncadd.s32 s4;
	_ =	sdelay $0x1  }
0xa1: {  	s23 =	simm.s32 $0x1B8B  }
0xa2: {  	_ =	swait.ge [sflag:s23], $0x1  }
0xa3: {  	[sflag:s23] =	ssyncset.done $0x0  }
0xa4: {  	s25 =	simm.s32 $0x1B8E;
	s24 =	sld [smem:$0x3FFE];
	[sflag:s23] =	ssyncadd.s32 $0xFFFFFFFF  }
0xa5: {  	s26 =	simm.s32 $execute0_lowered;
	[smem:$0x3FD2] =	sst s25  }
0xa6: {  	s5 =	sshll.u32 s26, $0x1;
	_ =	strace $0x80000049;
	[dreg:$0x1] =	wrdreg $0xFFFFFFFF  }
0xa7: {  	s28 =	simm.s32 $_size_execute0_lowered;
	s3 =	sadd.s32 s3, s5;
	[dreg:$0x0] =	wrdreg $0x0  }
0xa8: {  	s5 =	sshll.u32 s28, $0x1;
	[dreg:$0x2] =	wrdreg s3  }
0xa9: {  	[dreg:$0x3] =	wrdreg s5  }
0xaa: {  	[dreg:$0x4] =	wrdreg $0xC0  }
0xab: {  	_ =	task [dreg:s7], $0x5FFFF  }
0xac: {  	[dreg:$0x1] =	wrdreg $0xFFFFFFFF  }
0xad: {  	[dreg:$0x0] =	wrdreg $0x60  }
0xae: {  	[dreg:$0x2] =	wrdreg s2  }
0xaf: {  	[dreg:$0x3] =	wrdreg s24  }
0xb0: {  	[dreg:$0x4] =	wrdreg $0xA8000  }
0xb1: {  	[dreg:$0x5] =	wrdreg $0x9  }
0xb2: {  	_ =	task.clear_ibuf [dreg:s7], $0x6FFFF;
	_ =	strace $0x90000049  }
0xb3: {  	s29 =	simm.s32 $0x9;
	_ =	strace $0x8000004B  }
0xb4: {  	_ =	swait.ge [sflag:s29], $0x1  }
0xb5: {  	[sflag:s29] =	ssyncadd.s32 $0xFFFFFFFF  }
0xb6: {  	_ =	strace $0x9000004B  }
0xb7: {  	_ =	sfence  }
0xb8: {  	s30 =	sld [smem:$0x0];
	_ =	sdelay $0x2  }
0xb9: {  	s31 =	sshll.u32 s1, $0xD;
	s1 =	sshrl.u32 s1, $0x2  }
0xba: {  	s3 =	sand.u32 $0x4000, s31;
	s1 =	sadd.s32 s1, s30  }
0xbb: {  	s0 =	sor.u32 s3, s0;
	s1 =	sshll.u32 s1, $0x11  }
0xbc: {  	s0 =	sor.u32 s1, s0  }
0xbd: {  	s0 =	sadd.s32 $0x8F2B, s0  }
0xbe: {  	[sflag:s0] =	ssyncadd.remote.s32 $0x1  }
0xbf: {  	_ =	sfence.sel $0xFFFF  }
0xc0: {  	[dreg:$0x0] =	wrdreg $0xFFFFFFFF;
	(pc) =	sbr.abs _section_cstart, $3  }
0xc1: {  	[dreg:$0x1] =	wrdreg $0xFFFFFFFF  }
0xc2: {  	_ =	task.clear_ibuf [dreg:s7], $0x2FFFF;
	_ =	strace $0x9FFFFFFF  }
0xc3: {  	(tm) =	ssettm $0x7FFFFFFF  }
tec
execute0_lowered:
.L_overlay_start_1:
0x0: {  	(tag) =	ssettag $0x1  }
0x1: {  	s1 =	rddreg [dreg:$0x0]  }
0x2: {  	s5 =	rddreg [dreg:$0x1]  }
0x3: {  	s2 =	rddreg [dreg:$0x2]  }
0x4: {  	s3 =	srdreg.scid;
	s0 =	rddreg [dreg:$0x3];
	s4 =	simm.s32 $0x0  }
0x5: {  	s18 =	simm.s32 $0x2;
	s19 =	simm.s32 $0x1400;
	s6 =	sand.u32 $0x1, s3  }
0x6: {  	s20 =	simm.s32 $0x7D;
	s3 =	stileid.u32;
	s7 =	smul.u32 $0x140000, s6  }
0x7: {  	s21 =	simm.s32 $0x6800;
	s22 =	simm.s32 $0x1;
	s8 =	smul.u32 $0x14000, s3  }
0x8: {  	s23 =	simm.s32 $0x1380;
	s24 =	simm.s32 $0x2700;
	s30 =	smul.u32 $0x50000, s3  }
0x9: {  	s25 =	simm.s32 $0x2780;
	[smem:$0x7FF] =	sst s4;
	s9 =	smul.u32 $0x28000, s6  }
0xa: {  	s13 =	sadd.s32 $0x2200, s5;
	s6 =	ssub.s32 $0x2, s6;
	s10 =	smul.u32 $0x2800, s3  }
0xb: {  	s14 =	sadd.s32 $0xC200, s5;
	_ =	strace $0x8000004A;
	s31 =	sshrl.u32 s6, $0x1  }
0xc: {  	s7 =	sadd.s32 s8, s7;
	s8 =	sshrl.u32 s30, $0x2;
	s9 =	sadd.s32 s10, s9  }
0xd: {  	s16 =	ssub.s32 s6, s31;
	s7 =	sshrl.u32 s7, $0x3;
	s12 =	sshrl.u32 s9, $0x3  }
0xe: {  	s16 =	smax.u32 s16, $0x1;
	s15 =	sadd.s32 s7, s5;
	s5 =	sadd.s32 s8, s2  }
0xf: {  	s17 =	sadd.s32 $0x280, s12;
	s11 =	sadd.s32 s13, s12;
	s12 =	sadd.s32 s14, s12  }
0x10: {  	s6 =	sadd.s32 $0x3E80, s5;
	s7 =	sadd.s32 $0x7D00, s5;
	s8 =	sadd.s32 $0xBB80, s5  }
0x11: {  	s9 =	sadd.s32 $0xFA00, s5;
	s10 =	sadd.s32 $0x13880, s5;
	s13 =	sadd.s32 s13, s17  }
0x12: {  	v0 =	vimm.f32 $0.0e+00;
	s14 =	sadd.s32 s14, s17;
	s15 =	sadd.s32 $0x16200, s15;
	s17 =	simm.s32 $0x2800  }
.LBB2_1:
0x13: {  	s26 =	simm.s32 $0x0;
	s28 =	simm.s32 $0x200  }
.LBB2_2:
0x14: {  	p0 =	sne.s32 s28, $0xF800;
	[tilespmem:s26+$0x2870] =	vst v0  }
0x15: {  	[tilespmem:s26+$0x2800] =	vst v0  }
0x16: {  	[tilespmem:s26+$0x2810] =	vst v0  }
.Ltmp0:
0x17: {  	[tilespmem:s26+$0x2820] =	vst v0;
	(pc) =	sbr.rel @p0 .LBB2_2-.Ltmp0, $4  }
0x18: {  	[tilespmem:s26+$0x2830] =	vst v0  }
0x19: {  	[tilespmem:s26+$0x2840] =	vst v0  }
0x1a: {  	[tilespmem:s26+$0x2850] =	vst v0  }
0x1b: {  	[tilespmem:s26+$0x2860] =	vst v0;
	s26 =	sshra.s32 s28, $0x2;
	s28 =	sadd.s32 $0x200, s28  }
0x1c: {  	[tilespmem:s26+$0x2870] =	vst v0  }
0x1d: {  	[tilespmem:s26+$0x2800] =	vst v0  }
0x1e: {  	[tilespmem:s26+$0x2810] =	vst v0  }
0x1f: {  	[tilespmem:s26+$0x2820] =	vst v0  }
0x20: {  	[tilespmem:s26+$0x2830] =	vst v0  }
0x21: {  	[tilespmem:s26+$0x2840] =	vst v0  }
0x22: {  	[tilespmem:s26+$0x2850] =	vst v0  }
0x23: {  	[tilespmem:s26+$0x2860] =	vst v0  }
0x24: {  	[spmem:s5] =	stream.linear.scatter [tilespmem:s17], [sflag:$0x2], $0x3E80, $0x38;
	[tilespmem:$0x1E800] =	vst v63  }
0x25: {  	_ =	swait.ge [sflag:s18], $0x3E80  }
0x26: {  	[sflag:s18] =	ssyncset.done $0x0  }
0x27: {  	[sflag:s18] =	ssyncadd.s32 $0xFFFFC180  }
0x28: {  	[spmem:s6] =	stream.linear.scatter [tilespmem:s17], [sflag:$0x2], $0x3E80, $0x38;
	[tilespmem:$0x1E800] =	vst v63  }
0x29: {  	_ =	swait.ge [sflag:s18], $0x3E80  }
0x2a: {  	[sflag:s18] =	ssyncset.done $0x0  }
0x2b: {  	[sflag:s18] =	ssyncadd.s32 $0xFFFFC180  }
0x2c: {  	[spmem:s7] =	stream.linear.scatter [tilespmem:s17], [sflag:$0x2], $0x3E80, $0x38;
	[tilespmem:$0x1E800] =	vst v63  }
0x2d: {  	_ =	swait.ge [sflag:s18], $0x3E80  }
0x2e: {  	[sflag:s18] =	ssyncset.done $0x0  }
0x2f: {  	[sflag:s18] =	ssyncadd.s32 $0xFFFFC180  }
0x30: {  	[spmem:s8] =	stream.linear.scatter [tilespmem:s17], [sflag:$0x2], $0x3E80, $0x38;
	[tilespmem:$0x1E800] =	vst v63  }
0x31: {  	_ =	swait.ge [sflag:s18], $0x3E80  }
0x32: {  	[sflag:s18] =	ssyncset.done $0x0  }
0x33: {  	[sflag:s18] =	ssyncadd.s32 $0xFFFFC180  }
0x34: {  	[spmem:s9] =	stream.linear.scatter [tilespmem:s17], [sflag:$0x2], $0x3E80, $0x38;
	[tilespmem:$0x1E800] =	vst v63  }
0x35: {  	_ =	swait.ge [sflag:s18], $0x3E80  }
0x36: {  	[sflag:s18] =	ssyncset.done $0x0  }
0x37: {  	[sflag:s18] =	ssyncadd.s32 $0xFFFFC180  }
0x38: {  	[spmem:s10] =	stream.linear.scatter [tilespmem:s17], [sflag:$0x2], $0x780, $0x38;
	[tilespmem:$0x1E800] =	vst v63  }
0x39: {  	_ =	swait.ge [sflag:s18], $0x780  }
0x3a: {  	[sflag:s18] =	ssyncset.done $0x0  }
0x3b: {  	[sflag:s18] =	ssyncadd.s32 $0xFFFFF880  }
0x3c: {  	s30 =	simm.s32 $0x0;
	[bflag:$0x0] =	sbarrier.arrive $0xFFFF  }
0x3d: {  	[tilespmem:s30], [sflag:$0x2] =	stream.linear.gather [hbm4b:s11+s30], $0x1400, $0x38;
	[tilespmem:$0x1E800] =	vst v63  }
0x3e: {  	_ =	swait.ge [sflag:s18], $0x1400  }
0x3f: {  	[sflag:s18] =	ssyncset.done $0x0  }
0x40: {  	[sflag:s18] =	ssyncadd.s32 $0xFFFFEC00  }
0x41: {  	[tilespmem:s19], [sflag:$0x2] =	stream.linear.gather [hbm4b:s12+s30], $0x1400, $0x38;
	[tilespmem:$0x1E800] =	vst v63  }
0x42: {  	_ =	swait.ge [sflag:s18], $0x1400  }
0x43: {  	[sflag:s18] =	ssyncset.done $0x0  }
0x44: {  	[sflag:s18] =	ssyncadd.s32 $0xFFFFEC00  }
0x45: {  	[tilespmem:s17], [sflag:$0x1] =	stream.indirect.gather [hbm4b:s1+s20], $0x80, s30, s20, $0xb8;
	[tilespmem:$0x1E800] =	vst v63  }
0x46: {  	s31 =	simm.s32 $0x80  }
0x47: {  	[tilespmem:s21], [sflag:$0x1] =	stream.indirect.gather [hbm4b:s1+s20], $0x80, s31, s20, $0xb8;
	[tilespmem:$0x1E800] =	vst v63  }
0x48: {  	_ =	swait.ge [sflag:s22], $0x3E80  }
0x49: {  	[sflag:s22] =	ssyncset.done $0x0  }
0x4a: {  	s29 =	simm.s32 $0x1400;
	[sflag:s22] =	ssyncadd.s32 $0xFFFFC180  }
0x4b: {  	[spmem:s2] =	stream.indirect.scatter.add.f32 [tilespmem:s17], [sflag:$0x2], $0x80, s29, s20, $0xb8;
	[tilespmem:$0x1E800] =	vst v63  }
0x4c: {  	_ =	swait.ge [sflag:s18], $0x3E80  }
0x4d: {  	[sflag:s18] =	ssyncset.done $0x0  }
0x4e: {  	s30 =	simm.s32 $0x100;
	[sflag:s18] =	ssyncadd.s32 $0xFFFFC180  }
0x4f: {  	[tilespmem:s17], [sflag:$0x1] =	stream.indirect.gather [hbm4b:s1+s20], $0x80, s30, s20, $0xb8;
	[tilespmem:$0x1E800] =	vst v63  }
0x50: {  	_ =	swait.ge [sflag:s22], $0x3E80  }
0x51: {  	[sflag:s22] =	ssyncset.done $0x0  }
0x52: {  	s31 =	simm.s32 $0x1480;
	[sflag:s22] =	ssyncadd.s32 $0xFFFFC180  }
0x53: {  	[spmem:s2] =	stream.indirect.scatter.add.f32 [tilespmem:s21], [sflag:$0x2], $0x80, s31, s20, $0xb8;
	[tilespmem:$0x1E800] =	vst v63  }
0x54: {  	_ =	swait.ge [sflag:s18], $0x3E80  }
0x55: {  	s28 =	simm.s32 $0x800;
	s26 =	simm.s32 $0x100;
	[sflag:s18] =	ssyncset.done $0x0  }
.LBB2_4:
0x56: {  	s29 =	sadd.s32 $0x80, s26  }
0x57: {  	[sflag:s18] =	ssyncadd.s32 $0xFFFFC180;
	s30 =	smov.u32 s28;
	s31 =	sadd.s32 $0x400, s28  }
0x58: {  	[tilespmem:s21], [sflag:$0x1] =	stream.indirect.gather [hbm4b:s1+s20], $0x80, s29, s20, $0xb8;
	[tilespmem:$0x1E800] =	vst v63  }
0x59: {  	p0 =	sne.s32 s28, $0x4800;
	_ =	swait.ge [sflag:s22], $0x3E80  }
0x5a: {  	[sflag:s22] =	ssyncset.done $0x0  }
0x5b: {  	s28 =	sadd.s32 $0x1400, s26;
	[sflag:s22] =	ssyncadd.s32 $0xFFFFC180  }
0x5c: {  	[spmem:s2] =	stream.indirect.scatter.add.f32 [tilespmem:s17], [sflag:$0x2], $0x80, s28, s20, $0xb8;
	[tilespmem:$0x1E800] =	vst v63  }
0x5d: {  	_ =	swait.ge [sflag:s18], $0x3E80  }
0x5e: {  	[sflag:s18] =	ssyncset.done $0x0  }
0x5f: {  	s28 =	sadd.s32 $0x100, s26;
	[sflag:s18] =	ssyncadd.s32 $0xFFFFC180  }
0x60: {  	[tilespmem:s17], [sflag:$0x1] =	stream.indirect.gather [hbm4b:s1+s20], $0x80, s28, s20, $0xb8;
	[tilespmem:$0x1E800] =	vst v63  }
0x61: {  	_ =	swait.ge [sflag:s22], $0x3E80  }
.Ltmp1:
0x62: {  	[sflag:s22] =	ssyncset.done $0x0;
	(pc) =	sbr.rel @p0 .LBB2_4-.Ltmp1, $4  }
0x63: {  	s26 =	sadd.s32 $0x1480, s26;
	[sflag:s22] =	ssyncadd.s32 $0xFFFFC180  }
0x64: {  	[spmem:s2] =	stream.indirect.scatter.add.f32 [tilespmem:s21], [sflag:$0x2], $0x80, s26, s20, $0xb8;
	[tilespmem:$0x1E800] =	vst v63  }
0x65: {  	_ =	swait.ge [sflag:s18], $0x3E80  }
0x66: {  	s28 =	smov.u32 s31;
	s26 =	sshra.s32 s30, $0x2;
	[sflag:s18] =	ssyncset.done $0x0  }
0x67: {  	s28 =	sadd.s32 $0x80, s26;
	[sflag:s18] =	ssyncadd.s32 $0xFFFFC180  }
0x68: {  	[tilespmem:s21], [sflag:$0x1] =	stream.indirect.gather [hbm4b:s1+s20], $0x80, s28, s20, $0xb8;
	[tilespmem:$0x1E800] =	vst v63  }
0x69: {  	_ =	swait.ge [sflag:s22], $0x3E80  }
0x6a: {  	[sflag:s22] =	ssyncset.done $0x0  }
0x6b: {  	s28 =	sadd.s32 $0x1400, s26;
	[sflag:s22] =	ssyncadd.s32 $0xFFFFC180  }
0x6c: {  	[spmem:s2] =	stream.indirect.scatter.add.f32 [tilespmem:s17], [sflag:$0x2], $0x80, s28, s20, $0xb8;
	[tilespmem:$0x1E800] =	vst v63  }
0x6d: {  	_ =	swait.ge [sflag:s18], $0x3E80  }
0x6e: {  	[sflag:s18] =	ssyncset.done $0x0  }
0x6f: {  	s28 =	sadd.s32 $0x100, s26;
	[sflag:s18] =	ssyncadd.s32 $0xFFFFC180  }
0x70: {  	[tilespmem:s17], [sflag:$0x1] =	stream.indirect.gather [hbm4b:s1+s20], $0x80, s28, s20, $0xb8;
	[tilespmem:$0x1E800] =	vst v63  }
0x71: {  	_ =	swait.ge [sflag:s22], $0x3E80  }
0x72: {  	[sflag:s22] =	ssyncset.done $0x0  }
0x73: {  	s29 =	sadd.s32 $0x1480, s26;
	[sflag:s22] =	ssyncadd.s32 $0xFFFFC180  }
0x74: {  	[spmem:s2] =	stream.indirect.scatter.add.f32 [tilespmem:s21], [sflag:$0x2], $0x80, s29, s20, $0xb8;
	[tilespmem:$0x1E800] =	vst v63  }
0x75: {  	_ =	swait.ge [sflag:s18], $0x3E80  }
0x76: {  	[sflag:s18] =	ssyncset.done $0x0  }
0x77: {  	[sflag:s18] =	ssyncadd.s32 $0xFFFFC180  }
0x78: {  	[tilespmem:s21], [sflag:$0x1] =	stream.indirect.gather [hbm4b:s1+s20], $0x80, s23, s20, $0xb8;
	[tilespmem:$0x1E800] =	vst v63  }
0x79: {  	_ =	swait.ge [sflag:s22], $0x3E80  }
0x7a: {  	[sflag:s22] =	ssyncset.done $0x0  }
0x7b: {  	[sflag:s22] =	ssyncadd.s32 $0xFFFFC180  }
0x7c: {  	[spmem:s2] =	stream.indirect.scatter.add.f32 [tilespmem:s17], [sflag:$0x2], $0x80, s24, s20, $0xb8;
	[tilespmem:$0x1E800] =	vst v63  }
0x7d: {  	_ =	swait.ge [sflag:s18], $0x3E80  }
0x7e: {  	[sflag:s18] =	ssyncset.done $0x0  }
0x7f: {  	[sflag:s18] =	ssyncadd.s32 $0xFFFFC180  }
0x80: {  	_ =	swait.ge [sflag:s22], $0x3E80  }
0x81: {  	[sflag:s22] =	ssyncset.done $0x0  }
0x82: {  	[sflag:s22] =	ssyncadd.s32 $0xFFFFC180  }
0x83: {  	[spmem:s2] =	stream.indirect.scatter.add.f32 [tilespmem:s21], [sflag:$0x2], $0x80, s25, s20, $0xb8;
	[tilespmem:$0x1E800] =	vst v63  }
0x84: {  	_ =	swait.ge [sflag:s18], $0x3E80  }
0x85: {  	[sflag:s18] =	ssyncset.done $0x0  }
0x86: {  	s30 =	simm.s32 $0x0;
	[sflag:s18] =	ssyncadd.s32 $0xFFFFC180  }
0x87: {  	[tilespmem:s30], [sflag:$0x2] =	stream.linear.gather [hbm4b:s13+s30], $0x1400, $0x38;
	[tilespmem:$0x1E800] =	vst v63  }
0x88: {  	_ =	swait.ge [sflag:s18], $0x1400  }
0x89: {  	[sflag:s18] =	ssyncset.done $0x0  }
0x8a: {  	[sflag:s18] =	ssyncadd.s32 $0xFFFFEC00  }
0x8b: {  	[tilespmem:s19], [sflag:$0x2] =	stream.linear.gather [hbm4b:s14+s30], $0x1400, $0x38;
	[tilespmem:$0x1E800] =	vst v63  }
0x8c: {  	_ =	swait.ge [sflag:s18], $0x1400  }
0x8d: {  	[sflag:s18] =	ssyncset.done $0x0  }
0x8e: {  	[sflag:s18] =	ssyncadd.s32 $0xFFFFEC00  }
0x8f: {  	[tilespmem:s17], [sflag:$0x1] =	stream.indirect.gather [hbm4b:s1+s20], $0x80, s30, s20, $0xb8;
	[tilespmem:$0x1E800] =	vst v63  }
0x90: {  	s31 =	simm.s32 $0x80  }
0x91: {  	[tilespmem:s21], [sflag:$0x1] =	stream.indirect.gather [hbm4b:s1+s20], $0x80, s31, s20, $0xb8;
	[tilespmem:$0x1E800] =	vst v63  }
0x92: {  	_ =	swait.ge [sflag:s22], $0x3E80  }
0x93: {  	[sflag:s22] =	ssyncset.done $0x0  }
0x94: {  	s29 =	simm.s32 $0x1400;
	[sflag:s22] =	ssyncadd.s32 $0xFFFFC180  }
0x95: {  	[spmem:s2] =	stream.indirect.scatter.add.f32 [tilespmem:s17], [sflag:$0x2], $0x80, s29, s20, $0xb8;
	[tilespmem:$0x1E800] =	vst v63  }
0x96: {  	_ =	swait.ge [sflag:s18], $0x3E80  }
0x97: {  	[sflag:s18] =	ssyncset.done $0x0  }
0x98: {  	s30 =	simm.s32 $0x100;
	[sflag:s18] =	ssyncadd.s32 $0xFFFFC180  }
0x99: {  	[tilespmem:s17], [sflag:$0x1] =	stream.indirect.gather [hbm4b:s1+s20], $0x80, s30, s20, $0xb8;
	[tilespmem:$0x1E800] =	vst v63  }
0x9a: {  	_ =	swait.ge [sflag:s22], $0x3E80  }
0x9b: {  	[sflag:s22] =	ssyncset.done $0x0  }
0x9c: {  	s31 =	simm.s32 $0x1480;
	[sflag:s22] =	ssyncadd.s32 $0xFFFFC180  }
0x9d: {  	[spmem:s2] =	stream.indirect.scatter.add.f32 [tilespmem:s21], [sflag:$0x2], $0x80, s31, s20, $0xb8;
	[tilespmem:$0x1E800] =	vst v63  }
0x9e: {  	_ =	swait.ge [sflag:s18], $0x3E80  }
0x9f: {  	s26 =	simm.s32 $0x100;
	s28 =	simm.s32 $0x800;
	[sflag:s18] =	ssyncset.done $0x0  }
.LBB2_6:
0xa0: {  	s29 =	sadd.s32 $0x80, s26  }
0xa1: {  	[sflag:s18] =	ssyncadd.s32 $0xFFFFC180;
	s30 =	smov.u32 s28;
	s31 =	sadd.s32 $0x400, s28  }
0xa2: {  	[tilespmem:s21], [sflag:$0x1] =	stream.indirect.gather [hbm4b:s1+s20], $0x80, s29, s20, $0xb8;
	[tilespmem:$0x1E800] =	vst v63  }
0xa3: {  	p0 =	sne.s32 s28, $0x4800;
	_ =	swait.ge [sflag:s22], $0x3E80  }
0xa4: {  	[sflag:s22] =	ssyncset.done $0x0  }
0xa5: {  	s28 =	sadd.s32 $0x1400, s26;
	[sflag:s22] =	ssyncadd.s32 $0xFFFFC180  }
0xa6: {  	[spmem:s2] =	stream.indirect.scatter.add.f32 [tilespmem:s17], [sflag:$0x2], $0x80, s28, s20, $0xb8;
	[tilespmem:$0x1E800] =	vst v63  }
0xa7: {  	_ =	swait.ge [sflag:s18], $0x3E80  }
0xa8: {  	[sflag:s18] =	ssyncset.done $0x0  }
0xa9: {  	s28 =	sadd.s32 $0x100, s26;
	[sflag:s18] =	ssyncadd.s32 $0xFFFFC180  }
0xaa: {  	[tilespmem:s17], [sflag:$0x1] =	stream.indirect.gather [hbm4b:s1+s20], $0x80, s28, s20, $0xb8;
	[tilespmem:$0x1E800] =	vst v63  }
0xab: {  	_ =	swait.ge [sflag:s22], $0x3E80  }
.Ltmp2:
0xac: {  	[sflag:s22] =	ssyncset.done $0x0;
	(pc) =	sbr.rel @p0 .LBB2_6-.Ltmp2, $4  }
0xad: {  	s26 =	sadd.s32 $0x1480, s26;
	[sflag:s22] =	ssyncadd.s32 $0xFFFFC180  }
0xae: {  	[spmem:s2] =	stream.indirect.scatter.add.f32 [tilespmem:s21], [sflag:$0x2], $0x80, s26, s20, $0xb8;
	[tilespmem:$0x1E800] =	vst v63  }
0xaf: {  	_ =	swait.ge [sflag:s18], $0x3E80  }
0xb0: {  	s28 =	smov.u32 s31;
	s26 =	sshra.s32 s30, $0x2;
	[sflag:s18] =	ssyncset.done $0x0  }
0xb1: {  	s28 =	sadd.s32 $0x80, s26;
	[sflag:s18] =	ssyncadd.s32 $0xFFFFC180  }
0xb2: {  	[tilespmem:s21], [sflag:$0x1] =	stream.indirect.gather [hbm4b:s1+s20], $0x80, s28, s20, $0xb8;
	[tilespmem:$0x1E800] =	vst v63  }
0xb3: {  	_ =	swait.ge [sflag:s22], $0x3E80  }
0xb4: {  	[sflag:s22] =	ssyncset.done $0x0  }
0xb5: {  	s30 =	sadd.s32 $0x1400, s26;
	[sflag:s22] =	ssyncadd.s32 $0xFFFFC180  }
0xb6: {  	[spmem:s2] =	stream.indirect.scatter.add.f32 [tilespmem:s17], [sflag:$0x2], $0x80, s30, s20, $0xb8;
	[tilespmem:$0x1E800] =	vst v63  }
0xb7: {  	_ =	swait.ge [sflag:s18], $0x3E80  }
0xb8: {  	[sflag:s18] =	ssyncset.done $0x0  }
0xb9: {  	s31 =	sadd.s32 $0x100, s26;
	[sflag:s18] =	ssyncadd.s32 $0xFFFFC180  }
0xba: {  	[tilespmem:s17], [sflag:$0x1] =	stream.indirect.gather [hbm4b:s1+s20], $0x80, s31, s20, $0xb8;
	[tilespmem:$0x1E800] =	vst v63  }
0xbb: {  	_ =	swait.ge [sflag:s22], $0x3E80  }
0xbc: {  	[sflag:s22] =	ssyncset.done $0x0  }
0xbd: {  	s29 =	sadd.s32 $0x1480, s26;
	[sflag:s22] =	ssyncadd.s32 $0xFFFFC180  }
0xbe: {  	[spmem:s2] =	stream.indirect.scatter.add.f32 [tilespmem:s21], [sflag:$0x2], $0x80, s29, s20, $0xb8;
	[tilespmem:$0x1E800] =	vst v63  }
0xbf: {  	_ =	swait.ge [sflag:s18], $0x3E80  }
0xc0: {  	[sflag:s18] =	ssyncset.done $0x0  }
0xc1: {  	[sflag:s18] =	ssyncadd.s32 $0xFFFFC180  }
0xc2: {  	[tilespmem:s21], [sflag:$0x1] =	stream.indirect.gather [hbm4b:s1+s20], $0x80, s23, s20, $0xb8;
	[tilespmem:$0x1E800] =	vst v63  }
0xc3: {  	_ =	swait.ge [sflag:s22], $0x3E80  }
0xc4: {  	[sflag:s22] =	ssyncset.done $0x0  }
0xc5: {  	[sflag:s22] =	ssyncadd.s32 $0xFFFFC180  }
0xc6: {  	[spmem:s2] =	stream.indirect.scatter.add.f32 [tilespmem:s17], [sflag:$0x2], $0x80, s24, s20, $0xb8;
	[tilespmem:$0x1E800] =	vst v63  }
0xc7: {  	_ =	swait.ge [sflag:s18], $0x3E80  }
0xc8: {  	[sflag:s18] =	ssyncset.done $0x0  }
0xc9: {  	[sflag:s18] =	ssyncadd.s32 $0xFFFFC180  }
0xca: {  	_ =	swait.ge [sflag:s22], $0x3E80  }
0xcb: {  	[sflag:s22] =	ssyncset.done $0x0  }
0xcc: {  	[sflag:s22] =	ssyncadd.s32 $0xFFFFC180  }
0xcd: {  	[spmem:s2] =	stream.indirect.scatter.add.f32 [tilespmem:s21], [sflag:$0x2], $0x80, s25, s20, $0xb8;
	[tilespmem:$0x1E800] =	vst v63  }
0xce: {  	_ =	swait.ge [sflag:s18], $0x3E80  }
0xcf: {  	s4 =	sadd.s32 $0x1, s4;
	s30 =	sshll.u32 s3, $0x6;
	[sflag:s18] =	ssyncset.done $0x0  }
0xd0: {  	p0 =	sne.s32 s4, s16;
	s26 =	sor.u32 $0x1C02, s30;
	[sflag:s18] =	ssyncadd.s32 $0xFFFFC180  }
.Ltmp3:
0xd1: {  	s31 =	sshrl.u32 s5, $0x3;
	[bflag:$0x0] =	sbarrier.arrive $0xFFFF;
	(pc) =	sbr.rel @p0 .LBB2_1-.Ltmp3, $4  }
0xd2: {  	[hbm:s15], [sflag:s26] =	dma.local [spmem:s31], $0x2800  }
0xd3: {  	_ =	swait.ge [sflag:s18], $0x2800  }
0xd4: {  	[sflag:s18] =	ssyncset.done $0x0  }
0xd5: {  	[sflag:s18] =	ssyncadd.s32 $0xFFFFD800  }
0xd6: {  	_ =	sfence.sel $0x180000  }
0xd7: {  	[bflag:$0x0] =	sbarrier.arrive $0xFFFF  }
0xd8: {  	p0 =	sne.s32 s3, $0x0;
	_ =	strace $0x9000004A  }
0xd9: {  	s0 =	sadd.s32 @!p0 $0x100000, s0;
	[bflag:$0x2] =	sbarrier.arrive $0xFFFF  }
0xda: {  	[sflag:s0] =	ssyncadd.tile.s32 @!p0 $0x1;
	_ =	shalt  }
.Lfunc_end2:
_tile_overlayer_lowered:
.L_overlay_start_2:
0xdb: {  	(tag) =	ssettag $0x2  }
0xdc: {  	s0 =	rddreg [dreg:$0x0];
	s2 =	stileid.u32  }
0xdd: {  	s1 =	rddreg [dreg:$0x1];
	p0 =	sne.s32 s2, $0x0  }
0xde: {  	s3 =	rddreg [dreg:$0x2];
	[bflag:$0x3] =	sbarrier.arrive $0xFFFF;
	s2 =	simm.s32 @!p0 $0x1C02  }
0xdf: {  	[timem:s3], [sflag:s2] =	dma.local @!p0 [hbm:s0], s1  }
0xe0: {  	s0 =	simm.s32 @!p0 $0x2  }
0xe1: {  	_ =	swait.ge @!p0 [sflag:s0], s1  }
0xe2: {  	s1 =	ssub.s32 @!p0 $0x0, s1;
	[sflag:s0] =	ssyncset.done @!p0 $0x0  }
0xe3: {  	[sflag:s0] =	ssyncadd.s32 @!p0 s1  }
0xe4: {  	[bflag:$0x3] =	sbarrier.arrive $0xFFFF  }
0xe5: {  	_ =	shalt  }

// kernel: kernel.14.cloned.1.call-start
scs
__scs_entry_jumppad:
0x0: {  	(pc) =	sbr.rel $0x88, $3  }
0x1: {  	(tag) =	ssettag $0x0;
	lr =	simm.s32 $0x1  }
0x2: {  	[smem:$0x3F9B] =	sst lr;
	_ =	strace $0xD0000000  }
0x3: {  	_ = 	snop  }
0x4: {  	_ = 	snop  }
0x5: {  	_ = 	snop  }
0x6: {  	_ = 	snop  }
0x7: {  	_ = 	snop  }
__scs_overlays_trampoline_lowered:
0x8: {  	[smem:$0x3FAA] =	sst s0  }
0x9: {  	[smem:$0x3FAB] =	sst s1  }
0xa: {  	[smem:$0x3FAC] =	sst s2  }
0xb: {  	[smem:$0x3FAD] =	sst s3  }
0xc: {  	[smem:$0x3FAE] =	sst s4  }
0xd: {  	[smem:$0x3FAF] =	sst s5  }
0xe: {  	[smem:$0x3FB0] =	sst s6  }
0xf: {  	[smem:$0x3FB1] =	sst s7  }
0x10: {  	[smem:$0x3FB2] =	sst s8  }
0x11: {  	[smem:$0x3FB3] =	sst s9;
	s0 =	simm.s32 @!p0 $0x0  }
0x12: {  	s1 =	sld [smem:$0x3F99];
	s0 =	simm.s32 @p0 $0x1  }
0x13: {  	[smem:$0x3FB4] =	sst s0;
	s0 =	simm.s32 @!p1 $0x0  }
0x14: {  	s2 =	sld [smem:$0x3F98];
	s0 =	simm.s32 @p1 $0x1  }
0x15: {  	[smem:$0x3FB5] =	sst s0;
	s0 =	simm.s32 @!p2 $0x0  }
0x16: {  	s3 =	sld [smem:$0x3FDB];
	s0 =	simm.s32 @p2 $0x1  }
0x17: {  	s4 =	simm.s32 $0x1BF5;
	[smem:$0x3FB7] =	sst s0  }
0x18: {  	s0 =	sld [smem:$0x3F9A];
	_ =	swait.ge [sflag:s4], $0x0  }
0x19: {  	s7 =	sld [smem:$0x3F9B]  }
0x1a: {  	s8 =	sadd.s32 $0xFFFFE003, lr  }
0x1b: {  	s9 =	sadd.s32 $0xFFFFFEF7, lr;
	s5 =	simm.s32 $0xFFFFFFFF;
	p2 =	slt.u32 s8, $0xFFFFF086  }
0x1c: {  	p1 =	slt.u32 s9, $0xF7A;
	s5 =	simm.s32 @!p2 $0x0  }
0x1d: {  	s5 =	simm.s32 @p1 $0x1;
	p0 =	seq.s32 s7, s2  }
0x1e: {  	s7 =	smul.u32 @!p0 $0xF7A, s2;
	p2 =	seq.s32 @!p0 s5, $0x0  }
0x1f: {  	s9 =	smul.u32 $0xF7A, s1;
	s8 =	simm.s32 @!p0 $0x1BF5;
	p2 =	por !p2, p0  }
0x20: {  	[sflag:s8] =	ssyncset.s32 @!p0 $0xFFFFF086;
	s6 =	sadd.s32 @!p0 s3, s7;
	s7 =	simm.s32 @!p0 $0x108  }
0x21: {  	s3 =	sadd.s32 s3, s9;
	s6 =	sadd.s32 @!p0 $0x88, s6;
	s7 =	simm.s32 @p2 $0x1082  }
0x22: {  	[simem:s7], [sflag:s8] =	dma.local @!p0 [hbm:s6], $0xF7A  }
0x23: {  	s9 =	sor.u32 $0xD0000000, s2;
	s6 =	simm.s32 $0x108;
	_ =	swait.ge @!p0 [sflag:s8], $0x0  }
0x24: {  	s3 =	sadd.s32 $0x88, s3;
	s6 =	simm.s32 @!p1 $0x1082;
	[sflag:s4] =	ssyncset.s32 $0xFFFFF086  }
0x25: {  	[simem:s6], [sflag:s4] =	dma.local [hbm:s3], $0xF7A  }
0x26: {  	[smem:$0x3F9B] =	sst s1;
	(tag) =	ssettag s2;
	_ =	strace s9  }
0x27: {  	s1 =	sld [smem:$0x3FAB]  }
0x28: {  	s2 =	sld [smem:$0x3FAC]  }
0x29: {  	s4 =	sld [smem:$0x3FAE]  }
0x2a: {  	p0 =	seq.s32 s5, $0x0;
	s5 =	sld [smem:$0x3FAF]  }
0x2b: {  	s6 =	sld [smem:$0x3FB0]  }
0x2c: {  	s7 =	sld [smem:$0x3FB1]  }
0x2d: {  	s3 =	simm.s32 $0x108;
	s8 =	sld [smem:$0x3FB2]  }
0x2e: {  	s3 =	simm.s32 @!p0 $0x1082;
	s9 =	sld [smem:$0x3FB3]  }
0x2f: {  	lr =	sadd.s32 s0, s3;
	s0 =	sld [smem:$0x3FAA]  }
0x30: {  	s3 =	sld [smem:$0x3FAD]  }
0x31: {  	[smem:$0x3FB6] =	sst s10  }
0x32: {  	s10 =	sld [smem:$0x3FB4];
	_ =	sdelay $0x3  }
0x33: {  	p0 =	seq.s32 s10, $0x1;
	s10 =	sld [smem:$0x3FB6];
	_ =	sdelay $0x3  }
0x34: {  	[smem:$0x3FB6] =	sst s10  }
0x35: {  	s10 =	sld [smem:$0x3FB5];
	_ =	sdelay $0x3  }
0x36: {  	p1 =	seq.s32 s10, $0x1;
	s10 =	sld [smem:$0x3FB6];
	_ =	sdelay $0x3  }
0x37: {  	[smem:$0x3FB6] =	sst s10  }
0x38: {  	s10 =	sld [smem:$0x3FB7]  }
0x39: {  	_ = 	snop;
	(pc) =	sbr.ind lr, $3  }
0x3a: {  	_ = 	snop  }
0x3b: {  	_ = 	snop  }
0x3c: {  	p2 =	seq.s32 s10, $0x1;
	s10 =	sld [smem:$0x3FB6]  }
0x3d: {  	_ =	shalt  }
0x3e: {  	_ =	shalt  }
0x3f: {  	_ =	shalt  }
0x40: {  	_ =	shalt  }
0x41: {  	_ =	shalt  }
0x42: {  	_ =	shalt  }
0x43: {  	_ =	shalt  }
0x44: {  	_ =	shalt  }
0x45: {  	_ =	shalt  }
0x46: {  	_ =	shalt  }
0x47: {  	_ =	shalt  }
0x48: {  	_ =	shalt  }
0x49: {  	_ =	shalt  }
0x4a: {  	_ =	shalt  }
0x4b: {  	_ =	shalt  }
0x4c: {  	_ =	shalt  }
0x4d: {  	_ =	shalt  }
0x4e: {  	_ =	shalt  }
0x4f: {  	_ =	shalt  }
0x50: {  	_ =	shalt  }
0x51: {  	_ =	shalt  }
0x52: {  	_ =	shalt  }
0x53: {  	_ =	shalt  }
0x54: {  	_ =	shalt  }
0x55: {  	_ =	shalt  }
0x56: {  	_ =	shalt  }
0x57: {  	_ =	shalt  }
0x58: {  	_ =	shalt  }
0x59: {  	_ =	shalt  }
0x5a: {  	_ =	shalt  }
0x5b: {  	_ =	shalt  }
0x5c: {  	_ =	shalt  }
0x5d: {  	_ =	shalt  }
0x5e: {  	_ =	shalt  }
0x5f: {  	_ =	shalt  }
0x60: {  	_ =	shalt  }
0x61: {  	_ =	shalt  }
0x62: {  	_ =	shalt  }
0x63: {  	_ =	shalt  }
0x64: {  	_ =	shalt  }
0x65: {  	_ =	shalt  }
0x66: {  	_ =	shalt  }
0x67: {  	_ =	shalt  }
0x68: {  	_ =	shalt  }
0x69: {  	_ =	shalt  }
0x6a: {  	_ =	shalt  }
0x6b: {  	_ =	shalt  }
0x6c: {  	_ =	shalt  }
0x6d: {  	_ =	shalt  }
0x6e: {  	_ =	shalt  }
0x6f: {  	_ =	shalt  }
0x70: {  	_ =	shalt  }
0x71: {  	_ =	shalt  }
0x72: {  	_ =	shalt  }
0x73: {  	_ =	shalt  }
0x74: {  	_ =	shalt  }
0x75: {  	_ =	shalt  }
0x76: {  	_ =	shalt  }
0x77: {  	_ =	shalt  }
0x78: {  	_ =	shalt  }
0x79: {  	_ =	shalt  }
0x7a: {  	_ =	shalt  }
0x7b: {  	_ =	shalt  }
0x7c: {  	_ =	shalt  }
0x7d: {  	_ =	shalt  }
0x7e: {  	_ =	shalt  }
0x7f: {  	_ =	shalt  }
0x80: {  	_ =	shalt  }
0x81: {  	_ =	shalt  }
0x82: {  	_ =	shalt  }
0x83: {  	_ =	shalt  }
0x84: {  	_ =	shalt  }
0x85: {  	_ =	shalt  }
0x86: {  	_ =	shalt  }
0x87: {  	_ =	shalt  }
.Lfunc_end0:
.L_simem_size_0:
called_computation.2_lowered:
.L_overlay_start_0:
0x88: {  	s2 =	sld [smem:$0x3FD9]  }
0x89: {  	s3 =	sld [smem:$0x3FFE];
	_ =	sdelay $0x1  }
0x8a: {  	s1 =	srdreg.scid  }
0x8b: {  	s0 =	sand.u32 $0x1, s1  }
0x8c: {  	s17 =	sshll.u32 s0, $0xA;
	s2 =	sadd.s32 s3, s2  }
0x8d: {  	s2 =	sadd.s32 s2, s17  }
0x8e: {  	[smem:$0x3FC2] =	sst s2  }
0x8f: {  	_ = 	snop  }
0x90: {  	s2 =	sld [smem:$0x3FD0];
	(tm) =	ssettm $0x1  }
0x91: {  	s18 =	sld [smem:$0x3FFB];
	_ =	sdelay $0x3  }
0x92: {  	_ =	strace s18  }
0x93: {  	s3 =	sld [smem:$0x3FFC];
	_ =	sdelay $0x3  }
0x94: {  	_ =	strace s3  }
0x95: {  	s3 =	sld [smem:$0x3FFD];
	_ =	sdelay $0x3  }
0x96: {  	_ =	strace s3  }
0x97: {  	_ =	strace $0x8FFFFFFF  }
0x98: {  	s19 =	sld [smem:$0x3FDB];
	_ =	sdelay $0x1  }
0x99: {  	s4 =	simm.s32 $_scs_section_size  }
0x9a: {  	s5 =	simm.s32 $_size__tile_overlayer_lowered;
	s6 =	simm.s32 $_tile_overlayer_lowered  }
0x9b: {  	s22 =	simm.s32 $0x1BFF;
	s21 =	sshll.u32 s6, $0x1;
	s3 =	sadd.s32 s4, s19  }
0x9c: {  	s7 =	simm.s32 $0x0;
	s20 =	sshll.u32 s5, $0x1;
	s5 =	sadd.s32 s21, s3  }
0x9d: {  	[timem:s7], [sflag:s22] =	dma.local [hbm:s5], s20  }
0x9e: {  	_ =	swait.ge [sflag:s22], s20  }
0x9f: {  	s4 =	ssub.s32 $0x0, s20;
	[sflag:s22] =	ssyncset.done $0x0  }
0xa0: {  	[sflag:s22] =	ssyncadd.s32 s4;
	_ =	sdelay $0x1  }
0xa1: {  	s23 =	simm.s32 $0x1B8B  }
0xa2: {  	_ =	swait.ge [sflag:s23], $0x1  }
0xa3: {  	[sflag:s23] =	ssyncset.done $0x0  }
0xa4: {  	s25 =	simm.s32 $0x1B8E;
	s24 =	sld [smem:$0x3FFE];
	[sflag:s23] =	ssyncadd.s32 $0xFFFFFFFF  }
0xa5: {  	s26 =	simm.s32 $execute0_lowered;
	[smem:$0x3FD2] =	sst s25  }
0xa6: {  	s5 =	sshll.u32 s26, $0x1;
	_ =	strace $0x8000004C;
	[dreg:$0x1] =	wrdreg $0xFFFFFFFF  }
0xa7: {  	s28 =	simm.s32 $_size_execute0_lowered;
	s3 =	sadd.s32 s3, s5;
	[dreg:$0x0] =	wrdreg $0x0  }
0xa8: {  	s5 =	sshll.u32 s28, $0x1;
	[dreg:$0x2] =	wrdreg s3  }
0xa9: {  	[dreg:$0x3] =	wrdreg s5  }
0xaa: {  	[dreg:$0x4] =	wrdreg $0xC0  }
0xab: {  	_ =	task [dreg:s7], $0x5FFFF  }
0xac: {  	[dreg:$0x1] =	wrdreg $0xFFFFFFFF  }
0xad: {  	[dreg:$0x0] =	wrdreg $0x60  }
0xae: {  	[dreg:$0x2] =	wrdreg s2  }
0xaf: {  	[dreg:$0x3] =	wrdreg s24  }
0xb0: {  	[dreg:$0x4] =	wrdreg $0xA8000  }
0xb1: {  	[dreg:$0x5] =	wrdreg $0x9  }
0xb2: {  	_ =	task.clear_ibuf [dreg:s7], $0x6FFFF;
	_ =	strace $0x9000004C  }
0xb3: {  	s29 =	simm.s32 $0x9;
	_ =	strace $0x8000004E  }
0xb4: {  	_ =	swait.ge [sflag:s29], $0x1  }
0xb5: {  	[sflag:s29] =	ssyncadd.s32 $0xFFFFFFFF  }
0xb6: {  	_ =	strace $0x9000004E  }
0xb7: {  	_ =	sfence  }
0xb8: {  	s30 =	sld [smem:$0x0];
	_ =	sdelay $0x2  }
0xb9: {  	s31 =	sshll.u32 s1, $0xD;
	s1 =	sshrl.u32 s1, $0x2  }
0xba: {  	s3 =	sand.u32 $0x4000, s31;
	s1 =	sadd.s32 s1, s30  }
0xbb: {  	s0 =	sor.u32 s3, s0;
	s1 =	sshll.u32 s1, $0x11  }
0xbc: {  	s0 =	sor.u32 s1, s0  }
0xbd: {  	s0 =	sadd.s32 $0x8F2B, s0  }
0xbe: {  	[sflag:s0] =	ssyncadd.remote.s32 $0x1  }
0xbf: {  	_ =	sfence.sel $0xFFFF  }
0xc0: {  	[dreg:$0x0] =	wrdreg $0xFFFFFFFF;
	(pc) =	sbr.abs _section_cstart, $3  }
0xc1: {  	[dreg:$0x1] =	wrdreg $0xFFFFFFFF  }
0xc2: {  	_ =	task.clear_ibuf [dreg:s7], $0x2FFFF;
	_ =	strace $0x9FFFFFFF  }
0xc3: {  	(tm) =	ssettm $0x7FFFFFFF  }
tec
execute0_lowered:
.L_overlay_start_1:
0x0: {  	(tag) =	ssettag $0x1  }
0x1: {  	s1 =	rddreg [dreg:$0x0]  }
0x2: {  	s5 =	rddreg [dreg:$0x1]  }
0x3: {  	s2 =	rddreg [dreg:$0x2]  }
0x4: {  	s3 =	srdreg.scid;
	s0 =	rddreg [dreg:$0x3];
	s4 =	simm.s32 $0x0  }
0x5: {  	s18 =	simm.s32 $0x2;
	s19 =	simm.s32 $0x1400;
	s6 =	sand.u32 $0x1, s3  }
0x6: {  	s20 =	simm.s32 $0x7D;
	s3 =	stileid.u32;
	s7 =	smul.u32 $0x140000, s6  }
0x7: {  	s21 =	simm.s32 $0x6800;
	s22 =	simm.s32 $0x1;
	s8 =	smul.u32 $0x14000, s3  }
0x8: {  	s23 =	simm.s32 $0x1380;
	s24 =	simm.s32 $0x2700;
	s30 =	smul.u32 $0x50000, s3  }
0x9: {  	s25 =	simm.s32 $0x2780;
	[smem:$0x7FF] =	sst s4;
	s9 =	smul.u32 $0x28000, s6  }
0xa: {  	s13 =	sadd.s32 $0x2200, s5;
	s6 =	ssub.s32 $0x2, s6;
	s10 =	smul.u32 $0x2800, s3  }
0xb: {  	s14 =	sadd.s32 $0xC200, s5;
	_ =	strace $0x8000004D;
	s31 =	sshrl.u32 s6, $0x1  }
0xc: {  	s7 =	sadd.s32 s8, s7;
	s8 =	sshrl.u32 s30, $0x2;
	s9 =	sadd.s32 s10, s9  }
0xd: {  	s16 =	ssub.s32 s6, s31;
	s7 =	sshrl.u32 s7, $0x3;
	s12 =	sshrl.u32 s9, $0x3  }
0xe: {  	s16 =	smax.u32 s16, $0x1;
	s15 =	sadd.s32 s7, s5;
	s5 =	sadd.s32 s8, s2  }
0xf: {  	s17 =	sadd.s32 $0x280, s12;
	s11 =	sadd.s32 s13, s12;
	s12 =	sadd.s32 s14, s12  }
0x10: {  	s6 =	sadd.s32 $0x3E80, s5;
	s7 =	sadd.s32 $0x7D00, s5;
	s8 =	sadd.s32 $0xBB80, s5  }
0x11: {  	s9 =	sadd.s32 $0xFA00, s5;
	s10 =	sadd.s32 $0x13880, s5;
	s13 =	sadd.s32 s13, s17  }
0x12: {  	v0 =	vimm.f32 $0.0e+00;
	s14 =	sadd.s32 s14, s17;
	s15 =	sadd.s32 $0x16200, s15;
	s17 =	simm.s32 $0x2800  }
.LBB2_1:
0x13: {  	s26 =	simm.s32 $0x0;
	s28 =	simm.s32 $0x200  }
.LBB2_2:
0x14: {  	p0 =	sne.s32 s28, $0xF800;
	[tilespmem:s26+$0x2870] =	vst v0  }
0x15: {  	[tilespmem:s26+$0x2800] =	vst v0  }
0x16: {  	[tilespmem:s26+$0x2810] =	vst v0  }
.Ltmp0:
0x17: {  	[tilespmem:s26+$0x2820] =	vst v0;
	(pc) =	sbr.rel @p0 .LBB2_2-.Ltmp0, $4  }
0x18: {  	[tilespmem:s26+$0x2830] =	vst v0  }
0x19: {  	[tilespmem:s26+$0x2840] =	vst v0  }
0x1a: {  	[tilespmem:s26+$0x2850] =	vst v0  }
0x1b: {  	[tilespmem:s26+$0x2860] =	vst v0;
	s26 =	sshra.s32 s28, $0x2;
	s28 =	sadd.s32 $0x200, s28  }
0x1c: {  	[tilespmem:s26+$0x2870] =	vst v0  }
0x1d: {  	[tilespmem:s26+$0x2800] =	vst v0  }
0x1e: {  	[tilespmem:s26+$0x2810] =	vst v0  }
0x1f: {  	[tilespmem:s26+$0x2820] =	vst v0  }
0x20: {  	[tilespmem:s26+$0x2830] =	vst v0  }
0x21: {  	[tilespmem:s26+$0x2840] =	vst v0  }
0x22: {  	[tilespmem:s26+$0x2850] =	vst v0  }
0x23: {  	[tilespmem:s26+$0x2860] =	vst v0  }
0x24: {  	[spmem:s5] =	stream.linear.scatter [tilespmem:s17], [sflag:$0x2], $0x3E80, $0x38;
	[tilespmem:$0x1E800] =	vst v63  }
0x25: {  	_ =	swait.ge [sflag:s18], $0x3E80  }
0x26: {  	[sflag:s18] =	ssyncset.done $0x0  }
0x27: {  	[sflag:s18] =	ssyncadd.s32 $0xFFFFC180  }
0x28: {  	[spmem:s6] =	stream.linear.scatter [tilespmem:s17], [sflag:$0x2], $0x3E80, $0x38;
	[tilespmem:$0x1E800] =	vst v63  }
0x29: {  	_ =	swait.ge [sflag:s18], $0x3E80  }
0x2a: {  	[sflag:s18] =	ssyncset.done $0x0  }
0x2b: {  	[sflag:s18] =	ssyncadd.s32 $0xFFFFC180  }
0x2c: {  	[spmem:s7] =	stream.linear.scatter [tilespmem:s17], [sflag:$0x2], $0x3E80, $0x38;
	[tilespmem:$0x1E800] =	vst v63  }
0x2d: {  	_ =	swait.ge [sflag:s18], $0x3E80  }
0x2e: {  	[sflag:s18] =	ssyncset.done $0x0  }
0x2f: {  	[sflag:s18] =	ssyncadd.s32 $0xFFFFC180  }
0x30: {  	[spmem:s8] =	stream.linear.scatter [tilespmem:s17], [sflag:$0x2], $0x3E80, $0x38;
	[tilespmem:$0x1E800] =	vst v63  }
0x31: {  	_ =	swait.ge [sflag:s18], $0x3E80  }
0x32: {  	[sflag:s18] =	ssyncset.done $0x0  }
0x33: {  	[sflag:s18] =	ssyncadd.s32 $0xFFFFC180  }
0x34: {  	[spmem:s9] =	stream.linear.scatter [tilespmem:s17], [sflag:$0x2], $0x3E80, $0x38;
	[tilespmem:$0x1E800] =	vst v63  }
0x35: {  	_ =	swait.ge [sflag:s18], $0x3E80  }
0x36: {  	[sflag:s18] =	ssyncset.done $0x0  }
0x37: {  	[sflag:s18] =	ssyncadd.s32 $0xFFFFC180  }
0x38: {  	[spmem:s10] =	stream.linear.scatter [tilespmem:s17], [sflag:$0x2], $0x780, $0x38;
	[tilespmem:$0x1E800] =	vst v63  }
0x39: {  	_ =	swait.ge [sflag:s18], $0x780  }
0x3a: {  	[sflag:s18] =	ssyncset.done $0x0  }
0x3b: {  	[sflag:s18] =	ssyncadd.s32 $0xFFFFF880  }
0x3c: {  	s30 =	simm.s32 $0x0;
	[bflag:$0x0] =	sbarrier.arrive $0xFFFF  }
0x3d: {  	[tilespmem:s30], [sflag:$0x2] =	stream.linear.gather [hbm4b:s11+s30], $0x1400, $0x38;
	[tilespmem:$0x1E800] =	vst v63  }
0x3e: {  	_ =	swait.ge [sflag:s18], $0x1400  }
0x3f: {  	[sflag:s18] =	ssyncset.done $0x0  }
0x40: {  	[sflag:s18] =	ssyncadd.s32 $0xFFFFEC00  }
0x41: {  	[tilespmem:s19], [sflag:$0x2] =	stream.linear.gather [hbm4b:s12+s30], $0x1400, $0x38;
	[tilespmem:$0x1E800] =	vst v63  }
0x42: {  	_ =	swait.ge [sflag:s18], $0x1400  }
0x43: {  	[sflag:s18] =	ssyncset.done $0x0  }
0x44: {  	[sflag:s18] =	ssyncadd.s32 $0xFFFFEC00  }
0x45: {  	[tilespmem:s17], [sflag:$0x1] =	stream.indirect.gather [hbm4b:s1+s20], $0x80, s30, s20, $0xb8;
	[tilespmem:$0x1E800] =	vst v63  }
0x46: {  	s31 =	simm.s32 $0x80  }
0x47: {  	[tilespmem:s21], [sflag:$0x1] =	stream.indirect.gather [hbm4b:s1+s20], $0x80, s31, s20, $0xb8;
	[tilespmem:$0x1E800] =	vst v63  }
0x48: {  	_ =	swait.ge [sflag:s22], $0x3E80  }
0x49: {  	[sflag:s22] =	ssyncset.done $0x0  }
0x4a: {  	s29 =	simm.s32 $0x1400;
	[sflag:s22] =	ssyncadd.s32 $0xFFFFC180  }
0x4b: {  	[spmem:s2] =	stream.indirect.scatter.add.f32 [tilespmem:s17], [sflag:$0x2], $0x80, s29, s20, $0xb8;
	[tilespmem:$0x1E800] =	vst v63  }
0x4c: {  	_ =	swait.ge [sflag:s18], $0x3E80  }
0x4d: {  	[sflag:s18] =	ssyncset.done $0x0  }
0x4e: {  	s30 =	simm.s32 $0x100;
	[sflag:s18] =	ssyncadd.s32 $0xFFFFC180  }
0x4f: {  	[tilespmem:s17], [sflag:$0x1] =	stream.indirect.gather [hbm4b:s1+s20], $0x80, s30, s20, $0xb8;
	[tilespmem:$0x1E800] =	vst v63  }
0x50: {  	_ =	swait.ge [sflag:s22], $0x3E80  }
0x51: {  	[sflag:s22] =	ssyncset.done $0x0  }
0x52: {  	s31 =	simm.s32 $0x1480;
	[sflag:s22] =	ssyncadd.s32 $0xFFFFC180  }
0x53: {  	[spmem:s2] =	stream.indirect.scatter.add.f32 [tilespmem:s21], [sflag:$0x2], $0x80, s31, s20, $0xb8;
	[tilespmem:$0x1E800] =	vst v63  }
0x54: {  	_ =	swait.ge [sflag:s18], $0x3E80  }
0x55: {  	s28 =	simm.s32 $0x800;
	s26 =	simm.s32 $0x100;
	[sflag:s18] =	ssyncset.done $0x0  }
.LBB2_4:
0x56: {  	s29 =	sadd.s32 $0x80, s26  }
0x57: {  	[sflag:s18] =	ssyncadd.s32 $0xFFFFC180;
	s30 =	smov.u32 s28;
	s31 =	sadd.s32 $0x400, s28  }
0x58: {  	[tilespmem:s21], [sflag:$0x1] =	stream.indirect.gather [hbm4b:s1+s20], $0x80, s29, s20, $0xb8;
	[tilespmem:$0x1E800] =	vst v63  }
0x59: {  	p0 =	sne.s32 s28, $0x4800;
	_ =	swait.ge [sflag:s22], $0x3E80  }
0x5a: {  	[sflag:s22] =	ssyncset.done $0x0  }
0x5b: {  	s28 =	sadd.s32 $0x1400, s26;
	[sflag:s22] =	ssyncadd.s32 $0xFFFFC180  }
0x5c: {  	[spmem:s2] =	stream.indirect.scatter.add.f32 [tilespmem:s17], [sflag:$0x2], $0x80, s28, s20, $0xb8;
	[tilespmem:$0x1E800] =	vst v63  }
0x5d: {  	_ =	swait.ge [sflag:s18], $0x3E80  }
0x5e: {  	[sflag:s18] =	ssyncset.done $0x0  }
0x5f: {  	s28 =	sadd.s32 $0x100, s26;
	[sflag:s18] =	ssyncadd.s32 $0xFFFFC180  }
0x60: {  	[tilespmem:s17], [sflag:$0x1] =	stream.indirect.gather [hbm4b:s1+s20], $0x80, s28, s20, $0xb8;
	[tilespmem:$0x1E800] =	vst v63  }
0x61: {  	_ =	swait.ge [sflag:s22], $0x3E80  }
.Ltmp1:
0x62: {  	[sflag:s22] =	ssyncset.done $0x0;
	(pc) =	sbr.rel @p0 .LBB2_4-.Ltmp1, $4  }
0x63: {  	s26 =	sadd.s32 $0x1480, s26;
	[sflag:s22] =	ssyncadd.s32 $0xFFFFC180  }
0x64: {  	[spmem:s2] =	stream.indirect.scatter.add.f32 [tilespmem:s21], [sflag:$0x2], $0x80, s26, s20, $0xb8;
	[tilespmem:$0x1E800] =	vst v63  }
0x65: {  	_ =	swait.ge [sflag:s18], $0x3E80  }
0x66: {  	s28 =	smov.u32 s31;
	s26 =	sshra.s32 s30, $0x2;
	[sflag:s18] =	ssyncset.done $0x0  }
0x67: {  	s28 =	sadd.s32 $0x80, s26;
	[sflag:s18] =	ssyncadd.s32 $0xFFFFC180  }
0x68: {  	[tilespmem:s21], [sflag:$0x1] =	stream.indirect.gather [hbm4b:s1+s20], $0x80, s28, s20, $0xb8;
	[tilespmem:$0x1E800] =	vst v63  }
0x69: {  	_ =	swait.ge [sflag:s22], $0x3E80  }
0x6a: {  	[sflag:s22] =	ssyncset.done $0x0  }
0x6b: {  	s28 =	sadd.s32 $0x1400, s26;
	[sflag:s22] =	ssyncadd.s32 $0xFFFFC180  }
0x6c: {  	[spmem:s2] =	stream.indirect.scatter.add.f32 [tilespmem:s17], [sflag:$0x2], $0x80, s28, s20, $0xb8;
	[tilespmem:$0x1E800] =	vst v63  }
0x6d: {  	_ =	swait.ge [sflag:s18], $0x3E80  }
0x6e: {  	[sflag:s18] =	ssyncset.done $0x0  }
0x6f: {  	s28 =	sadd.s32 $0x100, s26;
	[sflag:s18] =	ssyncadd.s32 $0xFFFFC180  }
0x70: {  	[tilespmem:s17], [sflag:$0x1] =	stream.indirect.gather [hbm4b:s1+s20], $0x80, s28, s20, $0xb8;
	[tilespmem:$0x1E800] =	vst v63  }
0x71: {  	_ =	swait.ge [sflag:s22], $0x3E80  }
0x72: {  	[sflag:s22] =	ssyncset.done $0x0  }
0x73: {  	s29 =	sadd.s32 $0x1480, s26;
	[sflag:s22] =	ssyncadd.s32 $0xFFFFC180  }
0x74: {  	[spmem:s2] =	stream.indirect.scatter.add.f32 [tilespmem:s21], [sflag:$0x2], $0x80, s29, s20, $0xb8;
	[tilespmem:$0x1E800] =	vst v63  }
0x75: {  	_ =	swait.ge [sflag:s18], $0x3E80  }
0x76: {  	[sflag:s18] =	ssyncset.done $0x0  }
0x77: {  	[sflag:s18] =	ssyncadd.s32 $0xFFFFC180  }
0x78: {  	[tilespmem:s21], [sflag:$0x1] =	stream.indirect.gather [hbm4b:s1+s20], $0x80, s23, s20, $0xb8;
	[tilespmem:$0x1E800] =	vst v63  }
0x79: {  	_ =	swait.ge [sflag:s22], $0x3E80  }
0x7a: {  	[sflag:s22] =	ssyncset.done $0x0  }
0x7b: {  	[sflag:s22] =	ssyncadd.s32 $0xFFFFC180  }
0x7c: {  	[spmem:s2] =	stream.indirect.scatter.add.f32 [tilespmem:s17], [sflag:$0x2], $0x80, s24, s20, $0xb8;
	[tilespmem:$0x1E800] =	vst v63  }
0x7d: {  	_ =	swait.ge [sflag:s18], $0x3E80  }
0x7e: {  	[sflag:s18] =	ssyncset.done $0x0  }
0x7f: {  	[sflag:s18] =	ssyncadd.s32 $0xFFFFC180  }
0x80: {  	_ =	swait.ge [sflag:s22], $0x3E80  }
0x81: {  	[sflag:s22] =	ssyncset.done $0x0  }
0x82: {  	[sflag:s22] =	ssyncadd.s32 $0xFFFFC180  }
0x83: {  	[spmem:s2] =	stream.indirect.scatter.add.f32 [tilespmem:s21], [sflag:$0x2], $0x80, s25, s20, $0xb8;
	[tilespmem:$0x1E800] =	vst v63  }
0x84: {  	_ =	swait.ge [sflag:s18], $0x3E80  }
0x85: {  	[sflag:s18] =	ssyncset.done $0x0  }
0x86: {  	s30 =	simm.s32 $0x0;
	[sflag:s18] =	ssyncadd.s32 $0xFFFFC180  }
0x87: {  	[tilespmem:s30], [sflag:$0x2] =	stream.linear.gather [hbm4b:s13+s30], $0x1400, $0x38;
	[tilespmem:$0x1E800] =	vst v63  }
0x88: {  	_ =	swait.ge [sflag:s18], $0x1400  }
0x89: {  	[sflag:s18] =	ssyncset.done $0x0  }
0x8a: {  	[sflag:s18] =	ssyncadd.s32 $0xFFFFEC00  }
0x8b: {  	[tilespmem:s19], [sflag:$0x2] =	stream.linear.gather [hbm4b:s14+s30], $0x1400, $0x38;
	[tilespmem:$0x1E800] =	vst v63  }
0x8c: {  	_ =	swait.ge [sflag:s18], $0x1400  }
0x8d: {  	[sflag:s18] =	ssyncset.done $0x0  }
0x8e: {  	[sflag:s18] =	ssyncadd.s32 $0xFFFFEC00  }
0x8f: {  	[tilespmem:s17], [sflag:$0x1] =	stream.indirect.gather [hbm4b:s1+s20], $0x80, s30, s20, $0xb8;
	[tilespmem:$0x1E800] =	vst v63  }
0x90: {  	s31 =	simm.s32 $0x80  }
0x91: {  	[tilespmem:s21], [sflag:$0x1] =	stream.indirect.gather [hbm4b:s1+s20], $0x80, s31, s20, $0xb8;
	[tilespmem:$0x1E800] =	vst v63  }
0x92: {  	_ =	swait.ge [sflag:s22], $0x3E80  }
0x93: {  	[sflag:s22] =	ssyncset.done $0x0  }
0x94: {  	s29 =	simm.s32 $0x1400;
	[sflag:s22] =	ssyncadd.s32 $0xFFFFC180  }
0x95: {  	[spmem:s2] =	stream.indirect.scatter.add.f32 [tilespmem:s17], [sflag:$0x2], $0x80, s29, s20, $0xb8;
	[tilespmem:$0x1E800] =	vst v63  }
0x96: {  	_ =	swait.ge [sflag:s18], $0x3E80  }
0x97: {  	[sflag:s18] =	ssyncset.done $0x0  }
0x98: {  	s30 =	simm.s32 $0x100;
	[sflag:s18] =	ssyncadd.s32 $0xFFFFC180  }
0x99: {  	[tilespmem:s17], [sflag:$0x1] =	stream.indirect.gather [hbm4b:s1+s20], $0x80, s30, s20, $0xb8;
	[tilespmem:$0x1E800] =	vst v63  }
0x9a: {  	_ =	swait.ge [sflag:s22], $0x3E80  }
0x9b: {  	[sflag:s22] =	ssyncset.done $0x0  }
0x9c: {  	s31 =	simm.s32 $0x1480;
	[sflag:s22] =	ssyncadd.s32 $0xFFFFC180  }
0x9d: {  	[spmem:s2] =	stream.indirect.scatter.add.f32 [tilespmem:s21], [sflag:$0x2], $0x80, s31, s20, $0xb8;
	[tilespmem:$0x1E800] =	vst v63  }
0x9e: {  	_ =	swait.ge [sflag:s18], $0x3E80  }
0x9f: {  	s26 =	simm.s32 $0x100;
	s28 =	simm.s32 $0x800;
	[sflag:s18] =	ssyncset.done $0x0  }
.LBB2_6:
0xa0: {  	s29 =	sadd.s32 $0x80, s26  }
0xa1: {  	[sflag:s18] =	ssyncadd.s32 $0xFFFFC180;
	s30 =	smov.u32 s28;
	s31 =	sadd.s32 $0x400, s28  }
0xa2: {  	[tilespmem:s21], [sflag:$0x1] =	stream.indirect.gather [hbm4b:s1+s20], $0x80, s29, s20, $0xb8;
	[tilespmem:$0x1E800] =	vst v63  }
0xa3: {  	p0 =	sne.s32 s28, $0x4800;
	_ =	swait.ge [sflag:s22], $0x3E80  }
0xa4: {  	[sflag:s22] =	ssyncset.done $0x0  }
0xa5: {  	s28 =	sadd.s32 $0x1400, s26;
	[sflag:s22] =	ssyncadd.s32 $0xFFFFC180  }
0xa6: {  	[spmem:s2] =	stream.indirect.scatter.add.f32 [tilespmem:s17], [sflag:$0x2], $0x80, s28, s20, $0xb8;
	[tilespmem:$0x1E800] =	vst v63  }
0xa7: {  	_ =	swait.ge [sflag:s18], $0x3E80  }
0xa8: {  	[sflag:s18] =	ssyncset.done $0x0  }
0xa9: {  	s28 =	sadd.s32 $0x100, s26;
	[sflag:s18] =	ssyncadd.s32 $0xFFFFC180  }
0xaa: {  	[tilespmem:s17], [sflag:$0x1] =	stream.indirect.gather [hbm4b:s1+s20], $0x80, s28, s20, $0xb8;
	[tilespmem:$0x1E800] =	vst v63  }
0xab: {  	_ =	swait.ge [sflag:s22], $0x3E80  }
.Ltmp2:
0xac: {  	[sflag:s22] =	ssyncset.done $0x0;
	(pc) =	sbr.rel @p0 .LBB2_6-.Ltmp2, $4  }
0xad: {  	s26 =	sadd.s32 $0x1480, s26;
	[sflag:s22] =	ssyncadd.s32 $0xFFFFC180  }
0xae: {  	[spmem:s2] =	stream.indirect.scatter.add.f32 [tilespmem:s21], [sflag:$0x2], $0x80, s26, s20, $0xb8;
	[tilespmem:$0x1E800] =	vst v63  }
0xaf: {  	_ =	swait.ge [sflag:s18], $0x3E80  }
0xb0: {  	s28 =	smov.u32 s31;
	s26 =	sshra.s32 s30, $0x2;
	[sflag:s18] =	ssyncset.done $0x0  }
0xb1: {  	s28 =	sadd.s32 $0x80, s26;
	[sflag:s18] =	ssyncadd.s32 $0xFFFFC180  }
0xb2: {  	[tilespmem:s21], [sflag:$0x1] =	stream.indirect.gather [hbm4b:s1+s20], $0x80, s28, s20, $0xb8;
	[tilespmem:$0x1E800] =	vst v63  }
0xb3: {  	_ =	swait.ge [sflag:s22], $0x3E80  }
0xb4: {  	[sflag:s22] =	ssyncset.done $0x0  }
0xb5: {  	s30 =	sadd.s32 $0x1400, s26;
	[sflag:s22] =	ssyncadd.s32 $0xFFFFC180  }
0xb6: {  	[spmem:s2] =	stream.indirect.scatter.add.f32 [tilespmem:s17], [sflag:$0x2], $0x80, s30, s20, $0xb8;
	[tilespmem:$0x1E800] =	vst v63  }
0xb7: {  	_ =	swait.ge [sflag:s18], $0x3E80  }
0xb8: {  	[sflag:s18] =	ssyncset.done $0x0  }
0xb9: {  	s31 =	sadd.s32 $0x100, s26;
	[sflag:s18] =	ssyncadd.s32 $0xFFFFC180  }
0xba: {  	[tilespmem:s17], [sflag:$0x1] =	stream.indirect.gather [hbm4b:s1+s20], $0x80, s31, s20, $0xb8;
	[tilespmem:$0x1E800] =	vst v63  }
0xbb: {  	_ =	swait.ge [sflag:s22], $0x3E80  }
0xbc: {  	[sflag:s22] =	ssyncset.done $0x0  }
0xbd: {  	s29 =	sadd.s32 $0x1480, s26;
	[sflag:s22] =	ssyncadd.s32 $0xFFFFC180  }
0xbe: {  	[spmem:s2] =	stream.indirect.scatter.add.f32 [tilespmem:s21], [sflag:$0x2], $0x80, s29, s20, $0xb8;
	[tilespmem:$0x1E800] =	vst v63  }
0xbf: {  	_ =	swait.ge [sflag:s18], $0x3E80  }
0xc0: {  	[sflag:s18] =	ssyncset.done $0x0  }
0xc1: {  	[sflag:s18] =	ssyncadd.s32 $0xFFFFC180  }
0xc2: {  	[tilespmem:s21], [sflag:$0x1] =	stream.indirect.gather [hbm4b:s1+s20], $0x80, s23, s20, $0xb8;
	[tilespmem:$0x1E800] =	vst v63  }
0xc3: {  	_ =	swait.ge [sflag:s22], $0x3E80  }
0xc4: {  	[sflag:s22] =	ssyncset.done $0x0  }
0xc5: {  	[sflag:s22] =	ssyncadd.s32 $0xFFFFC180  }
0xc6: {  	[spmem:s2] =	stream.indirect.scatter.add.f32 [tilespmem:s17], [sflag:$0x2], $0x80, s24, s20, $0xb8;
	[tilespmem:$0x1E800] =	vst v63  }
0xc7: {  	_ =	swait.ge [sflag:s18], $0x3E80  }
0xc8: {  	[sflag:s18] =	ssyncset.done $0x0  }
0xc9: {  	[sflag:s18] =	ssyncadd.s32 $0xFFFFC180  }
0xca: {  	_ =	swait.ge [sflag:s22], $0x3E80  }
0xcb: {  	[sflag:s22] =	ssyncset.done $0x0  }
0xcc: {  	[sflag:s22] =	ssyncadd.s32 $0xFFFFC180  }
0xcd: {  	[spmem:s2] =	stream.indirect.scatter.add.f32 [tilespmem:s21], [sflag:$0x2], $0x80, s25, s20, $0xb8;
	[tilespmem:$0x1E800] =	vst v63  }
0xce: {  	_ =	swait.ge [sflag:s18], $0x3E80  }
0xcf: {  	s4 =	sadd.s32 $0x1, s4;
	s30 =	sshll.u32 s3, $0x6;
	[sflag:s18] =	ssyncset.done $0x0  }
0xd0: {  	p0 =	sne.s32 s4, s16;
	s26 =	sor.u32 $0x1C02, s30;
	[sflag:s18] =	ssyncadd.s32 $0xFFFFC180  }
.Ltmp3:
0xd1: {  	s31 =	sshrl.u32 s5, $0x3;
	[bflag:$0x0] =	sbarrier.arrive $0xFFFF;
	(pc) =	sbr.rel @p0 .LBB2_1-.Ltmp3, $4  }
0xd2: {  	[hbm:s15], [sflag:s26] =	dma.local [spmem:s31], $0x2800  }
0xd3: {  	_ =	swait.ge [sflag:s18], $0x2800  }
0xd4: {  	[sflag:s18] =	ssyncset.done $0x0  }
0xd5: {  	[sflag:s18] =	ssyncadd.s32 $0xFFFFD800  }
0xd6: {  	_ =	sfence.sel $0x180000  }
0xd7: {  	[bflag:$0x0] =	sbarrier.arrive $0xFFFF  }
0xd8: {  	p0 =	sne.s32 s3, $0x0;
	_ =	strace $0x9000004D  }
0xd9: {  	s0 =	sadd.s32 @!p0 $0x100000, s0;
	[bflag:$0x2] =	sbarrier.arrive $0xFFFF  }
0xda: {  	[sflag:s0] =	ssyncadd.tile.s32 @!p0 $0x1;
	_ =	shalt  }
.Lfunc_end2:
_tile_overlayer_lowered:
.L_overlay_start_2:
0xdb: {  	(tag) =	ssettag $0x2  }
0xdc: {  	s0 =	rddreg [dreg:$0x0];
	s2 =	stileid.u32  }
0xdd: {  	s1 =	rddreg [dreg:$0x1];
	p0 =	sne.s32 s2, $0x0  }
0xde: {  	s3 =	rddreg [dreg:$0x2];
	[bflag:$0x3] =	sbarrier.arrive $0xFFFF;
	s2 =	simm.s32 @!p0 $0x1C02  }
0xdf: {  	[timem:s3], [sflag:s2] =	dma.local @!p0 [hbm:s0], s1  }
0xe0: {  	s0 =	simm.s32 @!p0 $0x2  }
0xe1: {  	_ =	swait.ge @!p0 [sflag:s0], s1  }
0xe2: {  	s1 =	ssub.s32 @!p0 $0x0, s1;
	[sflag:s0] =	ssyncset.done @!p0 $0x0  }
0xe3: {  	[sflag:s0] =	ssyncadd.s32 @!p0 s1  }
0xe4: {  	[bflag:$0x3] =	sbarrier.arrive $0xFFFF  }
0xe5: {  	_ =	shalt  }

// kernel: kernel.8.cloned.1.call-start
scs
__scs_entry_jumppad:
0x0: {  	(pc) =	sbr.rel $0x88, $3  }
0x1: {  	(tag) =	ssettag $0x0;
	lr =	simm.s32 $0x1  }
0x2: {  	[smem:$0x3F9B] =	sst lr;
	_ =	strace $0xD0000000  }
0x3: {  	_ = 	snop  }
0x4: {  	_ = 	snop  }
0x5: {  	_ = 	snop  }
0x6: {  	_ = 	snop  }
0x7: {  	_ = 	snop  }
__scs_overlays_trampoline_lowered:
0x8: {  	[smem:$0x3FAA] =	sst s0  }
0x9: {  	[smem:$0x3FAB] =	sst s1  }
0xa: {  	[smem:$0x3FAC] =	sst s2  }
0xb: {  	[smem:$0x3FAD] =	sst s3  }
0xc: {  	[smem:$0x3FAE] =	sst s4  }
0xd: {  	[smem:$0x3FAF] =	sst s5  }
0xe: {  	[smem:$0x3FB0] =	sst s6  }
0xf: {  	[smem:$0x3FB1] =	sst s7  }
0x10: {  	[smem:$0x3FB2] =	sst s8  }
0x11: {  	[smem:$0x3FB3] =	sst s9;
	s0 =	simm.s32 @!p0 $0x0  }
0x12: {  	s1 =	sld [smem:$0x3F99];
	s0 =	simm.s32 @p0 $0x1  }
0x13: {  	[smem:$0x3FB4] =	sst s0;
	s0 =	simm.s32 @!p1 $0x0  }
0x14: {  	s2 =	sld [smem:$0x3F98];
	s0 =	simm.s32 @p1 $0x1  }
0x15: {  	[smem:$0x3FB5] =	sst s0;
	s0 =	simm.s32 @!p2 $0x0  }
0x16: {  	s3 =	sld [smem:$0x3FDB];
	s0 =	simm.s32 @p2 $0x1  }
0x17: {  	s4 =	simm.s32 $0x1BF5;
	[smem:$0x3FB7] =	sst s0  }
0x18: {  	s0 =	sld [smem:$0x3F9A];
	_ =	swait.ge [sflag:s4], $0x0  }
0x19: {  	s7 =	sld [smem:$0x3F9B]  }
0x1a: {  	s8 =	sadd.s32 $0xFFFFE003, lr  }
0x1b: {  	s9 =	sadd.s32 $0xFFFFFEF7, lr;
	s5 =	simm.s32 $0xFFFFFFFF;
	p2 =	slt.u32 s8, $0xFFFFF086  }
0x1c: {  	p1 =	slt.u32 s9, $0xF7A;
	s5 =	simm.s32 @!p2 $0x0  }
0x1d: {  	s5 =	simm.s32 @p1 $0x1;
	p0 =	seq.s32 s7, s2  }
0x1e: {  	s7 =	smul.u32 @!p0 $0xF7A, s2;
	p2 =	seq.s32 @!p0 s5, $0x0  }
0x1f: {  	s9 =	smul.u32 $0xF7A, s1;
	s8 =	simm.s32 @!p0 $0x1BF5;
	p2 =	por !p2, p0  }
0x20: {  	[sflag:s8] =	ssyncset.s32 @!p0 $0xFFFFF086;
	s6 =	sadd.s32 @!p0 s3, s7;
	s7 =	simm.s32 @!p0 $0x108  }
0x21: {  	s3 =	sadd.s32 s3, s9;
	s6 =	sadd.s32 @!p0 $0x88, s6;
	s7 =	simm.s32 @p2 $0x1082  }
0x22: {  	[simem:s7], [sflag:s8] =	dma.local @!p0 [hbm:s6], $0xF7A  }
0x23: {  	s9 =	sor.u32 $0xD0000000, s2;
	s6 =	simm.s32 $0x108;
	_ =	swait.ge @!p0 [sflag:s8], $0x0  }
0x24: {  	s3 =	sadd.s32 $0x88, s3;
	s6 =	simm.s32 @!p1 $0x1082;
	[sflag:s4] =	ssyncset.s32 $0xFFFFF086  }
0x25: {  	[simem:s6], [sflag:s4] =	dma.local [hbm:s3], $0xF7A  }
0x26: {  	[smem:$0x3F9B] =	sst s1;
	(tag) =	ssettag s2;
	_ =	strace s9  }
0x27: {  	s1 =	sld [smem:$0x3FAB]  }
0x28: {  	s2 =	sld [smem:$0x3FAC]  }
0x29: {  	s4 =	sld [smem:$0x3FAE]  }
0x2a: {  	p0 =	seq.s32 s5, $0x0;
	s5 =	sld [smem:$0x3FAF]  }
0x2b: {  	s6 =	sld [smem:$0x3FB0]  }
0x2c: {  	s7 =	sld [smem:$0x3FB1]  }
0x2d: {  	s3 =	simm.s32 $0x108;
	s8 =	sld [smem:$0x3FB2]  }
0x2e: {  	s3 =	simm.s32 @!p0 $0x1082;
	s9 =	sld [smem:$0x3FB3]  }
0x2f: {  	lr =	sadd.s32 s0, s3;
	s0 =	sld [smem:$0x3FAA]  }
0x30: {  	s3 =	sld [smem:$0x3FAD]  }
0x31: {  	[smem:$0x3FB6] =	sst s10  }
0x32: {  	s10 =	sld [smem:$0x3FB4];
	_ =	sdelay $0x3  }
0x33: {  	p0 =	seq.s32 s10, $0x1;
	s10 =	sld [smem:$0x3FB6];
	_ =	sdelay $0x3  }
0x34: {  	[smem:$0x3FB6] =	sst s10  }
0x35: {  	s10 =	sld [smem:$0x3FB5];
	_ =	sdelay $0x3  }
0x36: {  	p1 =	seq.s32 s10, $0x1;
	s10 =	sld [smem:$0x3FB6];
	_ =	sdelay $0x3  }
0x37: {  	[smem:$0x3FB6] =	sst s10  }
0x38: {  	s10 =	sld [smem:$0x3FB7]  }
0x39: {  	_ = 	snop;
	(pc) =	sbr.ind lr, $3  }
0x3a: {  	_ = 	snop  }
0x3b: {  	_ = 	snop  }
0x3c: {  	p2 =	seq.s32 s10, $0x1;
	s10 =	sld [smem:$0x3FB6]  }
0x3d: {  	_ =	shalt  }
0x3e: {  	_ =	shalt  }
0x3f: {  	_ =	shalt  }
0x40: {  	_ =	shalt  }
0x41: {  	_ =	shalt  }
0x42: {  	_ =	shalt  }
0x43: {  	_ =	shalt  }
0x44: {  	_ =	shalt  }
0x45: {  	_ =	shalt  }
0x46: {  	_ =	shalt  }
0x47: {  	_ =	shalt  }
0x48: {  	_ =	shalt  }
0x49: {  	_ =	shalt  }
0x4a: {  	_ =	shalt  }
0x4b: {  	_ =	shalt  }
0x4c: {  	_ =	shalt  }
0x4d: {  	_ =	shalt  }
0x4e: {  	_ =	shalt  }
0x4f: {  	_ =	shalt  }
0x50: {  	_ =	shalt  }
0x51: {  	_ =	shalt  }
0x52: {  	_ =	shalt  }
0x53: {  	_ =	shalt  }
0x54: {  	_ =	shalt  }
0x55: {  	_ =	shalt  }
0x56: {  	_ =	shalt  }
0x57: {  	_ =	shalt  }
0x58: {  	_ =	shalt  }
0x59: {  	_ =	shalt  }
0x5a: {  	_ =	shalt  }
0x5b: {  	_ =	shalt  }
0x5c: {  	_ =	shalt  }
0x5d: {  	_ =	shalt  }
0x5e: {  	_ =	shalt  }
0x5f: {  	_ =	shalt  }
0x60: {  	_ =	shalt  }
0x61: {  	_ =	shalt  }
0x62: {  	_ =	shalt  }
0x63: {  	_ =	shalt  }
0x64: {  	_ =	shalt  }
0x65: {  	_ =	shalt  }
0x66: {  	_ =	shalt  }
0x67: {  	_ =	shalt  }
0x68: {  	_ =	shalt  }
0x69: {  	_ =	shalt  }
0x6a: {  	_ =	shalt  }
0x6b: {  	_ =	shalt  }
0x6c: {  	_ =	shalt  }
0x6d: {  	_ =	shalt  }
0x6e: {  	_ =	shalt  }
0x6f: {  	_ =	shalt  }
0x70: {  	_ =	shalt  }
0x71: {  	_ =	shalt  }
0x72: {  	_ =	shalt  }
0x73: {  	_ =	shalt  }
0x74: {  	_ =	shalt  }
0x75: {  	_ =	shalt  }
0x76: {  	_ =	shalt  }
0x77: {  	_ =	shalt  }
0x78: {  	_ =	shalt  }
0x79: {  	_ =	shalt  }
0x7a: {  	_ =	shalt  }
0x7b: {  	_ =	shalt  }
0x7c: {  	_ =	shalt  }
0x7d: {  	_ =	shalt  }
0x7e: {  	_ =	shalt  }
0x7f: {  	_ =	shalt  }
0x80: {  	_ =	shalt  }
0x81: {  	_ =	shalt  }
0x82: {  	_ =	shalt  }
0x83: {  	_ =	shalt  }
0x84: {  	_ =	shalt  }
0x85: {  	_ =	shalt  }
0x86: {  	_ =	shalt  }
0x87: {  	_ =	shalt  }
.Lfunc_end0:
.L_simem_size_0:
called_computation_lowered:
.L_overlay_start_0:
0x88: {  	s2 =	sld [smem:$0x3FD9]  }
0x89: {  	s3 =	sld [smem:$0x3FFE];
	_ =	sdelay $0x1  }
0x8a: {  	s1 =	srdreg.scid  }
0x8b: {  	s0 =	sand.u32 $0x1, s1  }
0x8c: {  	s17 =	sshll.u32 s0, $0xA;
	s2 =	sadd.s32 s3, s2  }
0x8d: {  	s2 =	sadd.s32 s2, s17  }
0x8e: {  	[smem:$0x3FC2] =	sst s2  }
0x8f: {  	_ = 	snop  }
0x90: {  	s2 =	sld [smem:$0x3FD0];
	(tm) =	ssettm $0x1  }
0x91: {  	s18 =	sld [smem:$0x3FFB];
	_ =	sdelay $0x3  }
0x92: {  	_ =	strace s18  }
0x93: {  	s3 =	sld [smem:$0x3FFC];
	_ =	sdelay $0x3  }
0x94: {  	_ =	strace s3  }
0x95: {  	s3 =	sld [smem:$0x3FFD];
	_ =	sdelay $0x3  }
0x96: {  	_ =	strace s3  }
0x97: {  	_ =	strace $0x8FFFFFFF  }
0x98: {  	s19 =	sld [smem:$0x3FDB];
	_ =	sdelay $0x1  }
0x99: {  	s4 =	simm.s32 $_scs_section_size  }
0x9a: {  	s5 =	simm.s32 $_size__tile_overlayer_lowered;
	s6 =	simm.s32 $_tile_overlayer_lowered  }
0x9b: {  	s22 =	simm.s32 $0x1BFF;
	s21 =	sshll.u32 s6, $0x1;
	s3 =	sadd.s32 s4, s19  }
0x9c: {  	s7 =	simm.s32 $0x0;
	s20 =	sshll.u32 s5, $0x1;
	s5 =	sadd.s32 s21, s3  }
0x9d: {  	[timem:s7], [sflag:s22] =	dma.local [hbm:s5], s20  }
0x9e: {  	_ =	swait.ge [sflag:s22], s20  }
0x9f: {  	s4 =	ssub.s32 $0x0, s20;
	[sflag:s22] =	ssyncset.done $0x0  }
0xa0: {  	[sflag:s22] =	ssyncadd.s32 s4;
	_ =	sdelay $0x1  }
0xa1: {  	s23 =	simm.s32 $0x1B8B  }
0xa2: {  	_ =	swait.ge [sflag:s23], $0x1  }
0xa3: {  	[sflag:s23] =	ssyncset.done $0x0  }
0xa4: {  	s25 =	simm.s32 $0x1B8E;
	s24 =	sld [smem:$0x3FFE];
	[sflag:s23] =	ssyncadd.s32 $0xFFFFFFFF  }
0xa5: {  	s26 =	simm.s32 $execute0_lowered;
	[smem:$0x3FD2] =	sst s25  }
0xa6: {  	s5 =	sshll.u32 s26, $0x1;
	_ =	strace $0x80000046;
	[dreg:$0x1] =	wrdreg $0xFFFFFFFF  }
0xa7: {  	s28 =	simm.s32 $_size_execute0_lowered;
	s3 =	sadd.s32 s3, s5;
	[dreg:$0x0] =	wrdreg $0x0  }
0xa8: {  	s5 =	sshll.u32 s28, $0x1;
	[dreg:$0x2] =	wrdreg s3  }
0xa9: {  	[dreg:$0x3] =	wrdreg s5  }
0xaa: {  	[dreg:$0x4] =	wrdreg $0xC0  }
0xab: {  	_ =	task [dreg:s7], $0x5FFFF  }
0xac: {  	[dreg:$0x1] =	wrdreg $0xFFFFFFFF  }
0xad: {  	[dreg:$0x0] =	wrdreg $0x60  }
0xae: {  	[dreg:$0x2] =	wrdreg s2  }
0xaf: {  	[dreg:$0x3] =	wrdreg s24  }
0xb0: {  	[dreg:$0x4] =	wrdreg $0x37000  }
0xb1: {  	[dreg:$0x5] =	wrdreg $0x9  }
0xb2: {  	_ =	task.clear_ibuf [dreg:s7], $0x6FFFF;
	_ =	strace $0x90000046  }
0xb3: {  	s29 =	simm.s32 $0x9;
	_ =	strace $0x80000048  }
0xb4: {  	_ =	swait.ge [sflag:s29], $0x1  }
0xb5: {  	[sflag:s29] =	ssyncadd.s32 $0xFFFFFFFF  }
0xb6: {  	_ =	strace $0x90000048  }
0xb7: {  	_ =	sfence  }
0xb8: {  	s30 =	sld [smem:$0x0];
	_ =	sdelay $0x2  }
0xb9: {  	s31 =	sshll.u32 s1, $0xD;
	s1 =	sshrl.u32 s1, $0x2  }
0xba: {  	s3 =	sand.u32 $0x4000, s31;
	s1 =	sadd.s32 s1, s30  }
0xbb: {  	s0 =	sor.u32 s3, s0;
	s1 =	sshll.u32 s1, $0x11  }
0xbc: {  	s0 =	sor.u32 s1, s0  }
0xbd: {  	s0 =	sadd.s32 $0x8F2B, s0  }
0xbe: {  	[sflag:s0] =	ssyncadd.remote.s32 $0x1  }
0xbf: {  	_ =	sfence.sel $0xFFFF  }
0xc0: {  	[dreg:$0x0] =	wrdreg $0xFFFFFFFF;
	(pc) =	sbr.abs _section_cstart, $3  }
0xc1: {  	[dreg:$0x1] =	wrdreg $0xFFFFFFFF  }
0xc2: {  	_ =	task.clear_ibuf [dreg:s7], $0x2FFFF;
	_ =	strace $0x9FFFFFFF  }
0xc3: {  	(tm) =	ssettm $0x7FFFFFFF  }
tec
execute0_lowered:
.L_overlay_start_1:
0x0: {  	(tag) =	ssettag $0x1  }
0x1: {  	s5 =	rddreg [dreg:$0x0]  }
0x2: {  	s4 =	rddreg [dreg:$0x1]  }
0x3: {  	s1 =	srdreg.scid;
	s0 =	stileid.u32  }
0x4: {  	s2 =	rddreg [dreg:$0x2];
	s3 =	simm.s32 $0x0;
	s11 =	simm.s32 $0x64  }
0x5: {  	s12 =	simm.s32 $0x100;
	s13 =	simm.s32 $0x180;
	s14 =	simm.s32 $0x200  }
0x6: {  	s15 =	simm.s32 $0x280;
	s16 =	simm.s32 $0x1;
	s19 =	simm.s32 $0x20  }
0x7: {  	s20 =	simm.s32 $0x10;
	s21 =	simm.s32 $0x0;
	s7 =	smul.u32 $0x500, s0  }
0x8: {  	s6 =	sand.u32 $0x1, s1;
	s1 =	rddreg [dreg:$0x3];
	s9 =	smul.u32 $0xA00, s0  }
0x9: {  	[smem:$0x7FF] =	sst s3;
	s10 =	smul.u32 $0x3400, s0;
	s17 =	sshll.u32 s0, $0x6  }
0xa: {  	s8 =	sshll.u32 s6, $0x7;
	s28 =	smul.u32 $0x34000, s6;
	_ =	strace $0x80000047  }
0xb: {  	s29 =	ssub.s32 $0x2, s6;
	s17 =	sor.u32 $0x1C02, s17;
	s7 =	sor.u32 s8, s7  }
0xc: {  	s6 =	sshrl.u32 s29, $0x1;
	s9 =	sshrl.u32 s9, $0x2;
	s7 =	sshrl.u32 s7, $0x3  }
0xd: {  	s8 =	sadd.s32 s10, s28;
	s30 =	ssub.s32 s29, s6;
	s10 =	simm.s32 $0x80  }
0xe: {  	s7 =	sadd.s32 s7, s4;
	s4 =	sadd.s32 s9, s2;
	s31 =	sshrl.u32 s8, $0x3  }
0xf: {  	s8 =	simm.s32 $0x3480;
	s9 =	simm.s32 $0x2;
	s5 =	sadd.s32 s5, s31  }
0x10: {  	v0 =	vimm.f32 $1.000000000e+00;
	v1 =	vimm.f32 $0.0e+00;
	s6 =	sadd.s32 $0x1800, s7;
	s7 =	smax.u32 s30, $0x1;
	s18 =	sshrl.u32 s4, $0x3  }
.LBB2_1:
0x11: {  	[tilespmem:$0x0] =	vst v0  }
0x12: {  	[tilespmem:$0x10] =	vst v0  }
0x13: {  	[tilespmem:$0x20] =	vst v0  }
0x14: {  	[tilespmem:$0x30] =	vst v0  }
0x15: {  	[tilespmem:$0x40] =	vst v0  }
0x16: {  	[tilespmem:$0x50] =	vst v0  }
0x17: {  	[tilespmem:$0x60] =	vst v0  }
0x18: {  	[tilespmem:$0x3480] =	vst v1  }
0x19: {  	[tilespmem:$0x3490] =	vst v1  }
0x1a: {  	[tilespmem:$0x34A0] =	vst v1  }
0x1b: {  	[tilespmem:$0x34B0] =	vst v1  }
0x1c: {  	[tilespmem:$0x34C0] =	vst v1  }
0x1d: {  	[tilespmem:$0x34D0] =	vst v1  }
0x1e: {  	[tilespmem:$0x34E0] =	vst v1  }
0x1f: {  	[tilespmem:$0x34F0] =	vst v1  }
0x20: {  	[tilespmem:$0x3500] =	vst v1  }
0x21: {  	[tilespmem:$0x3510] =	vst v1  }
0x22: {  	[tilespmem:$0x3520] =	vst v1  }
0x23: {  	[tilespmem:$0x3530] =	vst v1  }
0x24: {  	[tilespmem:$0x3540] =	vst v1  }
0x25: {  	[tilespmem:$0x3550] =	vst v1  }
0x26: {  	[tilespmem:$0x3560] =	vst v1  }
0x27: {  	[tilespmem:$0x3570] =	vst v1  }
0x28: {  	[tilespmem:$0x3580] =	vst v1  }
0x29: {  	[tilespmem:$0x3590] =	vst v1  }
0x2a: {  	[tilespmem:$0x35A0] =	vst v1  }
0x2b: {  	[tilespmem:$0x35B0] =	vst v1  }
0x2c: {  	[tilespmem:$0x35C0] =	vst v1  }
0x2d: {  	[tilespmem:$0x35D0] =	vst v1  }
0x2e: {  	[tilespmem:$0x35E0] =	vst v1  }
0x2f: {  	[tilespmem:$0x35F0] =	vst v1  }
0x30: {  	[tilespmem:$0x3600] =	vst v1  }
0x31: {  	[tilespmem:$0x3610] =	vst v1  }
0x32: {  	[tilespmem:$0x3620] =	vst v1  }
0x33: {  	[tilespmem:$0x3630] =	vst v1  }
0x34: {  	[tilespmem:$0x3640] =	vst v1  }
0x35: {  	[tilespmem:$0x3650] =	vst v1  }
0x36: {  	[tilespmem:$0x3660] =	vst v1  }
0x37: {  	[tilespmem:$0x3670] =	vst v1  }
0x38: {  	[tilespmem:$0x3680] =	vst v1  }
0x39: {  	[tilespmem:$0x3690] =	vst v1  }
0x3a: {  	[tilespmem:$0x36A0] =	vst v1  }
0x3b: {  	[tilespmem:$0x36B0] =	vst v1  }
0x3c: {  	[tilespmem:$0x36C0] =	vst v1  }
0x3d: {  	[tilespmem:$0x36D0] =	vst v1  }
0x3e: {  	[tilespmem:$0x36E0] =	vst v1  }
0x3f: {  	[tilespmem:$0x36F0] =	vst v1  }
0x40: {  	[spmem:s4] =	stream.linear.scatter [tilespmem:s8], [sflag:$0x2], $0x280, $0x38;
	[tilespmem:$0x3980] =	vst v63  }
0x41: {  	_ =	swait.ge [sflag:s9], $0x280  }
0x42: {  	[sflag:s9] =	ssyncset.done $0x0  }
0x43: {  	[sflag:s9] =	ssyncadd.s32 $0xFFFFFD80  }
0x44: {  	[bflag:$0x0] =	sbarrier.arrive $0xFFFF  }
0x45: {  	[tilespmem:s10], [sflag:$0x2] =	stream.linear.gather [hbm4b:s5+s3], $0x3200, $0x38;
	[tilespmem:$0x3980] =	vst v63  }
0x46: {  	_ =	swait.ge [sflag:s9], $0x3200  }
0x47: {  	[sflag:s9] =	ssyncset.done $0x0  }
0x48: {  	[sflag:s9] =	ssyncadd.s32 $0xFFFFCE00  }
0x49: {  	[spmem:s2] =	stream.indirect.scatter.add.f32 [tilespmem:s3], [sflag:$0x1], $0x1, s10, s11, $0xb8;
	[tilespmem:$0x3980] =	vst v63  }
0x4a: {  	_ = 	snop  }
0x4b: {  	[spmem:s2] =	stream.indirect.scatter.add.f32 [tilespmem:s3], [sflag:$0x1], $0x1, s12, s11, $0xb8;
	[tilespmem:$0x3980] =	vst v63  }
0x4c: {  	_ = 	snop  }
0x4d: {  	[spmem:s2] =	stream.indirect.scatter.add.f32 [tilespmem:s3], [sflag:$0x1], $0x1, s13, s11, $0xb8;
	[tilespmem:$0x3980] =	vst v63  }
0x4e: {  	_ = 	snop  }
0x4f: {  	[spmem:s2] =	stream.indirect.scatter.add.f32 [tilespmem:s3], [sflag:$0x1], $0x1, s14, s11, $0xb8;
	[tilespmem:$0x3980] =	vst v63  }
0x50: {  	_ = 	snop  }
0x51: {  	[spmem:s2] =	stream.indirect.scatter.add.f32 [tilespmem:s3], [sflag:$0x1], $0x1, s15, s11, $0xb8;
	[tilespmem:$0x3980] =	vst v63  }
0x52: {  	s22 =	simm.s32 $0x300  }
0x53: {  	[spmem:s2] =	stream.indirect.scatter.add.f32 [tilespmem:s3], [sflag:$0x1], $0x1, s22, s11, $0xb8;
	[tilespmem:$0x3980] =	vst v63  }
0x54: {  	s28 =	simm.s32 $0x380  }
0x55: {  	[spmem:s2] =	stream.indirect.scatter.add.f32 [tilespmem:s3], [sflag:$0x1], $0x1, s28, s11, $0xb8;
	[tilespmem:$0x3980] =	vst v63  }
0x56: {  	s29 =	simm.s32 $0x400  }
0x57: {  	[spmem:s2] =	stream.indirect.scatter.add.f32 [tilespmem:s3], [sflag:$0x1], $0x1, s29, s11, $0xb8;
	[tilespmem:$0x3980] =	vst v63  }
0x58: {  	s30 =	simm.s32 $0x480  }
0x59: {  	[spmem:s2] =	stream.indirect.scatter.add.f32 [tilespmem:s3], [sflag:$0x1], $0x1, s30, s11, $0xb8;
	[tilespmem:$0x3980] =	vst v63  }
0x5a: {  	s31 =	simm.s32 $0x500  }
0x5b: {  	[spmem:s2] =	stream.indirect.scatter.add.f32 [tilespmem:s3], [sflag:$0x1], $0x1, s31, s11, $0xb8;
	[tilespmem:$0x3980] =	vst v63  }
0x5c: {  	_ =	swait.ge [sflag:s16], $0x64  }
0x5d: {  	[sflag:s16] =	ssyncset.done $0x0  }
0x5e: {  	[sflag:s16] =	ssyncadd.s32 $0xFFFFFF9C  }
0x5f: {  	_ =	swait.ge [sflag:s16], $0x64  }
0x60: {  	[sflag:s16] =	ssyncset.done $0x0  }
0x61: {  	[sflag:s16] =	ssyncadd.s32 $0xFFFFFF9C  }
0x62: {  	_ =	swait.ge [sflag:s16], $0x64  }
0x63: {  	[sflag:s16] =	ssyncset.done $0x0  }
0x64: {  	[sflag:s16] =	ssyncadd.s32 $0xFFFFFF9C  }
0x65: {  	_ =	swait.ge [sflag:s16], $0x64  }
0x66: {  	[sflag:s16] =	ssyncset.done $0x0  }
0x67: {  	[sflag:s16] =	ssyncadd.s32 $0xFFFFFF9C  }
0x68: {  	_ =	swait.ge [sflag:s16], $0x64  }
0x69: {  	s23 =	simm.s32 $0xFFFF5600;
	s22 =	simm.s32 $0xFFFFD300;
	[sflag:s16] =	ssyncset.done $0x0  }
.LBB2_2:
0x6a: {  	s24 =	sadd.s32 $0x3280, s22  }
0x6b: {  	[sflag:s16] =	ssyncadd.s32 $0xFFFFFF9C;
	s25 =	smov.u32 s23;
	s26 =	sadd.s32 $0xA00, s23  }
0x6c: {  	[spmem:s2] =	stream.indirect.scatter.add.f32 [tilespmem:s3], [sflag:$0x1], $0x1, s24, s11, $0xb8;
	[tilespmem:$0x3980] =	vst v63  }
0x6d: {  	p0 =	sne.s32 s23, $0xFFFFF600;
	s23 =	sadd.s32 $0x3300, s22  }
0x6e: {  	[spmem:s2] =	stream.indirect.scatter.add.f32 [tilespmem:s3], [sflag:$0x1], $0x1, s23, s11, $0xb8;
	[tilespmem:$0x3980] =	vst v63  }
0x6f: {  	s23 =	sadd.s32 $0x3380, s22  }
0x70: {  	[spmem:s2] =	stream.indirect.scatter.add.f32 [tilespmem:s3], [sflag:$0x1], $0x1, s23, s11, $0xb8;
	[tilespmem:$0x3980] =	vst v63  }
0x71: {  	s23 =	sadd.s32 $0x3400, s22  }
0x72: {  	[spmem:s2] =	stream.indirect.scatter.add.f32 [tilespmem:s3], [sflag:$0x1], $0x1, s23, s11, $0xb8;
	[tilespmem:$0x3980] =	vst v63  }
0x73: {  	s22 =	sadd.s32 $0x3480, s22  }
0x74: {  	[spmem:s2] =	stream.indirect.scatter.add.f32 [tilespmem:s3], [sflag:$0x1], $0x1, s22, s11, $0xb8;
	[tilespmem:$0x3980] =	vst v63  }
0x75: {  	_ =	swait.ge [sflag:s16], $0x64  }
0x76: {  	[sflag:s16] =	ssyncset.done $0x0  }
0x77: {  	[sflag:s16] =	ssyncadd.s32 $0xFFFFFF9C  }
0x78: {  	_ =	swait.ge [sflag:s16], $0x64  }
0x79: {  	[sflag:s16] =	ssyncset.done $0x0  }
0x7a: {  	[sflag:s16] =	ssyncadd.s32 $0xFFFFFF9C  }
0x7b: {  	_ =	swait.ge [sflag:s16], $0x64  }
0x7c: {  	[sflag:s16] =	ssyncset.done $0x0  }
0x7d: {  	[sflag:s16] =	ssyncadd.s32 $0xFFFFFF9C  }
.Ltmp0:
0x7e: {  	_ =	swait.ge [sflag:s16], $0x64;
	(pc) =	sbr.rel @p0 .LBB2_2-.Ltmp0, $4  }
0x7f: {  	[sflag:s16] =	ssyncset.done $0x0  }
0x80: {  	[sflag:s16] =	ssyncadd.s32 $0xFFFFFF9C  }
0x81: {  	_ =	swait.ge [sflag:s16], $0x64  }
0x82: {  	s23 =	smov.u32 s26;
	s22 =	sshra.s32 s25, $0x2;
	[sflag:s16] =	ssyncset.done $0x0  }
0x83: {  	s23 =	sadd.s32 $0x3280, s22;
	[sflag:s16] =	ssyncadd.s32 $0xFFFFFF9C  }
0x84: {  	[spmem:s2] =	stream.indirect.scatter.add.f32 [tilespmem:s3], [sflag:$0x1], $0x1, s23, s11, $0xb8;
	[tilespmem:$0x3980] =	vst v63  }
0x85: {  	s28 =	sadd.s32 $0x3300, s22  }
0x86: {  	[spmem:s2] =	stream.indirect.scatter.add.f32 [tilespmem:s3], [sflag:$0x1], $0x1, s28, s11, $0xb8;
	[tilespmem:$0x3980] =	vst v63  }
0x87: {  	s29 =	sadd.s32 $0x3380, s22  }
0x88: {  	[spmem:s2] =	stream.indirect.scatter.add.f32 [tilespmem:s3], [sflag:$0x1], $0x1, s29, s11, $0xb8;
	[tilespmem:$0x3980] =	vst v63  }
0x89: {  	s30 =	sadd.s32 $0x3400, s22  }
0x8a: {  	[spmem:s2] =	stream.indirect.scatter.add.f32 [tilespmem:s3], [sflag:$0x1], $0x1, s30, s11, $0xb8;
	[tilespmem:$0x3980] =	vst v63  }
0x8b: {  	s31 =	sadd.s32 $0x3480, s22  }
0x8c: {  	[spmem:s2] =	stream.indirect.scatter.add.f32 [tilespmem:s3], [sflag:$0x1], $0x1, s31, s11, $0xb8;
	[tilespmem:$0x3980] =	vst v63  }
0x8d: {  	_ =	swait.ge [sflag:s16], $0x64  }
0x8e: {  	[sflag:s16] =	ssyncset.done $0x0  }
0x8f: {  	[sflag:s16] =	ssyncadd.s32 $0xFFFFFF9C  }
0x90: {  	_ =	swait.ge [sflag:s16], $0x64  }
0x91: {  	[sflag:s16] =	ssyncset.done $0x0  }
0x92: {  	[sflag:s16] =	ssyncadd.s32 $0xFFFFFF9C  }
0x93: {  	_ =	swait.ge [sflag:s16], $0x64  }
0x94: {  	[sflag:s16] =	ssyncset.done $0x0  }
0x95: {  	[sflag:s16] =	ssyncadd.s32 $0xFFFFFF9C  }
0x96: {  	_ =	swait.ge [sflag:s16], $0x64  }
0x97: {  	[sflag:s16] =	ssyncset.done $0x0  }
0x98: {  	[sflag:s16] =	ssyncadd.s32 $0xFFFFFF9C  }
0x99: {  	_ =	swait.ge [sflag:s16], $0x64  }
0x9a: {  	[sflag:s16] =	ssyncset.done $0x0  }
0x9b: {  	[sflag:s16] =	ssyncadd.s32 $0xFFFFFF9C  }
0x9c: {  	_ =	swait.ge [sflag:s16], $0x64  }
0x9d: {  	[sflag:s16] =	ssyncset.done $0x0  }
0x9e: {  	[sflag:s16] =	ssyncadd.s32 $0xFFFFFF9C  }
0x9f: {  	_ =	swait.ge [sflag:s16], $0x64  }
0xa0: {  	[sflag:s16] =	ssyncset.done $0x0  }
0xa1: {  	[sflag:s16] =	ssyncadd.s32 $0xFFFFFF9C  }
0xa2: {  	_ =	swait.ge [sflag:s16], $0x64  }
0xa3: {  	[sflag:s16] =	ssyncset.done $0x0  }
0xa4: {  	[sflag:s16] =	ssyncadd.s32 $0xFFFFFF9C  }
0xa5: {  	_ =	swait.ge [sflag:s16], $0x64  }
0xa6: {  	[sflag:s16] =	ssyncset.done $0x0  }
0xa7: {  	[sflag:s16] =	ssyncadd.s32 $0xFFFFFF9C  }
0xa8: {  	_ =	swait.ge [sflag:s16], $0x64  }
0xa9: {  	s21 =	sadd.s32 $0x1, s21;
	[sflag:s16] =	ssyncset.done $0x0  }
0xaa: {  	p0 =	sne.s32 s21, s7;
	[sflag:s16] =	ssyncadd.s32 $0xFFFFFF9C  }
.Ltmp1:
0xab: {  	[bflag:$0x0] =	sbarrier.arrive $0xFFFF;
	(pc) =	sbr.rel @p0 .LBB2_1-.Ltmp1, $4  }
0xac: {  	[hbm:s6@s19], [sflag:s17] =	dma.strided [spmem:s18@s20], $0x50, s16, $0x10   }
0xad: {  	_ =	swait.ge [sflag:s9], $0x50  }
0xae: {  	[sflag:s9] =	ssyncset.done $0x0  }
0xaf: {  	[sflag:s9] =	ssyncadd.s32 $0xFFFFFFB0  }
0xb0: {  	_ =	sfence.sel $0x180000  }
0xb1: {  	[bflag:$0x0] =	sbarrier.arrive $0xFFFF  }
0xb2: {  	p0 =	sne.s32 s0, $0x0;
	_ =	strace $0x90000047  }
0xb3: {  	s0 =	sadd.s32 @!p0 $0x100000, s1;
	[bflag:$0x2] =	sbarrier.arrive $0xFFFF  }
0xb4: {  	[sflag:s0] =	ssyncadd.tile.s32 @!p0 $0x1;
	_ =	shalt  }
.Lfunc_end2:
_tile_overlayer_lowered:
.L_overlay_start_2:
0xb5: {  	(tag) =	ssettag $0x2  }
0xb6: {  	s0 =	rddreg [dreg:$0x0];
	s2 =	stileid.u32  }
0xb7: {  	s1 =	rddreg [dreg:$0x1];
	p0 =	sne.s32 s2, $0x0  }
0xb8: {  	s3 =	rddreg [dreg:$0x2];
	[bflag:$0x3] =	sbarrier.arrive $0xFFFF;
	s2 =	simm.s32 @!p0 $0x1C02  }
0xb9: {  	[timem:s3], [sflag:s2] =	dma.local @!p0 [hbm:s0], s1  }
0xba: {  	s0 =	simm.s32 @!p0 $0x2  }
0xbb: {  	_ =	swait.ge @!p0 [sflag:s0], s1  }
0xbc: {  	s1 =	ssub.s32 @!p0 $0x0, s1;
	[sflag:s0] =	ssyncset.done @!p0 $0x0  }
0xbd: {  	[sflag:s0] =	ssyncadd.s32 @!p0 s1  }
0xbe: {  	[bflag:$0x3] =	sbarrier.arrive $0xFFFF  }
0xbf: {  	_ =	shalt  }

</sc_bundles>
